<compile_context>
chip_gen: v7x
topology: tpu7x:2x2x1
jax: 0.10.2.dev20260603
libtpu: 0.0.44.dev20260713+nightly
codegen_flags: <defaults>
</compile_context>

<pallas_src>
import functools

import jax
import jax.numpy as jnp
from jax import lax
from jax.experimental import pallas as pl
from jax.experimental.pallas import tpu as pltpu
from jax.experimental.pallas import tpu_sc as plsc

_LANES = 16


@functools.lru_cache(maxsize=None)
def _build(H_s, W_s, D_half):
    info = plsc.get_sparse_core_info()
    NC, NS = info.num_cores, info.num_subcores
    NW = NC * NS
    assert H_s % NW == 0
    HPW = H_s // NW
    D = 2 * D_half
    n_vr = D_half // _LANES

    mesh = plsc.VectorSubcoreMesh(core_axis_name="c", subcore_axis_name="s")

    HW2 = W_s // 2

    @functools.partial(
        pl.kernel,
        out_type=jax.ShapeDtypeStruct((H_s * W_s, D), jnp.float32),
        mesh=mesh,
        scratch_types=[
            pltpu.VMEM((W_s, D_half), jnp.float32),
            pltpu.VMEM((HPW, D_half), jnp.float32),
            pltpu.VMEM((HW2, D), jnp.float32),
            pltpu.VMEM((HW2, D), jnp.float32),
            pltpu.SemaphoreType.DMA,
            pltpu.SemaphoreType.DMA,
        ],
    )
    def k(row_hbm, col_hbm, out_hbm, col_v, row_v, buf_t, buf_b, sem_t, sem_b):
        wid = lax.axis_index("s") * NC + lax.axis_index("c")
        h0 = wid * HPW
        pltpu.sync_copy(col_hbm, col_v)
        pltpu.sync_copy(row_hbm.at[pl.ds(h0, HPW)], row_v)

        def fill_left(w, _):
            for c in range(n_vr):
                buf_t[w, pl.ds(c * _LANES, _LANES)] = col_v[w, pl.ds(c * _LANES, _LANES)]
                buf_b[w, pl.ds(c * _LANES, _LANES)] = col_v[HW2 + w, pl.ds(c * _LANES, _LANES)]
            return 0

        lax.fori_loop(0, HW2, fill_left, 0)

        cp_t = cp_b = None
        for hl in range(HPW):
            rv = [row_v[hl, pl.ds(c * _LANES, _LANES)] for c in range(n_vr)]

            def fill_right(w, _, buf=buf_t, rv=rv):
                for c in range(n_vr):
                    buf[w, pl.ds(D_half + c * _LANES, _LANES)] = rv[c]
                return 0

            if cp_t is not None:
                cp_t.wait()
            lax.fori_loop(0, HW2, fill_right, 0)
            cp_t = pltpu.async_copy(
                buf_t, out_hbm.at[pl.ds((h0 + hl) * W_s, HW2), :], sem_t)

            if cp_b is not None:
                cp_b.wait()
            lax.fori_loop(0, HW2, functools.partial(fill_right, buf=buf_b, rv=rv), 0)
            cp_b = pltpu.async_copy(
                buf_b, out_hbm.at[pl.ds((h0 + hl) * W_s + HW2, HW2), :], sem_b)

        cp_t.wait()
        cp_b.wait()

    return k


def kernel(H, W, row_embed, col_embed):
    H_s, W_s = row_embed.shape[0], col_embed.shape[0]
    D_half = row_embed.shape[1]
    return _build(H_s, W_s, D_half)(row_embed, col_embed)

# --- scband reference (transcript-rebuilt; emitter-appended) ---
"""Pipeline reference for scband-positional-encoding2-d-15899968930038 (READ-ONLY COPY).

The authoritative reference and input builder live on the scoring server;
editing this copy changes nothing except your own understanding.
"""

import jax, jax.numpy as jnp
import numpy as np

D_MODEL = 256
HEIGHT = 256
WIDTH = 256


def setup_inputs(seed: int = 0) -> dict:
    key = jax.random.key(seed)
    k1, k2 = jax.random.split(key)
    # nn.init.uniform_ default is U[0, 1)
    row_embed = jax.random.uniform(k1, (HEIGHT, D_MODEL // 2), dtype=jnp.float32)
    col_embed = jax.random.uniform(k2, (WIDTH, D_MODEL // 2), dtype=jnp.float32)
    return {"H": 256, "W": 256, "row_embed": row_embed, "col_embed": col_embed}


def reference(H, W, row_embed, col_embed):
    H_s = row_embed.shape[0]
    W_s = col_embed.shape[0]
    # i = torch.arange(W); j = torch.arange(H)
    i = jnp.arange(W_s, dtype=jnp.int32) + (jnp.asarray(W, jnp.int32) - W_s)
    j = jnp.arange(H_s, dtype=jnp.int32) + (jnp.asarray(H, jnp.int32) - H_s)
    # embedding lookups (gathers)
    x_emb = jnp.take(col_embed, i, axis=0)  # [W, d_model//2]
    y_emb = jnp.take(row_embed, j, axis=0)  # [H, d_model//2]
    # x_emb.unsqueeze(0).repeat(H,1,1) and y_emb.unsqueeze(1).repeat(1,W,1)
    x_rep = jnp.broadcast_to(x_emb[None, :, :], (H_s, W_s, x_emb.shape[-1]))
    y_rep = jnp.broadcast_to(y_emb[:, None, :], (H_s, W_s, y_emb.shape[-1]))
    pos = jnp.concatenate([x_rep, y_rep], axis=-1)  # [H, W, d_model]
    return pos.reshape(H_s * W_s, pos.shape[-1])  # flatten(0,1)

if __name__ == "__main__":
    import jax
    _d = setup_inputs()
    print(jax.jit(kernel)(*tuple(_d.values())))

</pallas_src>

<mosaic_0001>
#map = affine_map<(d0, d1) -> (0, 0)>
module attributes {stable_mosaic.version = 14 : i64} {
  func.func @k(%arg0: i32, %arg1: i32, %arg2: memref<256x128xf32, #tpu.memory_space<hbm>>, %arg3: memref<256x128xf32, #tpu.memory_space<hbm>>, %arg4: memref<65536x256xf32, #tpu.memory_space<hbm>>, %arg5: memref<256x128xf32, #tpu.memory_space<vmem>>, %arg6: memref<8x128xf32, #tpu.memory_space<vmem>>, %arg7: memref<128x256xf32, #tpu.memory_space<vmem>>, %arg8: memref<128x256xf32, #tpu.memory_space<vmem>>, %arg9: memref<!tpu.dma_semaphore, #tpu.memory_space<semaphore_mem>>, %arg10: memref<!tpu.dma_semaphore, #tpu.memory_space<semaphore_mem>>) attributes {dimension_semantics = [#tpu.dimension_semantics<core_parallel>, #tpu.dimension_semantics<subcore_parallel>], iteration_bounds = array<i64: 2, 16>, scalar_prefetch = 0 : i64, scratch_operands = 6 : i64, tpu.core_type = #tpu.core_type<sc_vector_subcore>, window_params = [{transform_indices = #map}, {transform_indices = #map}, {transform_indices = #map}]} {
    %mul3A = arith.constant 2 : i32
    %mul3A_0 = arith.muli %arg1, %mul3A : i32
    %add3A = arith.addi %mul3A_0, %arg0 : i32
    %mul3A_1 = arith.constant 8 : i32
    %mul3A_2 = arith.muli %add3A, %mul3A_1 : i32
    "tpu.region"() ({
      %run_scoped3A = tpu.sem_alloc : memref<!tpu.dma_semaphore, #tpu.memory_space<semaphore_mem>>
      tpu.enqueue_dma source(%arg3 : memref<256x128xf32, #tpu.memory_space<hbm>>) target(%arg5 : memref<256x128xf32, #tpu.memory_space<vmem>>) target_semaphore(%run_scoped3A : memref<!tpu.dma_semaphore, #tpu.memory_space<semaphore_mem>>)
      tpu.wait_dma2 semaphore(%run_scoped3A : memref<!tpu.dma_semaphore, #tpu.memory_space<semaphore_mem>>) src(%arg3 : memref<256x128xf32, #tpu.memory_space<hbm>>) dst(%arg5 : memref<256x128xf32, #tpu.memory_space<vmem>>)
      tpu.yield
    }) : () -> ()
    "tpu.region"() ({
      %run_scoped3A = tpu.sem_alloc : memref<!tpu.dma_semaphore, #tpu.memory_space<semaphore_mem>>
      %dma_start3A_646 = arith.constant 0 : i32
      %dma_start3A_647 = tpu.memref_slice %arg2[%mul3A_2, %dma_start3A_646] : memref<256x128xf32, #tpu.memory_space<hbm>> -> memref<8x128xf32, #tpu.memory_space<hbm>>
      %dma_start3A_648 = arith.constant 0 : i32
      %dma_start3A_649 = tpu.memref_slice %arg2[%mul3A_2, %dma_start3A_648] : memref<256x128xf32, #tpu.memory_space<hbm>> -> memref<8x128xf32, #tpu.memory_space<hbm>>
      tpu.enqueue_dma source(%dma_start3A_649 : memref<8x128xf32, #tpu.memory_space<hbm>>) target(%arg6 : memref<8x128xf32, #tpu.memory_space<vmem>>) target_semaphore(%run_scoped3A : memref<!tpu.dma_semaphore, #tpu.memory_space<semaphore_mem>>)
      %dma_wait3A_650 = arith.constant 0 : i32
      %dma_wait3A_651 = tpu.memref_slice %arg2[%mul3A_2, %dma_wait3A_650] : memref<256x128xf32, #tpu.memory_space<hbm>> -> memref<8x128xf32, #tpu.memory_space<hbm>>
      %dma_wait3A_652 = arith.constant 0 : i32
      %dma_wait3A_653 = tpu.memref_slice %arg2[%mul3A_2, %dma_wait3A_652] : memref<256x128xf32, #tpu.memory_space<hbm>> -> memref<8x128xf32, #tpu.memory_space<hbm>>
      tpu.wait_dma2 semaphore(%run_scoped3A : memref<!tpu.dma_semaphore, #tpu.memory_space<semaphore_mem>>) src(%dma_wait3A_653 : memref<8x128xf32, #tpu.memory_space<hbm>>) dst(%arg6 : memref<8x128xf32, #tpu.memory_space<vmem>>)
      tpu.yield
    }) : () -> ()
    %scan3A = arith.constant 0 : i32
    %scan3A_3 = arith.constant 0 : i32
    %scan3A_4 = arith.constant 128 : i32
    %scan3A_5 = arith.addi %scan3A_3, %scan3A_4 : i32
    %scan3A_6 = arith.constant 1 : i32
    %scan3A_7 = scf.for %scan3A_646 = %scan3A_3 to %scan3A_5 step %scan3A_6 iter_args(%scan3A_647 = %scan3A) -> (i32)  : i32 {
      %get3A_648 = arith.index_cast %scan3A_646 : i32 to index
      %get3A_649 = arith.constant 0 : index
      %get3A_650 = tpu.vector_load %arg5[%get3A_648, %get3A_649] {strides = array<i32>} : memref<256x128xf32, #tpu.memory_space<vmem>>, vector<1x16xf32>,
      %get3A_651 = vector.shape_cast %get3A_650 : vector<1x16xf32> to vector<16xf32>
      %swap3A = arith.index_cast %scan3A_646 : i32 to index
      %swap3A_652 = arith.constant 0 : index
      %swap3A_653 = tpu.vector_load %arg7[%swap3A, %swap3A_652] {strides = array<i32>} : memref<128x256xf32, #tpu.memory_space<vmem>>, vector<1x16xf32>,
      %swap3A_654 = vector.shape_cast %swap3A_653 : vector<1x16xf32> to vector<16xf32>
      %swap3A_655 = vector.shape_cast %get3A_651 : vector<16xf32> to vector<1x16xf32>
      tpu.vector_store %arg7[%swap3A, %swap3A_652], %swap3A_655 {strides = array<i32>} : memref<128x256xf32, #tpu.memory_space<vmem>>, vector<1x16xf32>,
      %add3A_656 = arith.constant 128 : i32
      %add3A_657 = arith.addi %add3A_656, %scan3A_646 : i32
      %get3A_658 = arith.index_cast %add3A_657 : i32 to index
      %get3A_659 = arith.constant 0 : index
      %get3A_660 = tpu.vector_load %arg5[%get3A_658, %get3A_659] {strides = array<i32>} : memref<256x128xf32, #tpu.memory_space<vmem>>, vector<1x16xf32>,
      %get3A_661 = vector.shape_cast %get3A_660 : vector<1x16xf32> to vector<16xf32>
      %swap3A_662 = arith.index_cast %scan3A_646 : i32 to index
      %swap3A_663 = arith.constant 0 : index
      %swap3A_664 = tpu.vector_load %arg8[%swap3A_662, %swap3A_663] {strides = array<i32>} : memref<128x256xf32, #tpu.memory_space<vmem>>, vector<1x16xf32>,
      %swap3A_665 = vector.shape_cast %swap3A_664 : vector<1x16xf32> to vector<16xf32>
      %swap3A_666 = vector.shape_cast %get3A_661 : vector<16xf32> to vector<1x16xf32>
      tpu.vector_store %arg8[%swap3A_662, %swap3A_663], %swap3A_666 {strides = array<i32>} : memref<128x256xf32, #tpu.memory_space<vmem>>, vector<1x16xf32>,
      %get3A_667 = arith.index_cast %scan3A_646 : i32 to index
      %get3A_668 = arith.constant 16 : index
      %get3A_669 = tpu.vector_load %arg5[%get3A_667, %get3A_668] {strides = array<i32>} : memref<256x128xf32, #tpu.memory_space<vmem>>, vector<1x16xf32>,
      %get3A_670 = vector.shape_cast %get3A_669 : vector<1x16xf32> to vector<16xf32>
      %swap3A_671 = arith.index_cast %scan3A_646 : i32 to index
      %swap3A_672 = arith.constant 16 : index
      %swap3A_673 = tpu.vector_load %arg7[%swap3A_671, %swap3A_672] {strides = array<i32>} : memref<128x256xf32, #tpu.memory_space<vmem>>, vector<1x16xf32>,
      %swap3A_674 = vector.shape_cast %swap3A_673 : vector<1x16xf32> to vector<16xf32>
      %swap3A_675 = vector.shape_cast %get3A_670 : vector<16xf32> to vector<1x16xf32>
      tpu.vector_store %arg7[%swap3A_671, %swap3A_672], %swap3A_675 {strides = array<i32>} : memref<128x256xf32, #tpu.memory_space<vmem>>, vector<1x16xf32>,
      %add3A_676 = arith.constant 128 : i32
      %add3A_677 = arith.addi %add3A_676, %scan3A_646 : i32
      %get3A_678 = arith.index_cast %add3A_677 : i32 to index
      %get3A_679 = arith.constant 16 : index
      %get3A_680 = tpu.vector_load %arg5[%get3A_678, %get3A_679] {strides = array<i32>} : memref<256x128xf32, #tpu.memory_space<vmem>>, vector<1x16xf32>,
      %get3A_681 = vector.shape_cast %get3A_680 : vector<1x16xf32> to vector<16xf32>
      %swap3A_682 = arith.index_cast %scan3A_646 : i32 to index
      %swap3A_683 = arith.constant 16 : index
      %swap3A_684 = tpu.vector_load %arg8[%swap3A_682, %swap3A_683] {strides = array<i32>} : memref<128x256xf32, #tpu.memory_space<vmem>>, vector<1x16xf32>,
      %swap3A_685 = vector.shape_cast %swap3A_684 : vector<1x16xf32> to vector<16xf32>
      %swap3A_686 = vector.shape_cast %get3A_681 : vector<16xf32> to vector<1x16xf32>
      tpu.vector_store %arg8[%swap3A_682, %swap3A_683], %swap3A_686 {strides = array<i32>} : memref<128x256xf32, #tpu.memory_space<vmem>>, vector<1x16xf32>,
      %get3A_687 = arith.index_cast %scan3A_646 : i32 to index
      %get3A_688 = arith.constant 32 : index
      %get3A_689 = tpu.vector_load %arg5[%get3A_687, %get3A_688] {strides = array<i32>} : memref<256x128xf32, #tpu.memory_space<vmem>>, vector<1x16xf32>,
      %get3A_690 = vector.shape_cast %get3A_689 : vector<1x16xf32> to vector<16xf32>
      %swap3A_691 = arith.index_cast %scan3A_646 : i32 to index
      %swap3A_692 = arith.constant 32 : index
      %swap3A_693 = tpu.vector_load %arg7[%swap3A_691, %swap3A_692] {strides = array<i32>} : memref<128x256xf32, #tpu.memory_space<vmem>>, vector<1x16xf32>,
      %swap3A_694 = vector.shape_cast %swap3A_693 : vector<1x16xf32> to vector<16xf32>
      %swap3A_695 = vector.shape_cast %get3A_690 : vector<16xf32> to vector<1x16xf32>
      tpu.vector_store %arg7[%swap3A_691, %swap3A_692], %swap3A_695 {strides = array<i32>} : memref<128x256xf32, #tpu.memory_space<vmem>>, vector<1x16xf32>,
      %add3A_696 = arith.constant 128 : i32
      %add3A_697 = arith.addi %add3A_696, %scan3A_646 : i32
      %get3A_698 = arith.index_cast %add3A_697 : i32 to index
      %get3A_699 = arith.constant 32 : index
      %get3A_700 = tpu.vector_load %arg5[%get3A_698, %get3A_699] {strides = array<i32>} : memref<256x128xf32, #tpu.memory_space<vmem>>, vector<1x16xf32>,
      %get3A_701 = vector.shape_cast %get3A_700 : vector<1x16xf32> to vector<16xf32>
      %swap3A_702 = arith.index_cast %scan3A_646 : i32 to index
      %swap3A_703 = arith.constant 32 : index
      %swap3A_704 = tpu.vector_load %arg8[%swap3A_702, %swap3A_703] {strides = array<i32>} : memref<128x256xf32, #tpu.memory_space<vmem>>, vector<1x16xf32>,
      %swap3A_705 = vector.shape_cast %swap3A_704 : vector<1x16xf32> to vector<16xf32>
      %swap3A_706 = vector.shape_cast %get3A_701 : vector<16xf32> to vector<1x16xf32>
      tpu.vector_store %arg8[%swap3A_702, %swap3A_703], %swap3A_706 {strides = array<i32>} : memref<128x256xf32, #tpu.memory_space<vmem>>, vector<1x16xf32>,
      %get3A_707 = arith.index_cast %scan3A_646 : i32 to index
      %get3A_708 = arith.constant 48 : index
      %get3A_709 = tpu.vector_load %arg5[%get3A_707, %get3A_708] {strides = array<i32>} : memref<256x128xf32, #tpu.memory_space<vmem>>, vector<1x16xf32>,
      %get3A_710 = vector.shape_cast %get3A_709 : vector<1x16xf32> to vector<16xf32>
      %swap3A_711 = arith.index_cast %scan3A_646 : i32 to index
      %swap3A_712 = arith.constant 48 : index
      %swap3A_713 = tpu.vector_load %arg7[%swap3A_711, %swap3A_712] {strides = array<i32>} : memref<128x256xf32, #tpu.memory_space<vmem>>, vector<1x16xf32>,
      %swap3A_714 = vector.shape_cast %swap3A_713 : vector<1x16xf32> to vector<16xf32>
      %swap3A_715 = vector.shape_cast %get3A_710 : vector<16xf32> to vector<1x16xf32>
      tpu.vector_store %arg7[%swap3A_711, %swap3A_712], %swap3A_715 {strides = array<i32>} : memref<128x256xf32, #tpu.memory_space<vmem>>, vector<1x16xf32>,
      %add3A_716 = arith.constant 128 : i32
      %add3A_717 = arith.addi %add3A_716, %scan3A_646 : i32
      %get3A_718 = arith.index_cast %add3A_717 : i32 to index
      %get3A_719 = arith.constant 48 : index
      %get3A_720 = tpu.vector_load %arg5[%get3A_718, %get3A_719] {strides = array<i32>} : memref<256x128xf32, #tpu.memory_space<vmem>>, vector<1x16xf32>,
      %get3A_721 = vector.shape_cast %get3A_720 : vector<1x16xf32> to vector<16xf32>
      %swap3A_722 = arith.index_cast %scan3A_646 : i32 to index
      %swap3A_723 = arith.constant 48 : index
      %swap3A_724 = tpu.vector_load %arg8[%swap3A_722, %swap3A_723] {strides = array<i32>} : memref<128x256xf32, #tpu.memory_space<vmem>>, vector<1x16xf32>,
      %swap3A_725 = vector.shape_cast %swap3A_724 : vector<1x16xf32> to vector<16xf32>
      %swap3A_726 = vector.shape_cast %get3A_721 : vector<16xf32> to vector<1x16xf32>
      tpu.vector_store %arg8[%swap3A_722, %swap3A_723], %swap3A_726 {strides = array<i32>} : memref<128x256xf32, #tpu.memory_space<vmem>>, vector<1x16xf32>,
      %get3A_727 = arith.index_cast %scan3A_646 : i32 to index
      %get3A_728 = arith.constant 64 : index
      %get3A_729 = tpu.vector_load %arg5[%get3A_727, %get3A_728] {strides = array<i32>} : memref<256x128xf32, #tpu.memory_space<vmem>>, vector<1x16xf32>,
      %get3A_730 = vector.shape_cast %get3A_729 : vector<1x16xf32> to vector<16xf32>
      %swap3A_731 = arith.index_cast %scan3A_646 : i32 to index
      %swap3A_732 = arith.constant 64 : index
      %swap3A_733 = tpu.vector_load %arg7[%swap3A_731, %swap3A_732] {strides = array<i32>} : memref<128x256xf32, #tpu.memory_space<vmem>>, vector<1x16xf32>,
      %swap3A_734 = vector.shape_cast %swap3A_733 : vector<1x16xf32> to vector<16xf32>
      %swap3A_735 = vector.shape_cast %get3A_730 : vector<16xf32> to vector<1x16xf32>
      tpu.vector_store %arg7[%swap3A_731, %swap3A_732], %swap3A_735 {strides = array<i32>} : memref<128x256xf32, #tpu.memory_space<vmem>>, vector<1x16xf32>,
      %add3A_736 = arith.constant 128 : i32
      %add3A_737 = arith.addi %add3A_736, %scan3A_646 : i32
      %get3A_738 = arith.index_cast %add3A_737 : i32 to index
      %get3A_739 = arith.constant 64 : index
      %get3A_740 = tpu.vector_load %arg5[%get3A_738, %get3A_739] {strides = array<i32>} : memref<256x128xf32, #tpu.memory_space<vmem>>, vector<1x16xf32>,
      %get3A_741 = vector.shape_cast %get3A_740 : vector<1x16xf32> to vector<16xf32>
      %swap3A_742 = arith.index_cast %scan3A_646 : i32 to index
      %swap3A_743 = arith.constant 64 : index
      %swap3A_744 = tpu.vector_load %arg8[%swap3A_742, %swap3A_743] {strides = array<i32>} : memref<128x256xf32, #tpu.memory_space<vmem>>, vector<1x16xf32>,
      %swap3A_745 = vector.shape_cast %swap3A_744 : vector<1x16xf32> to vector<16xf32>
      %swap3A_746 = vector.shape_cast %get3A_741 : vector<16xf32> to vector<1x16xf32>
      tpu.vector_store %arg8[%swap3A_742, %swap3A_743], %swap3A_746 {strides = array<i32>} : memref<128x256xf32, #tpu.memory_space<vmem>>, vector<1x16xf32>,
      %get3A_747 = arith.index_cast %scan3A_646 : i32 to index
      %get3A_748 = arith.constant 80 : index
      %get3A_749 = tpu.vector_load %arg5[%get3A_747, %get3A_748] {strides = array<i32>} : memref<256x128xf32, #tpu.memory_space<vmem>>, vector<1x16xf32>,
      %get3A_750 = vector.shape_cast %get3A_749 : vector<1x16xf32> to vector<16xf32>
      %swap3A_751 = arith.index_cast %scan3A_646 : i32 to index
      %swap3A_752 = arith.constant 80 : index
      %swap3A_753 = tpu.vector_load %arg7[%swap3A_751, %swap3A_752] {strides = array<i32>} : memref<128x256xf32, #tpu.memory_space<vmem>>, vector<1x16xf32>,
      %swap3A_754 = vector.shape_cast %swap3A_753 : vector<1x16xf32> to vector<16xf32>
      %swap3A_755 = vector.shape_cast %get3A_750 : vector<16xf32> to vector<1x16xf32>
      tpu.vector_store %arg7[%swap3A_751, %swap3A_752], %swap3A_755 {strides = array<i32>} : memref<128x256xf32, #tpu.memory_space<vmem>>, vector<1x16xf32>,
      %add3A_756 = arith.constant 128 : i32
      %add3A_757 = arith.addi %add3A_756, %scan3A_646 : i32
      %get3A_758 = arith.index_cast %add3A_757 : i32 to index
      %get3A_759 = arith.constant 80 : index
      %get3A_760 = tpu.vector_load %arg5[%get3A_758, %get3A_759] {strides = array<i32>} : memref<256x128xf32, #tpu.memory_space<vmem>>, vector<1x16xf32>,
      %get3A_761 = vector.shape_cast %get3A_760 : vector<1x16xf32> to vector<16xf32>
      %swap3A_762 = arith.index_cast %scan3A_646 : i32 to index
      %swap3A_763 = arith.constant 80 : index
      %swap3A_764 = tpu.vector_load %arg8[%swap3A_762, %swap3A_763] {strides = array<i32>} : memref<128x256xf32, #tpu.memory_space<vmem>>, vector<1x16xf32>,
      %swap3A_765 = vector.shape_cast %swap3A_764 : vector<1x16xf32> to vector<16xf32>
      %swap3A_766 = vector.shape_cast %get3A_761 : vector<16xf32> to vector<1x16xf32>
      tpu.vector_store %arg8[%swap3A_762, %swap3A_763], %swap3A_766 {strides = array<i32>} : memref<128x256xf32, #tpu.memory_space<vmem>>, vector<1x16xf32>,
      %get3A_767 = arith.index_cast %scan3A_646 : i32 to index
      %get3A_768 = arith.constant 96 : index
      %get3A_769 = tpu.vector_load %arg5[%get3A_767, %get3A_768] {strides = array<i32>} : memref<256x128xf32, #tpu.memory_space<vmem>>, vector<1x16xf32>,
      %get3A_770 = vector.shape_cast %get3A_769 : vector<1x16xf32> to vector<16xf32>
      %swap3A_771 = arith.index_cast %scan3A_646 : i32 to index
      %swap3A_772 = arith.constant 96 : index
      %swap3A_773 = tpu.vector_load %arg7[%swap3A_771, %swap3A_772] {strides = array<i32>} : memref<128x256xf32, #tpu.memory_space<vmem>>, vector<1x16xf32>,
      %swap3A_774 = vector.shape_cast %swap3A_773 : vector<1x16xf32> to vector<16xf32>
      %swap3A_775 = vector.shape_cast %get3A_770 : vector<16xf32> to vector<1x16xf32>
      tpu.vector_store %arg7[%swap3A_771, %swap3A_772], %swap3A_775 {strides = array<i32>} : memref<128x256xf32, #tpu.memory_space<vmem>>, vector<1x16xf32>,
      %add3A_776 = arith.constant 128 : i32
      %add3A_777 = arith.addi %add3A_776, %scan3A_646 : i32
      %get3A_778 = arith.index_cast %add3A_777 : i32 to index
      %get3A_779 = arith.constant 96 : index
      %get3A_780 = tpu.vector_load %arg5[%get3A_778, %get3A_779] {strides = array<i32>} : memref<256x128xf32, #tpu.memory_space<vmem>>, vector<1x16xf32>,
      %get3A_781 = vector.shape_cast %get3A_780 : vector<1x16xf32> to vector<16xf32>
      %swap3A_782 = arith.index_cast %scan3A_646 : i32 to index
      %swap3A_783 = arith.constant 96 : index
      %swap3A_784 = tpu.vector_load %arg8[%swap3A_782, %swap3A_783] {strides = array<i32>} : memref<128x256xf32, #tpu.memory_space<vmem>>, vector<1x16xf32>,
      %swap3A_785 = vector.shape_cast %swap3A_784 : vector<1x16xf32> to vector<16xf32>
      %swap3A_786 = vector.shape_cast %get3A_781 : vector<16xf32> to vector<1x16xf32>
      tpu.vector_store %arg8[%swap3A_782, %swap3A_783], %swap3A_786 {strides = array<i32>} : memref<128x256xf32, #tpu.memory_space<vmem>>, vector<1x16xf32>,
      %get3A_787 = arith.index_cast %scan3A_646 : i32 to index
      %get3A_788 = arith.constant 112 : index
      %get3A_789 = tpu.vector_load %arg5[%get3A_787, %get3A_788] {strides = array<i32>} : memref<256x128xf32, #tpu.memory_space<vmem>>, vector<1x16xf32>,
      %get3A_790 = vector.shape_cast %get3A_789 : vector<1x16xf32> to vector<16xf32>
      %swap3A_791 = arith.index_cast %scan3A_646 : i32 to index
      %swap3A_792 = arith.constant 112 : index
      %swap3A_793 = tpu.vector_load %arg7[%swap3A_791, %swap3A_792] {strides = array<i32>} : memref<128x256xf32, #tpu.memory_space<vmem>>, vector<1x16xf32>,
      %swap3A_794 = vector.shape_cast %swap3A_793 : vector<1x16xf32> to vector<16xf32>
      %swap3A_795 = vector.shape_cast %get3A_790 : vector<16xf32> to vector<1x16xf32>
      tpu.vector_store %arg7[%swap3A_791, %swap3A_792], %swap3A_795 {strides = array<i32>} : memref<128x256xf32, #tpu.memory_space<vmem>>, vector<1x16xf32>,
      %add3A_796 = arith.constant 128 : i32
      %add3A_797 = arith.addi %add3A_796, %scan3A_646 : i32
      %get3A_798 = arith.index_cast %add3A_797 : i32 to index
      %get3A_799 = arith.constant 112 : index
      %get3A_800 = tpu.vector_load %arg5[%get3A_798, %get3A_799] {strides = array<i32>} : memref<256x128xf32, #tpu.memory_space<vmem>>, vector<1x16xf32>,
      %get3A_801 = vector.shape_cast %get3A_800 : vector<1x16xf32> to vector<16xf32>
      %swap3A_802 = arith.index_cast %scan3A_646 : i32 to index
      %swap3A_803 = arith.constant 112 : index
      %swap3A_804 = tpu.vector_load %arg8[%swap3A_802, %swap3A_803] {strides = array<i32>} : memref<128x256xf32, #tpu.memory_space<vmem>>, vector<1x16xf32>,
      %swap3A_805 = vector.shape_cast %swap3A_804 : vector<1x16xf32> to vector<16xf32>
      %swap3A_806 = vector.shape_cast %get3A_801 : vector<16xf32> to vector<1x16xf32>
      tpu.vector_store %arg8[%swap3A_802, %swap3A_803], %swap3A_806 {strides = array<i32>} : memref<128x256xf32, #tpu.memory_space<vmem>>, vector<1x16xf32>,
      %scan3A_807 = arith.constant 0 : i32
      scf.yield %scan3A_807 : i32
    }
    %scan3A_8 = arith.constant 128 : i32
    %get3A = arith.constant 0 : i32
    %get3A_9 = arith.index_cast %get3A : i32 to index
    %get3A_10 = arith.constant 0 : index
    %get3A_11 = tpu.vector_load %arg6[%get3A_9, %get3A_10] {strides = array<i32>} : memref<8x128xf32, #tpu.memory_space<vmem>>, vector<1x16xf32>,
    %get3A_12 = vector.shape_cast %get3A_11 : vector<1x16xf32> to vector<16xf32>
    %get3A_13 = arith.constant 0 : i32
    %get3A_14 = arith.index_cast %get3A_13 : i32 to index
    %get3A_15 = arith.constant 16 : index
    %get3A_16 = tpu.vector_load %arg6[%get3A_14, %get3A_15] {strides = array<i32>} : memref<8x128xf32, #tpu.memory_space<vmem>>, vector<1x16xf32>,
    %get3A_17 = vector.shape_cast %get3A_16 : vector<1x16xf32> to vector<16xf32>
    %get3A_18 = arith.constant 0 : i32
    %get3A_19 = arith.index_cast %get3A_18 : i32 to index
    %get3A_20 = arith.constant 32 : index
    %get3A_21 = tpu.vector_load %arg6[%get3A_19, %get3A_20] {strides = array<i32>} : memref<8x128xf32, #tpu.memory_space<vmem>>, vector<1x16xf32>,
    %get3A_22 = vector.shape_cast %get3A_21 : vector<1x16xf32> to vector<16xf32>
    %get3A_23 = arith.constant 0 : i32
    %get3A_24 = arith.index_cast %get3A_23 : i32 to index
    %get3A_25 = arith.constant 48 : index
    %get3A_26 = tpu.vector_load %arg6[%get3A_24, %get3A_25] {strides = array<i32>} : memref<8x128xf32, #tpu.memory_space<vmem>>, vector<1x16xf32>,
    %get3A_27 = vector.shape_cast %get3A_26 : vector<1x16xf32> to vector<16xf32>
    %get3A_28 = arith.constant 0 : i32
    %get3A_29 = arith.index_cast %get3A_28 : i32 to index
    %get3A_30 = arith.constant 64 : index
    %get3A_31 = tpu.vector_load %arg6[%get3A_29, %get3A_30] {strides = array<i32>} : memref<8x128xf32, #tpu.memory_space<vmem>>, vector<1x16xf32>,
    %get3A_32 = vector.shape_cast %get3A_31 : vector<1x16xf32> to vector<16xf32>
    %get3A_33 = arith.constant 0 : i32
    %get3A_34 = arith.index_cast %get3A_33 : i32 to index
    %get3A_35 = arith.constant 80 : index
    %get3A_36 = tpu.vector_load %arg6[%get3A_34, %get3A_35] {strides = array<i32>} : memref<8x128xf32, #tpu.memory_space<vmem>>, vector<1x16xf32>,
    %get3A_37 = vector.shape_cast %get3A_36 : vector<1x16xf32> to vector<16xf32>
    %get3A_38 = arith.constant 0 : i32
    %get3A_39 = arith.index_cast %get3A_38 : i32 to index
    %get3A_40 = arith.constant 96 : index
    %get3A_41 = tpu.vector_load %arg6[%get3A_39, %get3A_40] {strides = array<i32>} : memref<8x128xf32, #tpu.memory_space<vmem>>, vector<1x16xf32>,
    %get3A_42 = vector.shape_cast %get3A_41 : vector<1x16xf32> to vector<16xf32>
    %get3A_43 = arith.constant 0 : i32
    %get3A_44 = arith.index_cast %get3A_43 : i32 to index
    %get3A_45 = arith.constant 112 : index
    %get3A_46 = tpu.vector_load %arg6[%get3A_44, %get3A_45] {strides = array<i32>} : memref<8x128xf32, #tpu.memory_space<vmem>>, vector<1x16xf32>,
    %get3A_47 = vector.shape_cast %get3A_46 : vector<1x16xf32> to vector<16xf32>
    %scan3A_48 = arith.constant 0 : i32
    %scan3A_49 = arith.constant 0 : i32
    %scan3A_50 = arith.constant 128 : i32
    %scan3A_51 = arith.addi %scan3A_49, %scan3A_50 : i32
    %scan3A_52 = arith.constant 1 : i32
    %scan3A_53 = scf.for %scan3A_646 = %scan3A_49 to %scan3A_51 step %scan3A_52 iter_args(%scan3A_647 = %scan3A_48) -> (i32)  : i32 {
      %swap3A = arith.index_cast %scan3A_646 : i32 to index
      %swap3A_648 = arith.constant 128 : index
      %swap3A_649 = tpu.vector_load %arg7[%swap3A, %swap3A_648] {strides = array<i32>} : memref<128x256xf32, #tpu.memory_space<vmem>>, vector<1x16xf32>,
      %swap3A_650 = vector.shape_cast %swap3A_649 : vector<1x16xf32> to vector<16xf32>
      %swap3A_651 = vector.shape_cast %get3A_12 : vector<16xf32> to vector<1x16xf32>
      tpu.vector_store %arg7[%swap3A, %swap3A_648], %swap3A_651 {strides = array<i32>} : memref<128x256xf32, #tpu.memory_space<vmem>>, vector<1x16xf32>,
      %swap3A_652 = arith.index_cast %scan3A_646 : i32 to index
      %swap3A_653 = arith.constant 144 : index
      %swap3A_654 = tpu.vector_load %arg7[%swap3A_652, %swap3A_653] {strides = array<i32>} : memref<128x256xf32, #tpu.memory_space<vmem>>, vector<1x16xf32>,
      %swap3A_655 = vector.shape_cast %swap3A_654 : vector<1x16xf32> to vector<16xf32>
      %swap3A_656 = vector.shape_cast %get3A_17 : vector<16xf32> to vector<1x16xf32>
      tpu.vector_store %arg7[%swap3A_652, %swap3A_653], %swap3A_656 {strides = array<i32>} : memref<128x256xf32, #tpu.memory_space<vmem>>, vector<1x16xf32>,
      %swap3A_657 = arith.index_cast %scan3A_646 : i32 to index
      %swap3A_658 = arith.constant 160 : index
      %swap3A_659 = tpu.vector_load %arg7[%swap3A_657, %swap3A_658] {strides = array<i32>} : memref<128x256xf32, #tpu.memory_space<vmem>>, vector<1x16xf32>,
      %swap3A_660 = vector.shape_cast %swap3A_659 : vector<1x16xf32> to vector<16xf32>
      %swap3A_661 = vector.shape_cast %get3A_22 : vector<16xf32> to vector<1x16xf32>
      tpu.vector_store %arg7[%swap3A_657, %swap3A_658], %swap3A_661 {strides = array<i32>} : memref<128x256xf32, #tpu.memory_space<vmem>>, vector<1x16xf32>,
      %swap3A_662 = arith.index_cast %scan3A_646 : i32 to index
      %swap3A_663 = arith.constant 176 : index
      %swap3A_664 = tpu.vector_load %arg7[%swap3A_662, %swap3A_663] {strides = array<i32>} : memref<128x256xf32, #tpu.memory_space<vmem>>, vector<1x16xf32>,
      %swap3A_665 = vector.shape_cast %swap3A_664 : vector<1x16xf32> to vector<16xf32>
      %swap3A_666 = vector.shape_cast %get3A_27 : vector<16xf32> to vector<1x16xf32>
      tpu.vector_store %arg7[%swap3A_662, %swap3A_663], %swap3A_666 {strides = array<i32>} : memref<128x256xf32, #tpu.memory_space<vmem>>, vector<1x16xf32>,
      %swap3A_667 = arith.index_cast %scan3A_646 : i32 to index
      %swap3A_668 = arith.constant 192 : index
      %swap3A_669 = tpu.vector_load %arg7[%swap3A_667, %swap3A_668] {strides = array<i32>} : memref<128x256xf32, #tpu.memory_space<vmem>>, vector<1x16xf32>,
      %swap3A_670 = vector.shape_cast %swap3A_669 : vector<1x16xf32> to vector<16xf32>
      %swap3A_671 = vector.shape_cast %get3A_32 : vector<16xf32> to vector<1x16xf32>
      tpu.vector_store %arg7[%swap3A_667, %swap3A_668], %swap3A_671 {strides = array<i32>} : memref<128x256xf32, #tpu.memory_space<vmem>>, vector<1x16xf32>,
      %swap3A_672 = arith.index_cast %scan3A_646 : i32 to index
      %swap3A_673 = arith.constant 208 : index
      %swap3A_674 = tpu.vector_load %arg7[%swap3A_672, %swap3A_673] {strides = array<i32>} : memref<128x256xf32, #tpu.memory_space<vmem>>, vector<1x16xf32>,
      %swap3A_675 = vector.shape_cast %swap3A_674 : vector<1x16xf32> to vector<16xf32>
      %swap3A_676 = vector.shape_cast %get3A_37 : vector<16xf32> to vector<1x16xf32>
      tpu.vector_store %arg7[%swap3A_672, %swap3A_673], %swap3A_676 {strides = array<i32>} : memref<128x256xf32, #tpu.memory_space<vmem>>, vector<1x16xf32>,
      %swap3A_677 = arith.index_cast %scan3A_646 : i32 to index
      %swap3A_678 = arith.constant 224 : index
      %swap3A_679 = tpu.vector_load %arg7[%swap3A_677, %swap3A_678] {strides = array<i32>} : memref<128x256xf32, #tpu.memory_space<vmem>>, vector<1x16xf32>,
      %swap3A_680 = vector.shape_cast %swap3A_679 : vector<1x16xf32> to vector<16xf32>
      %swap3A_681 = vector.shape_cast %get3A_42 : vector<16xf32> to vector<1x16xf32>
      tpu.vector_store %arg7[%swap3A_677, %swap3A_678], %swap3A_681 {strides = array<i32>} : memref<128x256xf32, #tpu.memory_space<vmem>>, vector<1x16xf32>,
      %swap3A_682 = arith.index_cast %scan3A_646 : i32 to index
      %swap3A_683 = arith.constant 240 : index
      %swap3A_684 = tpu.vector_load %arg7[%swap3A_682, %swap3A_683] {strides = array<i32>} : memref<128x256xf32, #tpu.memory_space<vmem>>, vector<1x16xf32>,
      %swap3A_685 = vector.shape_cast %swap3A_684 : vector<1x16xf32> to vector<16xf32>
      %swap3A_686 = vector.shape_cast %get3A_47 : vector<16xf32> to vector<1x16xf32>
      tpu.vector_store %arg7[%swap3A_682, %swap3A_683], %swap3A_686 {strides = array<i32>} : memref<128x256xf32, #tpu.memory_space<vmem>>, vector<1x16xf32>,
      %scan3A_687 = arith.constant 0 : i32
      scf.yield %scan3A_687 : i32
    }
    %scan3A_54 = arith.constant 128 : i32
    %add3A_55 = arith.constant 0 : i32
    %add3A_56 = arith.addi %mul3A_2, %add3A_55 : i32
    %mul3A_57 = arith.constant 256 : i32
    %mul3A_58 = arith.muli %add3A_56, %mul3A_57 : i32
    %dma_start3A = arith.constant 0 : i32
    %dma_start3A_59 = tpu.memref_slice %arg4[%mul3A_58, %dma_start3A] : memref<65536x256xf32, #tpu.memory_space<hbm>> -> memref<128x256xf32, #tpu.memory_space<hbm>>
    %dma_start3A_60 = arith.constant 0 : i32
    %dma_start3A_61 = tpu.memref_slice %arg4[%mul3A_58, %dma_start3A_60] : memref<65536x256xf32, #tpu.memory_space<hbm>> -> memref<128x256xf32, #tpu.memory_space<hbm>>
    tpu.enqueue_dma source(%arg7 : memref<128x256xf32, #tpu.memory_space<vmem>>) target(%dma_start3A_61 : memref<128x256xf32, #tpu.memory_space<hbm>>) target_semaphore(%arg9 : memref<!tpu.dma_semaphore, #tpu.memory_space<semaphore_mem>>)
    %scan3A_62 = arith.constant 0 : i32
    %scan3A_63 = arith.constant 0 : i32
    %scan3A_64 = arith.constant 128 : i32
    %scan3A_65 = arith.addi %scan3A_63, %scan3A_64 : i32
    %scan3A_66 = arith.constant 1 : i32
    %scan3A_67 = scf.for %scan3A_646 = %scan3A_63 to %scan3A_65 step %scan3A_66 iter_args(%scan3A_647 = %scan3A_62) -> (i32)  : i32 {
      %swap3A = arith.index_cast %scan3A_646 : i32 to index
      %swap3A_648 = arith.constant 128 : index
      %swap3A_649 = tpu.vector_load %arg8[%swap3A, %swap3A_648] {strides = array<i32>} : memref<128x256xf32, #tpu.memory_space<vmem>>, vector<1x16xf32>,
      %swap3A_650 = vector.shape_cast %swap3A_649 : vector<1x16xf32> to vector<16xf32>
      %swap3A_651 = vector.shape_cast %get3A_12 : vector<16xf32> to vector<1x16xf32>
      tpu.vector_store %arg8[%swap3A, %swap3A_648], %swap3A_651 {strides = array<i32>} : memref<128x256xf32, #tpu.memory_space<vmem>>, vector<1x16xf32>,
      %swap3A_652 = arith.index_cast %scan3A_646 : i32 to index
      %swap3A_653 = arith.constant 144 : index
      %swap3A_654 = tpu.vector_load %arg8[%swap3A_652, %swap3A_653] {strides = array<i32>} : memref<128x256xf32, #tpu.memory_space<vmem>>, vector<1x16xf32>,
      %swap3A_655 = vector.shape_cast %swap3A_654 : vector<1x16xf32> to vector<16xf32>
      %swap3A_656 = vector.shape_cast %get3A_17 : vector<16xf32> to vector<1x16xf32>
      tpu.vector_store %arg8[%swap3A_652, %swap3A_653], %swap3A_656 {strides = array<i32>} : memref<128x256xf32, #tpu.memory_space<vmem>>, vector<1x16xf32>,
      %swap3A_657 = arith.index_cast %scan3A_646 : i32 to index
      %swap3A_658 = arith.constant 160 : index
      %swap3A_659 = tpu.vector_load %arg8[%swap3A_657, %swap3A_658] {strides = array<i32>} : memref<128x256xf32, #tpu.memory_space<vmem>>, vector<1x16xf32>,
      %swap3A_660 = vector.shape_cast %swap3A_659 : vector<1x16xf32> to vector<16xf32>
      %swap3A_661 = vector.shape_cast %get3A_22 : vector<16xf32> to vector<1x16xf32>
      tpu.vector_store %arg8[%swap3A_657, %swap3A_658], %swap3A_661 {strides = array<i32>} : memref<128x256xf32, #tpu.memory_space<vmem>>, vector<1x16xf32>,
      %swap3A_662 = arith.index_cast %scan3A_646 : i32 to index
      %swap3A_663 = arith.constant 176 : index
      %swap3A_664 = tpu.vector_load %arg8[%swap3A_662, %swap3A_663] {strides = array<i32>} : memref<128x256xf32, #tpu.memory_space<vmem>>, vector<1x16xf32>,
      %swap3A_665 = vector.shape_cast %swap3A_664 : vector<1x16xf32> to vector<16xf32>
      %swap3A_666 = vector.shape_cast %get3A_27 : vector<16xf32> to vector<1x16xf32>
      tpu.vector_store %arg8[%swap3A_662, %swap3A_663], %swap3A_666 {strides = array<i32>} : memref<128x256xf32, #tpu.memory_space<vmem>>, vector<1x16xf32>,
      %swap3A_667 = arith.index_cast %scan3A_646 : i32 to index
      %swap3A_668 = arith.constant 192 : index
      %swap3A_669 = tpu.vector_load %arg8[%swap3A_667, %swap3A_668] {strides = array<i32>} : memref<128x256xf32, #tpu.memory_space<vmem>>, vector<1x16xf32>,
      %swap3A_670 = vector.shape_cast %swap3A_669 : vector<1x16xf32> to vector<16xf32>
      %swap3A_671 = vector.shape_cast %get3A_32 : vector<16xf32> to vector<1x16xf32>
      tpu.vector_store %arg8[%swap3A_667, %swap3A_668], %swap3A_671 {strides = array<i32>} : memref<128x256xf32, #tpu.memory_space<vmem>>, vector<1x16xf32>,
      %swap3A_672 = arith.index_cast %scan3A_646 : i32 to index
      %swap3A_673 = arith.constant 208 : index
      %swap3A_674 = tpu.vector_load %arg8[%swap3A_672, %swap3A_673] {strides = array<i32>} : memref<128x256xf32, #tpu.memory_space<vmem>>, vector<1x16xf32>,
      %swap3A_675 = vector.shape_cast %swap3A_674 : vector<1x16xf32> to vector<16xf32>
      %swap3A_676 = vector.shape_cast %get3A_37 : vector<16xf32> to vector<1x16xf32>
      tpu.vector_store %arg8[%swap3A_672, %swap3A_673], %swap3A_676 {strides = array<i32>} : memref<128x256xf32, #tpu.memory_space<vmem>>, vector<1x16xf32>,
      %swap3A_677 = arith.index_cast %scan3A_646 : i32 to index
      %swap3A_678 = arith.constant 224 : index
      %swap3A_679 = tpu.vector_load %arg8[%swap3A_677, %swap3A_678] {strides = array<i32>} : memref<128x256xf32, #tpu.memory_space<vmem>>, vector<1x16xf32>,
      %swap3A_680 = vector.shape_cast %swap3A_679 : vector<1x16xf32> to vector<16xf32>
      %swap3A_681 = vector.shape_cast %get3A_42 : vector<16xf32> to vector<1x16xf32>
      tpu.vector_store %arg8[%swap3A_677, %swap3A_678], %swap3A_681 {strides = array<i32>} : memref<128x256xf32, #tpu.memory_space<vmem>>, vector<1x16xf32>,
      %swap3A_682 = arith.index_cast %scan3A_646 : i32 to index
      %swap3A_683 = arith.constant 240 : index
      %swap3A_684 = tpu.vector_load %arg8[%swap3A_682, %swap3A_683] {strides = array<i32>} : memref<128x256xf32, #tpu.memory_space<vmem>>, vector<1x16xf32>,
      %swap3A_685 = vector.shape_cast %swap3A_684 : vector<1x16xf32> to vector<16xf32>
      %swap3A_686 = vector.shape_cast %get3A_47 : vector<16xf32> to vector<1x16xf32>
      tpu.vector_store %arg8[%swap3A_682, %swap3A_683], %swap3A_686 {strides = array<i32>} : memref<128x256xf32, #tpu.memory_space<vmem>>, vector<1x16xf32>,
      %scan3A_687 = arith.constant 0 : i32
      scf.yield %scan3A_687 : i32
    }
    %scan3A_68 = arith.constant 128 : i32
    %add3A_69 = arith.constant 0 : i32
    %add3A_70 = arith.addi %mul3A_2, %add3A_69 : i32
    %mul3A_71 = arith.constant 256 : i32
    %mul3A_72 = arith.muli %add3A_70, %mul3A_71 : i32
    %add3A_73 = arith.constant 128 : i32
    %add3A_74 = arith.addi %mul3A_72, %add3A_73 : i32
    %dma_start3A_75 = arith.constant 0 : i32
    %dma_start3A_76 = tpu.memref_slice %arg4[%add3A_74, %dma_start3A_75] : memref<65536x256xf32, #tpu.memory_space<hbm>> -> memref<128x256xf32, #tpu.memory_space<hbm>>
    %dma_start3A_77 = arith.constant 0 : i32
    %dma_start3A_78 = tpu.memref_slice %arg4[%add3A_74, %dma_start3A_77] : memref<65536x256xf32, #tpu.memory_space<hbm>> -> memref<128x256xf32, #tpu.memory_space<hbm>>
    tpu.enqueue_dma source(%arg8 : memref<128x256xf32, #tpu.memory_space<vmem>>) target(%dma_start3A_78 : memref<128x256xf32, #tpu.memory_space<hbm>>) target_semaphore(%arg10 : memref<!tpu.dma_semaphore, #tpu.memory_space<semaphore_mem>>)
    %get3A_79 = arith.constant 1 : i32
    %get3A_80 = arith.index_cast %get3A_79 : i32 to index
    %get3A_81 = arith.constant 0 : index
    %get3A_82 = tpu.vector_load %arg6[%get3A_80, %get3A_81] {strides = array<i32>} : memref<8x128xf32, #tpu.memory_space<vmem>>, vector<1x16xf32>,
    %get3A_83 = vector.shape_cast %get3A_82 : vector<1x16xf32> to vector<16xf32>
    %get3A_84 = arith.constant 1 : i32
    %get3A_85 = arith.index_cast %get3A_84 : i32 to index
    %get3A_86 = arith.constant 16 : index
    %get3A_87 = tpu.vector_load %arg6[%get3A_85, %get3A_86] {strides = array<i32>} : memref<8x128xf32, #tpu.memory_space<vmem>>, vector<1x16xf32>,
    %get3A_88 = vector.shape_cast %get3A_87 : vector<1x16xf32> to vector<16xf32>
    %get3A_89 = arith.constant 1 : i32
    %get3A_90 = arith.index_cast %get3A_89 : i32 to index
    %get3A_91 = arith.constant 32 : index
    %get3A_92 = tpu.vector_load %arg6[%get3A_90, %get3A_91] {strides = array<i32>} : memref<8x128xf32, #tpu.memory_space<vmem>>, vector<1x16xf32>,
    %get3A_93 = vector.shape_cast %get3A_92 : vector<1x16xf32> to vector<16xf32>
    %get3A_94 = arith.constant 1 : i32
    %get3A_95 = arith.index_cast %get3A_94 : i32 to index
    %get3A_96 = arith.constant 48 : index
    %get3A_97 = tpu.vector_load %arg6[%get3A_95, %get3A_96] {strides = array<i32>} : memref<8x128xf32, #tpu.memory_space<vmem>>, vector<1x16xf32>,
    %get3A_98 = vector.shape_cast %get3A_97 : vector<1x16xf32> to vector<16xf32>
    %get3A_99 = arith.constant 1 : i32
    %get3A_100 = arith.index_cast %get3A_99 : i32 to index
    %get3A_101 = arith.constant 64 : index
    %get3A_102 = tpu.vector_load %arg6[%get3A_100, %get3A_101] {strides = array<i32>} : memref<8x128xf32, #tpu.memory_space<vmem>>, vector<1x16xf32>,
    %get3A_103 = vector.shape_cast %get3A_102 : vector<1x16xf32> to vector<16xf32>
    %get3A_104 = arith.constant 1 : i32
    %get3A_105 = arith.index_cast %get3A_104 : i32 to index
    %get3A_106 = arith.constant 80 : index
    %get3A_107 = tpu.vector_load %arg6[%get3A_105, %get3A_106] {strides = array<i32>} : memref<8x128xf32, #tpu.memory_space<vmem>>, vector<1x16xf32>,
    %get3A_108 = vector.shape_cast %get3A_107 : vector<1x16xf32> to vector<16xf32>
    %get3A_109 = arith.constant 1 : i32
    %get3A_110 = arith.index_cast %get3A_109 : i32 to index
    %get3A_111 = arith.constant 96 : index
    %get3A_112 = tpu.vector_load %arg6[%get3A_110, %get3A_111] {strides = array<i32>} : memref<8x128xf32, #tpu.memory_space<vmem>>, vector<1x16xf32>,
    %get3A_113 = vector.shape_cast %get3A_112 : vector<1x16xf32> to vector<16xf32>
    %get3A_114 = arith.constant 1 : i32
    %get3A_115 = arith.index_cast %get3A_114 : i32 to index
    %get3A_116 = arith.constant 112 : index
    %get3A_117 = tpu.vector_load %arg6[%get3A_115, %get3A_116] {strides = array<i32>} : memref<8x128xf32, #tpu.memory_space<vmem>>, vector<1x16xf32>,
    %get3A_118 = vector.shape_cast %get3A_117 : vector<1x16xf32> to vector<16xf32>
    %dma_wait3A = arith.constant 0 : i32
    %dma_wait3A_119 = tpu.memref_slice %arg4[%mul3A_58, %dma_wait3A] : memref<65536x256xf32, #tpu.memory_space<hbm>> -> memref<128x256xf32, #tpu.memory_space<hbm>>
    %dma_wait3A_120 = arith.constant 0 : i32
    %dma_wait3A_121 = tpu.memref_slice %arg4[%mul3A_58, %dma_wait3A_120] : memref<65536x256xf32, #tpu.memory_space<hbm>> -> memref<128x256xf32, #tpu.memory_space<hbm>>
    tpu.wait_dma2 semaphore(%arg9 : memref<!tpu.dma_semaphore, #tpu.memory_space<semaphore_mem>>) src(%arg7 : memref<128x256xf32, #tpu.memory_space<vmem>>) dst(%dma_wait3A_121 : memref<128x256xf32, #tpu.memory_space<hbm>>)
    %scan3A_122 = arith.constant 0 : i32
    %scan3A_123 = arith.constant 0 : i32
    %scan3A_124 = arith.constant 128 : i32
    %scan3A_125 = arith.addi %scan3A_123, %scan3A_124 : i32
    %scan3A_126 = arith.constant 1 : i32
    %scan3A_127 = scf.for %scan3A_646 = %scan3A_123 to %scan3A_125 step %scan3A_126 iter_args(%scan3A_647 = %scan3A_122) -> (i32)  : i32 {
      %swap3A = arith.index_cast %scan3A_646 : i32 to index
      %swap3A_648 = arith.constant 128 : index
      %swap3A_649 = tpu.vector_load %arg7[%swap3A, %swap3A_648] {strides = array<i32>} : memref<128x256xf32, #tpu.memory_space<vmem>>, vector<1x16xf32>,
      %swap3A_650 = vector.shape_cast %swap3A_649 : vector<1x16xf32> to vector<16xf32>
      %swap3A_651 = vector.shape_cast %get3A_83 : vector<16xf32> to vector<1x16xf32>
      tpu.vector_store %arg7[%swap3A, %swap3A_648], %swap3A_651 {strides = array<i32>} : memref<128x256xf32, #tpu.memory_space<vmem>>, vector<1x16xf32>,
      %swap3A_652 = arith.index_cast %scan3A_646 : i32 to index
      %swap3A_653 = arith.constant 144 : index
      %swap3A_654 = tpu.vector_load %arg7[%swap3A_652, %swap3A_653] {strides = array<i32>} : memref<128x256xf32, #tpu.memory_space<vmem>>, vector<1x16xf32>,
      %swap3A_655 = vector.shape_cast %swap3A_654 : vector<1x16xf32> to vector<16xf32>
      %swap3A_656 = vector.shape_cast %get3A_88 : vector<16xf32> to vector<1x16xf32>
      tpu.vector_store %arg7[%swap3A_652, %swap3A_653], %swap3A_656 {strides = array<i32>} : memref<128x256xf32, #tpu.memory_space<vmem>>, vector<1x16xf32>,
      %swap3A_657 = arith.index_cast %scan3A_646 : i32 to index
      %swap3A_658 = arith.constant 160 : index
      %swap3A_659 = tpu.vector_load %arg7[%swap3A_657, %swap3A_658] {strides = array<i32>} : memref<128x256xf32, #tpu.memory_space<vmem>>, vector<1x16xf32>,
      %swap3A_660 = vector.shape_cast %swap3A_659 : vector<1x16xf32> to vector<16xf32>
      %swap3A_661 = vector.shape_cast %get3A_93 : vector<16xf32> to vector<1x16xf32>
      tpu.vector_store %arg7[%swap3A_657, %swap3A_658], %swap3A_661 {strides = array<i32>} : memref<128x256xf32, #tpu.memory_space<vmem>>, vector<1x16xf32>,
      %swap3A_662 = arith.index_cast %scan3A_646 : i32 to index
      %swap3A_663 = arith.constant 176 : index
      %swap3A_664 = tpu.vector_load %arg7[%swap3A_662, %swap3A_663] {strides = array<i32>} : memref<128x256xf32, #tpu.memory_space<vmem>>, vector<1x16xf32>,
      %swap3A_665 = vector.shape_cast %swap3A_664 : vector<1x16xf32> to vector<16xf32>
      %swap3A_666 = vector.shape_cast %get3A_98 : vector<16xf32> to vector<1x16xf32>
      tpu.vector_store %arg7[%swap3A_662, %swap3A_663], %swap3A_666 {strides = array<i32>} : memref<128x256xf32, #tpu.memory_space<vmem>>, vector<1x16xf32>,
      %swap3A_667 = arith.index_cast %scan3A_646 : i32 to index
      %swap3A_668 = arith.constant 192 : index
      %swap3A_669 = tpu.vector_load %arg7[%swap3A_667, %swap3A_668] {strides = array<i32>} : memref<128x256xf32, #tpu.memory_space<vmem>>, vector<1x16xf32>,
      %swap3A_670 = vector.shape_cast %swap3A_669 : vector<1x16xf32> to vector<16xf32>
      %swap3A_671 = vector.shape_cast %get3A_103 : vector<16xf32> to vector<1x16xf32>
      tpu.vector_store %arg7[%swap3A_667, %swap3A_668], %swap3A_671 {strides = array<i32>} : memref<128x256xf32, #tpu.memory_space<vmem>>, vector<1x16xf32>,
      %swap3A_672 = arith.index_cast %scan3A_646 : i32 to index
      %swap3A_673 = arith.constant 208 : index
      %swap3A_674 = tpu.vector_load %arg7[%swap3A_672, %swap3A_673] {strides = array<i32>} : memref<128x256xf32, #tpu.memory_space<vmem>>, vector<1x16xf32>,
      %swap3A_675 = vector.shape_cast %swap3A_674 : vector<1x16xf32> to vector<16xf32>
      %swap3A_676 = vector.shape_cast %get3A_108 : vector<16xf32> to vector<1x16xf32>
      tpu.vector_store %arg7[%swap3A_672, %swap3A_673], %swap3A_676 {strides = array<i32>} : memref<128x256xf32, #tpu.memory_space<vmem>>, vector<1x16xf32>,
      %swap3A_677 = arith.index_cast %scan3A_646 : i32 to index
      %swap3A_678 = arith.constant 224 : index
      %swap3A_679 = tpu.vector_load %arg7[%swap3A_677, %swap3A_678] {strides = array<i32>} : memref<128x256xf32, #tpu.memory_space<vmem>>, vector<1x16xf32>,
      %swap3A_680 = vector.shape_cast %swap3A_679 : vector<1x16xf32> to vector<16xf32>
      %swap3A_681 = vector.shape_cast %get3A_113 : vector<16xf32> to vector<1x16xf32>
      tpu.vector_store %arg7[%swap3A_677, %swap3A_678], %swap3A_681 {strides = array<i32>} : memref<128x256xf32, #tpu.memory_space<vmem>>, vector<1x16xf32>,
      %swap3A_682 = arith.index_cast %scan3A_646 : i32 to index
      %swap3A_683 = arith.constant 240 : index
      %swap3A_684 = tpu.vector_load %arg7[%swap3A_682, %swap3A_683] {strides = array<i32>} : memref<128x256xf32, #tpu.memory_space<vmem>>, vector<1x16xf32>,
      %swap3A_685 = vector.shape_cast %swap3A_684 : vector<1x16xf32> to vector<16xf32>
      %swap3A_686 = vector.shape_cast %get3A_118 : vector<16xf32> to vector<1x16xf32>
      tpu.vector_store %arg7[%swap3A_682, %swap3A_683], %swap3A_686 {strides = array<i32>} : memref<128x256xf32, #tpu.memory_space<vmem>>, vector<1x16xf32>,
      %scan3A_687 = arith.constant 0 : i32
      scf.yield %scan3A_687 : i32
    }
    %scan3A_128 = arith.constant 128 : i32
    %add3A_129 = arith.constant 1 : i32
    %add3A_130 = arith.addi %mul3A_2, %add3A_129 : i32
    %mul3A_131 = arith.constant 256 : i32
    %mul3A_132 = arith.muli %add3A_130, %mul3A_131 : i32
    %dma_start3A_133 = arith.constant 0 : i32
    %dma_start3A_134 = tpu.memref_slice %arg4[%mul3A_132, %dma_start3A_133] : memref<65536x256xf32, #tpu.memory_space<hbm>> -> memref<128x256xf32, #tpu.memory_space<hbm>>
    %dma_start3A_135 = arith.constant 0 : i32
    %dma_start3A_136 = tpu.memref_slice %arg4[%mul3A_132, %dma_start3A_135] : memref<65536x256xf32, #tpu.memory_space<hbm>> -> memref<128x256xf32, #tpu.memory_space<hbm>>
    tpu.enqueue_dma source(%arg7 : memref<128x256xf32, #tpu.memory_space<vmem>>) target(%dma_start3A_136 : memref<128x256xf32, #tpu.memory_space<hbm>>) target_semaphore(%arg9 : memref<!tpu.dma_semaphore, #tpu.memory_space<semaphore_mem>>)
    %dma_wait3A_137 = arith.constant 0 : i32
    %dma_wait3A_138 = tpu.memref_slice %arg4[%add3A_74, %dma_wait3A_137] : memref<65536x256xf32, #tpu.memory_space<hbm>> -> memref<128x256xf32, #tpu.memory_space<hbm>>
    %dma_wait3A_139 = arith.constant 0 : i32
    %dma_wait3A_140 = tpu.memref_slice %arg4[%add3A_74, %dma_wait3A_139] : memref<65536x256xf32, #tpu.memory_space<hbm>> -> memref<128x256xf32, #tpu.memory_space<hbm>>
    tpu.wait_dma2 semaphore(%arg10 : memref<!tpu.dma_semaphore, #tpu.memory_space<semaphore_mem>>) src(%arg8 : memref<128x256xf32, #tpu.memory_space<vmem>>) dst(%dma_wait3A_140 : memref<128x256xf32, #tpu.memory_space<hbm>>)
    %scan3A_141 = arith.constant 0 : i32
    %scan3A_142 = arith.constant 0 : i32
    %scan3A_143 = arith.constant 128 : i32
    %scan3A_144 = arith.addi %scan3A_142, %scan3A_143 : i32
    %scan3A_145 = arith.constant 1 : i32
    %scan3A_146 = scf.for %scan3A_646 = %scan3A_142 to %scan3A_144 step %scan3A_145 iter_args(%scan3A_647 = %scan3A_141) -> (i32)  : i32 {
      %swap3A = arith.index_cast %scan3A_646 : i32 to index
      %swap3A_648 = arith.constant 128 : index
      %swap3A_649 = tpu.vector_load %arg8[%swap3A, %swap3A_648] {strides = array<i32>} : memref<128x256xf32, #tpu.memory_space<vmem>>, vector<1x16xf32>,
      %swap3A_650 = vector.shape_cast %swap3A_649 : vector<1x16xf32> to vector<16xf32>
      %swap3A_651 = vector.shape_cast %get3A_83 : vector<16xf32> to vector<1x16xf32>
      tpu.vector_store %arg8[%swap3A, %swap3A_648], %swap3A_651 {strides = array<i32>} : memref<128x256xf32, #tpu.memory_space<vmem>>, vector<1x16xf32>,
      %swap3A_652 = arith.index_cast %scan3A_646 : i32 to index
      %swap3A_653 = arith.constant 144 : index
      %swap3A_654 = tpu.vector_load %arg8[%swap3A_652, %swap3A_653] {strides = array<i32>} : memref<128x256xf32, #tpu.memory_space<vmem>>, vector<1x16xf32>,
      %swap3A_655 = vector.shape_cast %swap3A_654 : vector<1x16xf32> to vector<16xf32>
      %swap3A_656 = vector.shape_cast %get3A_88 : vector<16xf32> to vector<1x16xf32>
      tpu.vector_store %arg8[%swap3A_652, %swap3A_653], %swap3A_656 {strides = array<i32>} : memref<128x256xf32, #tpu.memory_space<vmem>>, vector<1x16xf32>,
      %swap3A_657 = arith.index_cast %scan3A_646 : i32 to index
      %swap3A_658 = arith.constant 160 : index
      %swap3A_659 = tpu.vector_load %arg8[%swap3A_657, %swap3A_658] {strides = array<i32>} : memref<128x256xf32, #tpu.memory_space<vmem>>, vector<1x16xf32>,
      %swap3A_660 = vector.shape_cast %swap3A_659 : vector<1x16xf32> to vector<16xf32>
      %swap3A_661 = vector.shape_cast %get3A_93 : vector<16xf32> to vector<1x16xf32>
      tpu.vector_store %arg8[%swap3A_657, %swap3A_658], %swap3A_661 {strides = array<i32>} : memref<128x256xf32, #tpu.memory_space<vmem>>, vector<1x16xf32>,
      %swap3A_662 = arith.index_cast %scan3A_646 : i32 to index
      %swap3A_663 = arith.constant 176 : index
      %swap3A_664 = tpu.vector_load %arg8[%swap3A_662, %swap3A_663] {strides = array<i32>} : memref<128x256xf32, #tpu.memory_space<vmem>>, vector<1x16xf32>,
      %swap3A_665 = vector.shape_cast %swap3A_664 : vector<1x16xf32> to vector<16xf32>
      %swap3A_666 = vector.shape_cast %get3A_98 : vector<16xf32> to vector<1x16xf32>
      tpu.vector_store %arg8[%swap3A_662, %swap3A_663], %swap3A_666 {strides = array<i32>} : memref<128x256xf32, #tpu.memory_space<vmem>>, vector<1x16xf32>,
      %swap3A_667 = arith.index_cast %scan3A_646 : i32 to index
      %swap3A_668 = arith.constant 192 : index
      %swap3A_669 = tpu.vector_load %arg8[%swap3A_667, %swap3A_668] {strides = array<i32>} : memref<128x256xf32, #tpu.memory_space<vmem>>, vector<1x16xf32>,
      %swap3A_670 = vector.shape_cast %swap3A_669 : vector<1x16xf32> to vector<16xf32>
      %swap3A_671 = vector.shape_cast %get3A_103 : vector<16xf32> to vector<1x16xf32>
      tpu.vector_store %arg8[%swap3A_667, %swap3A_668], %swap3A_671 {strides = array<i32>} : memref<128x256xf32, #tpu.memory_space<vmem>>, vector<1x16xf32>,
      %swap3A_672 = arith.index_cast %scan3A_646 : i32 to index
      %swap3A_673 = arith.constant 208 : index
      %swap3A_674 = tpu.vector_load %arg8[%swap3A_672, %swap3A_673] {strides = array<i32>} : memref<128x256xf32, #tpu.memory_space<vmem>>, vector<1x16xf32>,
      %swap3A_675 = vector.shape_cast %swap3A_674 : vector<1x16xf32> to vector<16xf32>
      %swap3A_676 = vector.shape_cast %get3A_108 : vector<16xf32> to vector<1x16xf32>
      tpu.vector_store %arg8[%swap3A_672, %swap3A_673], %swap3A_676 {strides = array<i32>} : memref<128x256xf32, #tpu.memory_space<vmem>>, vector<1x16xf32>,
      %swap3A_677 = arith.index_cast %scan3A_646 : i32 to index
      %swap3A_678 = arith.constant 224 : index
      %swap3A_679 = tpu.vector_load %arg8[%swap3A_677, %swap3A_678] {strides = array<i32>} : memref<128x256xf32, #tpu.memory_space<vmem>>, vector<1x16xf32>,
      %swap3A_680 = vector.shape_cast %swap3A_679 : vector<1x16xf32> to vector<16xf32>
      %swap3A_681 = vector.shape_cast %get3A_113 : vector<16xf32> to vector<1x16xf32>
      tpu.vector_store %arg8[%swap3A_677, %swap3A_678], %swap3A_681 {strides = array<i32>} : memref<128x256xf32, #tpu.memory_space<vmem>>, vector<1x16xf32>,
      %swap3A_682 = arith.index_cast %scan3A_646 : i32 to index
      %swap3A_683 = arith.constant 240 : index
      %swap3A_684 = tpu.vector_load %arg8[%swap3A_682, %swap3A_683] {strides = array<i32>} : memref<128x256xf32, #tpu.memory_space<vmem>>, vector<1x16xf32>,
      %swap3A_685 = vector.shape_cast %swap3A_684 : vector<1x16xf32> to vector<16xf32>
      %swap3A_686 = vector.shape_cast %get3A_118 : vector<16xf32> to vector<1x16xf32>
      tpu.vector_store %arg8[%swap3A_682, %swap3A_683], %swap3A_686 {strides = array<i32>} : memref<128x256xf32, #tpu.memory_space<vmem>>, vector<1x16xf32>,
      %scan3A_687 = arith.constant 0 : i32
      scf.yield %scan3A_687 : i32
    }
    %scan3A_147 = arith.constant 128 : i32
    %add3A_148 = arith.constant 1 : i32
    %add3A_149 = arith.addi %mul3A_2, %add3A_148 : i32
    %mul3A_150 = arith.constant 256 : i32
    %mul3A_151 = arith.muli %add3A_149, %mul3A_150 : i32
    %add3A_152 = arith.constant 128 : i32
    %add3A_153 = arith.addi %mul3A_151, %add3A_152 : i32
    %dma_start3A_154 = arith.constant 0 : i32
    %dma_start3A_155 = tpu.memref_slice %arg4[%add3A_153, %dma_start3A_154] : memref<65536x256xf32, #tpu.memory_space<hbm>> -> memref<128x256xf32, #tpu.memory_space<hbm>>
    %dma_start3A_156 = arith.constant 0 : i32
    %dma_start3A_157 = tpu.memref_slice %arg4[%add3A_153, %dma_start3A_156] : memref<65536x256xf32, #tpu.memory_space<hbm>> -> memref<128x256xf32, #tpu.memory_space<hbm>>
    tpu.enqueue_dma source(%arg8 : memref<128x256xf32, #tpu.memory_space<vmem>>) target(%dma_start3A_157 : memref<128x256xf32, #tpu.memory_space<hbm>>) target_semaphore(%arg10 : memref<!tpu.dma_semaphore, #tpu.memory_space<semaphore_mem>>)
    %get3A_158 = arith.constant 2 : i32
    %get3A_159 = arith.index_cast %get3A_158 : i32 to index
    %get3A_160 = arith.constant 0 : index
    %get3A_161 = tpu.vector_load %arg6[%get3A_159, %get3A_160] {strides = array<i32>} : memref<8x128xf32, #tpu.memory_space<vmem>>, vector<1x16xf32>,
    %get3A_162 = vector.shape_cast %get3A_161 : vector<1x16xf32> to vector<16xf32>
    %get3A_163 = arith.constant 2 : i32
    %get3A_164 = arith.index_cast %get3A_163 : i32 to index
    %get3A_165 = arith.constant 16 : index
    %get3A_166 = tpu.vector_load %arg6[%get3A_164, %get3A_165] {strides = array<i32>} : memref<8x128xf32, #tpu.memory_space<vmem>>, vector<1x16xf32>,
    %get3A_167 = vector.shape_cast %get3A_166 : vector<1x16xf32> to vector<16xf32>
    %get3A_168 = arith.constant 2 : i32
    %get3A_169 = arith.index_cast %get3A_168 : i32 to index
    %get3A_170 = arith.constant 32 : index
    %get3A_171 = tpu.vector_load %arg6[%get3A_169, %get3A_170] {strides = array<i32>} : memref<8x128xf32, #tpu.memory_space<vmem>>, vector<1x16xf32>,
    %get3A_172 = vector.shape_cast %get3A_171 : vector<1x16xf32> to vector<16xf32>
    %get3A_173 = arith.constant 2 : i32
    %get3A_174 = arith.index_cast %get3A_173 : i32 to index
    %get3A_175 = arith.constant 48 : index
    %get3A_176 = tpu.vector_load %arg6[%get3A_174, %get3A_175] {strides = array<i32>} : memref<8x128xf32, #tpu.memory_space<vmem>>, vector<1x16xf32>,
    %get3A_177 = vector.shape_cast %get3A_176 : vector<1x16xf32> to vector<16xf32>
    %get3A_178 = arith.constant 2 : i32
    %get3A_179 = arith.index_cast %get3A_178 : i32 to index
    %get3A_180 = arith.constant 64 : index
    %get3A_181 = tpu.vector_load %arg6[%get3A_179, %get3A_180] {strides = array<i32>} : memref<8x128xf32, #tpu.memory_space<vmem>>, vector<1x16xf32>,
    %get3A_182 = vector.shape_cast %get3A_181 : vector<1x16xf32> to vector<16xf32>
    %get3A_183 = arith.constant 2 : i32
    %get3A_184 = arith.index_cast %get3A_183 : i32 to index
    %get3A_185 = arith.constant 80 : index
    %get3A_186 = tpu.vector_load %arg6[%get3A_184, %get3A_185] {strides = array<i32>} : memref<8x128xf32, #tpu.memory_space<vmem>>, vector<1x16xf32>,
    %get3A_187 = vector.shape_cast %get3A_186 : vector<1x16xf32> to vector<16xf32>
    %get3A_188 = arith.constant 2 : i32
    %get3A_189 = arith.index_cast %get3A_188 : i32 to index
    %get3A_190 = arith.constant 96 : index
    %get3A_191 = tpu.vector_load %arg6[%get3A_189, %get3A_190] {strides = array<i32>} : memref<8x128xf32, #tpu.memory_space<vmem>>, vector<1x16xf32>,
    %get3A_192 = vector.shape_cast %get3A_191 : vector<1x16xf32> to vector<16xf32>
    %get3A_193 = arith.constant 2 : i32
    %get3A_194 = arith.index_cast %get3A_193 : i32 to index
    %get3A_195 = arith.constant 112 : index
    %get3A_196 = tpu.vector_load %arg6[%get3A_194, %get3A_195] {strides = array<i32>} : memref<8x128xf32, #tpu.memory_space<vmem>>, vector<1x16xf32>,
    %get3A_197 = vector.shape_cast %get3A_196 : vector<1x16xf32> to vector<16xf32>
    %dma_wait3A_198 = arith.constant 0 : i32
    %dma_wait3A_199 = tpu.memref_slice %arg4[%mul3A_132, %dma_wait3A_198] : memref<65536x256xf32, #tpu.memory_space<hbm>> -> memref<128x256xf32, #tpu.memory_space<hbm>>
    %dma_wait3A_200 = arith.constant 0 : i32
    %dma_wait3A_201 = tpu.memref_slice %arg4[%mul3A_132, %dma_wait3A_200] : memref<65536x256xf32, #tpu.memory_space<hbm>> -> memref<128x256xf32, #tpu.memory_space<hbm>>
    tpu.wait_dma2 semaphore(%arg9 : memref<!tpu.dma_semaphore, #tpu.memory_space<semaphore_mem>>) src(%arg7 : memref<128x256xf32, #tpu.memory_space<vmem>>) dst(%dma_wait3A_201 : memref<128x256xf32, #tpu.memory_space<hbm>>)
    %scan3A_202 = arith.constant 0 : i32
    %scan3A_203 = arith.constant 0 : i32
    %scan3A_204 = arith.constant 128 : i32
    %scan3A_205 = arith.addi %scan3A_203, %scan3A_204 : i32
    %scan3A_206 = arith.constant 1 : i32
    %scan3A_207 = scf.for %scan3A_646 = %scan3A_203 to %scan3A_205 step %scan3A_206 iter_args(%scan3A_647 = %scan3A_202) -> (i32)  : i32 {
      %swap3A = arith.index_cast %scan3A_646 : i32 to index
      %swap3A_648 = arith.constant 128 : index
      %swap3A_649 = tpu.vector_load %arg7[%swap3A, %swap3A_648] {strides = array<i32>} : memref<128x256xf32, #tpu.memory_space<vmem>>, vector<1x16xf32>,
      %swap3A_650 = vector.shape_cast %swap3A_649 : vector<1x16xf32> to vector<16xf32>
      %swap3A_651 = vector.shape_cast %get3A_162 : vector<16xf32> to vector<1x16xf32>
      tpu.vector_store %arg7[%swap3A, %swap3A_648], %swap3A_651 {strides = array<i32>} : memref<128x256xf32, #tpu.memory_space<vmem>>, vector<1x16xf32>,
      %swap3A_652 = arith.index_cast %scan3A_646 : i32 to index
      %swap3A_653 = arith.constant 144 : index
      %swap3A_654 = tpu.vector_load %arg7[%swap3A_652, %swap3A_653] {strides = array<i32>} : memref<128x256xf32, #tpu.memory_space<vmem>>, vector<1x16xf32>,
      %swap3A_655 = vector.shape_cast %swap3A_654 : vector<1x16xf32> to vector<16xf32>
      %swap3A_656 = vector.shape_cast %get3A_167 : vector<16xf32> to vector<1x16xf32>
      tpu.vector_store %arg7[%swap3A_652, %swap3A_653], %swap3A_656 {strides = array<i32>} : memref<128x256xf32, #tpu.memory_space<vmem>>, vector<1x16xf32>,
      %swap3A_657 = arith.index_cast %scan3A_646 : i32 to index
      %swap3A_658 = arith.constant 160 : index
      %swap3A_659 = tpu.vector_load %arg7[%swap3A_657, %swap3A_658] {strides = array<i32>} : memref<128x256xf32, #tpu.memory_space<vmem>>, vector<1x16xf32>,
      %swap3A_660 = vector.shape_cast %swap3A_659 : vector<1x16xf32> to vector<16xf32>
      %swap3A_661 = vector.shape_cast %get3A_172 : vector<16xf32> to vector<1x16xf32>
      tpu.vector_store %arg7[%swap3A_657, %swap3A_658], %swap3A_661 {strides = array<i32>} : memref<128x256xf32, #tpu.memory_space<vmem>>, vector<1x16xf32>,
      %swap3A_662 = arith.index_cast %scan3A_646 : i32 to index
      %swap3A_663 = arith.constant 176 : index
      %swap3A_664 = tpu.vector_load %arg7[%swap3A_662, %swap3A_663] {strides = array<i32>} : memref<128x256xf32, #tpu.memory_space<vmem>>, vector<1x16xf32>,
      %swap3A_665 = vector.shape_cast %swap3A_664 : vector<1x16xf32> to vector<16xf32>
      %swap3A_666 = vector.shape_cast %get3A_177 : vector<16xf32> to vector<1x16xf32>
      tpu.vector_store %arg7[%swap3A_662, %swap3A_663], %swap3A_666 {strides = array<i32>} : memref<128x256xf32, #tpu.memory_space<vmem>>, vector<1x16xf32>,
      %swap3A_667 = arith.index_cast %scan3A_646 : i32 to index
      %swap3A_668 = arith.constant 192 : index
      %swap3A_669 = tpu.vector_load %arg7[%swap3A_667, %swap3A_668] {strides = array<i32>} : memref<128x256xf32, #tpu.memory_space<vmem>>, vector<1x16xf32>,
      %swap3A_670 = vector.shape_cast %swap3A_669 : vector<1x16xf32> to vector<16xf32>
      %swap3A_671 = vector.shape_cast %get3A_182 : vector<16xf32> to vector<1x16xf32>
      tpu.vector_store %arg7[%swap3A_667, %swap3A_668], %swap3A_671 {strides = array<i32>} : memref<128x256xf32, #tpu.memory_space<vmem>>, vector<1x16xf32>,
      %swap3A_672 = arith.index_cast %scan3A_646 : i32 to index
      %swap3A_673 = arith.constant 208 : index
      %swap3A_674 = tpu.vector_load %arg7[%swap3A_672, %swap3A_673] {strides = array<i32>} : memref<128x256xf32, #tpu.memory_space<vmem>>, vector<1x16xf32>,
      %swap3A_675 = vector.shape_cast %swap3A_674 : vector<1x16xf32> to vector<16xf32>
      %swap3A_676 = vector.shape_cast %get3A_187 : vector<16xf32> to vector<1x16xf32>
      tpu.vector_store %arg7[%swap3A_672, %swap3A_673], %swap3A_676 {strides = array<i32>} : memref<128x256xf32, #tpu.memory_space<vmem>>, vector<1x16xf32>,
      %swap3A_677 = arith.index_cast %scan3A_646 : i32 to index
      %swap3A_678 = arith.constant 224 : index
      %swap3A_679 = tpu.vector_load %arg7[%swap3A_677, %swap3A_678] {strides = array<i32>} : memref<128x256xf32, #tpu.memory_space<vmem>>, vector<1x16xf32>,
      %swap3A_680 = vector.shape_cast %swap3A_679 : vector<1x16xf32> to vector<16xf32>
      %swap3A_681 = vector.shape_cast %get3A_192 : vector<16xf32> to vector<1x16xf32>
      tpu.vector_store %arg7[%swap3A_677, %swap3A_678], %swap3A_681 {strides = array<i32>} : memref<128x256xf32, #tpu.memory_space<vmem>>, vector<1x16xf32>,
      %swap3A_682 = arith.index_cast %scan3A_646 : i32 to index
      %swap3A_683 = arith.constant 240 : index
      %swap3A_684 = tpu.vector_load %arg7[%swap3A_682, %swap3A_683] {strides = array<i32>} : memref<128x256xf32, #tpu.memory_space<vmem>>, vector<1x16xf32>,
      %swap3A_685 = vector.shape_cast %swap3A_684 : vector<1x16xf32> to vector<16xf32>
      %swap3A_686 = vector.shape_cast %get3A_197 : vector<16xf32> to vector<1x16xf32>
      tpu.vector_store %arg7[%swap3A_682, %swap3A_683], %swap3A_686 {strides = array<i32>} : memref<128x256xf32, #tpu.memory_space<vmem>>, vector<1x16xf32>,
      %scan3A_687 = arith.constant 0 : i32
      scf.yield %scan3A_687 : i32
    }
    %scan3A_208 = arith.constant 128 : i32
    %add3A_209 = arith.constant 2 : i32
    %add3A_210 = arith.addi %mul3A_2, %add3A_209 : i32
    %mul3A_211 = arith.constant 256 : i32
    %mul3A_212 = arith.muli %add3A_210, %mul3A_211 : i32
    %dma_start3A_213 = arith.constant 0 : i32
    %dma_start3A_214 = tpu.memref_slice %arg4[%mul3A_212, %dma_start3A_213] : memref<65536x256xf32, #tpu.memory_space<hbm>> -> memref<128x256xf32, #tpu.memory_space<hbm>>
    %dma_start3A_215 = arith.constant 0 : i32
    %dma_start3A_216 = tpu.memref_slice %arg4[%mul3A_212, %dma_start3A_215] : memref<65536x256xf32, #tpu.memory_space<hbm>> -> memref<128x256xf32, #tpu.memory_space<hbm>>
    tpu.enqueue_dma source(%arg7 : memref<128x256xf32, #tpu.memory_space<vmem>>) target(%dma_start3A_216 : memref<128x256xf32, #tpu.memory_space<hbm>>) target_semaphore(%arg9 : memref<!tpu.dma_semaphore, #tpu.memory_space<semaphore_mem>>)
    %dma_wait3A_217 = arith.constant 0 : i32
    %dma_wait3A_218 = tpu.memref_slice %arg4[%add3A_153, %dma_wait3A_217] : memref<65536x256xf32, #tpu.memory_space<hbm>> -> memref<128x256xf32, #tpu.memory_space<hbm>>
    %dma_wait3A_219 = arith.constant 0 : i32
    %dma_wait3A_220 = tpu.memref_slice %arg4[%add3A_153, %dma_wait3A_219] : memref<65536x256xf32, #tpu.memory_space<hbm>> -> memref<128x256xf32, #tpu.memory_space<hbm>>
    tpu.wait_dma2 semaphore(%arg10 : memref<!tpu.dma_semaphore, #tpu.memory_space<semaphore_mem>>) src(%arg8 : memref<128x256xf32, #tpu.memory_space<vmem>>) dst(%dma_wait3A_220 : memref<128x256xf32, #tpu.memory_space<hbm>>)
    %scan3A_221 = arith.constant 0 : i32
    %scan3A_222 = arith.constant 0 : i32
    %scan3A_223 = arith.constant 128 : i32
    %scan3A_224 = arith.addi %scan3A_222, %scan3A_223 : i32
    %scan3A_225 = arith.constant 1 : i32
    %scan3A_226 = scf.for %scan3A_646 = %scan3A_222 to %scan3A_224 step %scan3A_225 iter_args(%scan3A_647 = %scan3A_221) -> (i32)  : i32 {
      %swap3A = arith.index_cast %scan3A_646 : i32 to index
      %swap3A_648 = arith.constant 128 : index
      %swap3A_649 = tpu.vector_load %arg8[%swap3A, %swap3A_648] {strides = array<i32>} : memref<128x256xf32, #tpu.memory_space<vmem>>, vector<1x16xf32>,
      %swap3A_650 = vector.shape_cast %swap3A_649 : vector<1x16xf32> to vector<16xf32>
      %swap3A_651 = vector.shape_cast %get3A_162 : vector<16xf32> to vector<1x16xf32>
      tpu.vector_store %arg8[%swap3A, %swap3A_648], %swap3A_651 {strides = array<i32>} : memref<128x256xf32, #tpu.memory_space<vmem>>, vector<1x16xf32>,
      %swap3A_652 = arith.index_cast %scan3A_646 : i32 to index
      %swap3A_653 = arith.constant 144 : index
      %swap3A_654 = tpu.vector_load %arg8[%swap3A_652, %swap3A_653] {strides = array<i32>} : memref<128x256xf32, #tpu.memory_space<vmem>>, vector<1x16xf32>,
      %swap3A_655 = vector.shape_cast %swap3A_654 : vector<1x16xf32> to vector<16xf32>
      %swap3A_656 = vector.shape_cast %get3A_167 : vector<16xf32> to vector<1x16xf32>
      tpu.vector_store %arg8[%swap3A_652, %swap3A_653], %swap3A_656 {strides = array<i32>} : memref<128x256xf32, #tpu.memory_space<vmem>>, vector<1x16xf32>,
      %swap3A_657 = arith.index_cast %scan3A_646 : i32 to index
      %swap3A_658 = arith.constant 160 : index
      %swap3A_659 = tpu.vector_load %arg8[%swap3A_657, %swap3A_658] {strides = array<i32>} : memref<128x256xf32, #tpu.memory_space<vmem>>, vector<1x16xf32>,
      %swap3A_660 = vector.shape_cast %swap3A_659 : vector<1x16xf32> to vector<16xf32>
      %swap3A_661 = vector.shape_cast %get3A_172 : vector<16xf32> to vector<1x16xf32>
      tpu.vector_store %arg8[%swap3A_657, %swap3A_658], %swap3A_661 {strides = array<i32>} : memref<128x256xf32, #tpu.memory_space<vmem>>, vector<1x16xf32>,
      %swap3A_662 = arith.index_cast %scan3A_646 : i32 to index
      %swap3A_663 = arith.constant 176 : index
      %swap3A_664 = tpu.vector_load %arg8[%swap3A_662, %swap3A_663] {strides = array<i32>} : memref<128x256xf32, #tpu.memory_space<vmem>>, vector<1x16xf32>,
      %swap3A_665 = vector.shape_cast %swap3A_664 : vector<1x16xf32> to vector<16xf32>
      %swap3A_666 = vector.shape_cast %get3A_177 : vector<16xf32> to vector<1x16xf32>
      tpu.vector_store %arg8[%swap3A_662, %swap3A_663], %swap3A_666 {strides = array<i32>} : memref<128x256xf32, #tpu.memory_space<vmem>>, vector<1x16xf32>,
      %swap3A_667 = arith.index_cast %scan3A_646 : i32 to index
      %swap3A_668 = arith.constant 192 : index
      %swap3A_669 = tpu.vector_load %arg8[%swap3A_667, %swap3A_668] {strides = array<i32>} : memref<128x256xf32, #tpu.memory_space<vmem>>, vector<1x16xf32>,
      %swap3A_670 = vector.shape_cast %swap3A_669 : vector<1x16xf32> to vector<16xf32>
      %swap3A_671 = vector.shape_cast %get3A_182 : vector<16xf32> to vector<1x16xf32>
      tpu.vector_store %arg8[%swap3A_667, %swap3A_668], %swap3A_671 {strides = array<i32>} : memref<128x256xf32, #tpu.memory_space<vmem>>, vector<1x16xf32>,
      %swap3A_672 = arith.index_cast %scan3A_646 : i32 to index
      %swap3A_673 = arith.constant 208 : index
      %swap3A_674 = tpu.vector_load %arg8[%swap3A_672, %swap3A_673] {strides = array<i32>} : memref<128x256xf32, #tpu.memory_space<vmem>>, vector<1x16xf32>,
      %swap3A_675 = vector.shape_cast %swap3A_674 : vector<1x16xf32> to vector<16xf32>
      %swap3A_676 = vector.shape_cast %get3A_187 : vector<16xf32> to vector<1x16xf32>
      tpu.vector_store %arg8[%swap3A_672, %swap3A_673], %swap3A_676 {strides = array<i32>} : memref<128x256xf32, #tpu.memory_space<vmem>>, vector<1x16xf32>,
      %swap3A_677 = arith.index_cast %scan3A_646 : i32 to index
      %swap3A_678 = arith.constant 224 : index
      %swap3A_679 = tpu.vector_load %arg8[%swap3A_677, %swap3A_678] {strides = array<i32>} : memref<128x256xf32, #tpu.memory_space<vmem>>, vector<1x16xf32>,
      %swap3A_680 = vector.shape_cast %swap3A_679 : vector<1x16xf32> to vector<16xf32>
      %swap3A_681 = vector.shape_cast %get3A_192 : vector<16xf32> to vector<1x16xf32>
      tpu.vector_store %arg8[%swap3A_677, %swap3A_678], %swap3A_681 {strides = array<i32>} : memref<128x256xf32, #tpu.memory_space<vmem>>, vector<1x16xf32>,
      %swap3A_682 = arith.index_cast %scan3A_646 : i32 to index
      %swap3A_683 = arith.constant 240 : index
      %swap3A_684 = tpu.vector_load %arg8[%swap3A_682, %swap3A_683] {strides = array<i32>} : memref<128x256xf32, #tpu.memory_space<vmem>>, vector<1x16xf32>,
      %swap3A_685 = vector.shape_cast %swap3A_684 : vector<1x16xf32> to vector<16xf32>
      %swap3A_686 = vector.shape_cast %get3A_197 : vector<16xf32> to vector<1x16xf32>
      tpu.vector_store %arg8[%swap3A_682, %swap3A_683], %swap3A_686 {strides = array<i32>} : memref<128x256xf32, #tpu.memory_space<vmem>>, vector<1x16xf32>,
      %scan3A_687 = arith.constant 0 : i32
      scf.yield %scan3A_687 : i32
    }
    %scan3A_227 = arith.constant 128 : i32
    %add3A_228 = arith.constant 2 : i32
    %add3A_229 = arith.addi %mul3A_2, %add3A_228 : i32
    %mul3A_230 = arith.constant 256 : i32
    %mul3A_231 = arith.muli %add3A_229, %mul3A_230 : i32
    %add3A_232 = arith.constant 128 : i32
    %add3A_233 = arith.addi %mul3A_231, %add3A_232 : i32
    %dma_start3A_234 = arith.constant 0 : i32
    %dma_start3A_235 = tpu.memref_slice %arg4[%add3A_233, %dma_start3A_234] : memref<65536x256xf32, #tpu.memory_space<hbm>> -> memref<128x256xf32, #tpu.memory_space<hbm>>
    %dma_start3A_236 = arith.constant 0 : i32
    %dma_start3A_237 = tpu.memref_slice %arg4[%add3A_233, %dma_start3A_236] : memref<65536x256xf32, #tpu.memory_space<hbm>> -> memref<128x256xf32, #tpu.memory_space<hbm>>
    tpu.enqueue_dma source(%arg8 : memref<128x256xf32, #tpu.memory_space<vmem>>) target(%dma_start3A_237 : memref<128x256xf32, #tpu.memory_space<hbm>>) target_semaphore(%arg10 : memref<!tpu.dma_semaphore, #tpu.memory_space<semaphore_mem>>)
    %get3A_238 = arith.constant 3 : i32
    %get3A_239 = arith.index_cast %get3A_238 : i32 to index
    %get3A_240 = arith.constant 0 : index
    %get3A_241 = tpu.vector_load %arg6[%get3A_239, %get3A_240] {strides = array<i32>} : memref<8x128xf32, #tpu.memory_space<vmem>>, vector<1x16xf32>,
    %get3A_242 = vector.shape_cast %get3A_241 : vector<1x16xf32> to vector<16xf32>
    %get3A_243 = arith.constant 3 : i32
    %get3A_244 = arith.index_cast %get3A_243 : i32 to index
    %get3A_245 = arith.constant 16 : index
    %get3A_246 = tpu.vector_load %arg6[%get3A_244, %get3A_245] {strides = array<i32>} : memref<8x128xf32, #tpu.memory_space<vmem>>, vector<1x16xf32>,
    %get3A_247 = vector.shape_cast %get3A_246 : vector<1x16xf32> to vector<16xf32>
    %get3A_248 = arith.constant 3 : i32
    %get3A_249 = arith.index_cast %get3A_248 : i32 to index
    %get3A_250 = arith.constant 32 : index
    %get3A_251 = tpu.vector_load %arg6[%get3A_249, %get3A_250] {strides = array<i32>} : memref<8x128xf32, #tpu.memory_space<vmem>>, vector<1x16xf32>,
    %get3A_252 = vector.shape_cast %get3A_251 : vector<1x16xf32> to vector<16xf32>
    %get3A_253 = arith.constant 3 : i32
    %get3A_254 = arith.index_cast %get3A_253 : i32 to index
    %get3A_255 = arith.constant 48 : index
    %get3A_256 = tpu.vector_load %arg6[%get3A_254, %get3A_255] {strides = array<i32>} : memref<8x128xf32, #tpu.memory_space<vmem>>, vector<1x16xf32>,
    %get3A_257 = vector.shape_cast %get3A_256 : vector<1x16xf32> to vector<16xf32>
    %get3A_258 = arith.constant 3 : i32
    %get3A_259 = arith.index_cast %get3A_258 : i32 to index
    %get3A_260 = arith.constant 64 : index
    %get3A_261 = tpu.vector_load %arg6[%get3A_259, %get3A_260] {strides = array<i32>} : memref<8x128xf32, #tpu.memory_space<vmem>>, vector<1x16xf32>,
    %get3A_262 = vector.shape_cast %get3A_261 : vector<1x16xf32> to vector<16xf32>
    %get3A_263 = arith.constant 3 : i32
    %get3A_264 = arith.index_cast %get3A_263 : i32 to index
    %get3A_265 = arith.constant 80 : index
    %get3A_266 = tpu.vector_load %arg6[%get3A_264, %get3A_265] {strides = array<i32>} : memref<8x128xf32, #tpu.memory_space<vmem>>, vector<1x16xf32>,
    %get3A_267 = vector.shape_cast %get3A_266 : vector<1x16xf32> to vector<16xf32>
    %get3A_268 = arith.constant 3 : i32
    %get3A_269 = arith.index_cast %get3A_268 : i32 to index
    %get3A_270 = arith.constant 96 : index
    %get3A_271 = tpu.vector_load %arg6[%get3A_269, %get3A_270] {strides = array<i32>} : memref<8x128xf32, #tpu.memory_space<vmem>>, vector<1x16xf32>,
    %get3A_272 = vector.shape_cast %get3A_271 : vector<1x16xf32> to vector<16xf32>
    %get3A_273 = arith.constant 3 : i32
    %get3A_274 = arith.index_cast %get3A_273 : i32 to index
    %get3A_275 = arith.constant 112 : index
    %get3A_276 = tpu.vector_load %arg6[%get3A_274, %get3A_275] {strides = array<i32>} : memref<8x128xf32, #tpu.memory_space<vmem>>, vector<1x16xf32>,
    %get3A_277 = vector.shape_cast %get3A_276 : vector<1x16xf32> to vector<16xf32>
    %dma_wait3A_278 = arith.constant 0 : i32
    %dma_wait3A_279 = tpu.memref_slice %arg4[%mul3A_212, %dma_wait3A_278] : memref<65536x256xf32, #tpu.memory_space<hbm>> -> memref<128x256xf32, #tpu.memory_space<hbm>>
    %dma_wait3A_280 = arith.constant 0 : i32
    %dma_wait3A_281 = tpu.memref_slice %arg4[%mul3A_212, %dma_wait3A_280] : memref<65536x256xf32, #tpu.memory_space<hbm>> -> memref<128x256xf32, #tpu.memory_space<hbm>>
    tpu.wait_dma2 semaphore(%arg9 : memref<!tpu.dma_semaphore, #tpu.memory_space<semaphore_mem>>) src(%arg7 : memref<128x256xf32, #tpu.memory_space<vmem>>) dst(%dma_wait3A_281 : memref<128x256xf32, #tpu.memory_space<hbm>>)
    %scan3A_282 = arith.constant 0 : i32
    %scan3A_283 = arith.constant 0 : i32
    %scan3A_284 = arith.constant 128 : i32
    %scan3A_285 = arith.addi %scan3A_283, %scan3A_284 : i32
    %scan3A_286 = arith.constant 1 : i32
    %scan3A_287 = scf.for %scan3A_646 = %scan3A_283 to %scan3A_285 step %scan3A_286 iter_args(%scan3A_647 = %scan3A_282) -> (i32)  : i32 {
      %swap3A = arith.index_cast %scan3A_646 : i32 to index
      %swap3A_648 = arith.constant 128 : index
      %swap3A_649 = tpu.vector_load %arg7[%swap3A, %swap3A_648] {strides = array<i32>} : memref<128x256xf32, #tpu.memory_space<vmem>>, vector<1x16xf32>,
      %swap3A_650 = vector.shape_cast %swap3A_649 : vector<1x16xf32> to vector<16xf32>
      %swap3A_651 = vector.shape_cast %get3A_242 : vector<16xf32> to vector<1x16xf32>
      tpu.vector_store %arg7[%swap3A, %swap3A_648], %swap3A_651 {strides = array<i32>} : memref<128x256xf32, #tpu.memory_space<vmem>>, vector<1x16xf32>,
      %swap3A_652 = arith.index_cast %scan3A_646 : i32 to index
      %swap3A_653 = arith.constant 144 : index
      %swap3A_654 = tpu.vector_load %arg7[%swap3A_652, %swap3A_653] {strides = array<i32>} : memref<128x256xf32, #tpu.memory_space<vmem>>, vector<1x16xf32>,
      %swap3A_655 = vector.shape_cast %swap3A_654 : vector<1x16xf32> to vector<16xf32>
      %swap3A_656 = vector.shape_cast %get3A_247 : vector<16xf32> to vector<1x16xf32>
      tpu.vector_store %arg7[%swap3A_652, %swap3A_653], %swap3A_656 {strides = array<i32>} : memref<128x256xf32, #tpu.memory_space<vmem>>, vector<1x16xf32>,
      %swap3A_657 = arith.index_cast %scan3A_646 : i32 to index
      %swap3A_658 = arith.constant 160 : index
      %swap3A_659 = tpu.vector_load %arg7[%swap3A_657, %swap3A_658] {strides = array<i32>} : memref<128x256xf32, #tpu.memory_space<vmem>>, vector<1x16xf32>,
      %swap3A_660 = vector.shape_cast %swap3A_659 : vector<1x16xf32> to vector<16xf32>
      %swap3A_661 = vector.shape_cast %get3A_252 : vector<16xf32> to vector<1x16xf32>
      tpu.vector_store %arg7[%swap3A_657, %swap3A_658], %swap3A_661 {strides = array<i32>} : memref<128x256xf32, #tpu.memory_space<vmem>>, vector<1x16xf32>,
      %swap3A_662 = arith.index_cast %scan3A_646 : i32 to index
      %swap3A_663 = arith.constant 176 : index
      %swap3A_664 = tpu.vector_load %arg7[%swap3A_662, %swap3A_663] {strides = array<i32>} : memref<128x256xf32, #tpu.memory_space<vmem>>, vector<1x16xf32>,
      %swap3A_665 = vector.shape_cast %swap3A_664 : vector<1x16xf32> to vector<16xf32>
      %swap3A_666 = vector.shape_cast %get3A_257 : vector<16xf32> to vector<1x16xf32>
      tpu.vector_store %arg7[%swap3A_662, %swap3A_663], %swap3A_666 {strides = array<i32>} : memref<128x256xf32, #tpu.memory_space<vmem>>, vector<1x16xf32>,
      %swap3A_667 = arith.index_cast %scan3A_646 : i32 to index
      %swap3A_668 = arith.constant 192 : index
      %swap3A_669 = tpu.vector_load %arg7[%swap3A_667, %swap3A_668] {strides = array<i32>} : memref<128x256xf32, #tpu.memory_space<vmem>>, vector<1x16xf32>,
      %swap3A_670 = vector.shape_cast %swap3A_669 : vector<1x16xf32> to vector<16xf32>
      %swap3A_671 = vector.shape_cast %get3A_262 : vector<16xf32> to vector<1x16xf32>
      tpu.vector_store %arg7[%swap3A_667, %swap3A_668], %swap3A_671 {strides = array<i32>} : memref<128x256xf32, #tpu.memory_space<vmem>>, vector<1x16xf32>,
      %swap3A_672 = arith.index_cast %scan3A_646 : i32 to index
      %swap3A_673 = arith.constant 208 : index
      %swap3A_674 = tpu.vector_load %arg7[%swap3A_672, %swap3A_673] {strides = array<i32>} : memref<128x256xf32, #tpu.memory_space<vmem>>, vector<1x16xf32>,
      %swap3A_675 = vector.shape_cast %swap3A_674 : vector<1x16xf32> to vector<16xf32>
      %swap3A_676 = vector.shape_cast %get3A_267 : vector<16xf32> to vector<1x16xf32>
      tpu.vector_store %arg7[%swap3A_672, %swap3A_673], %swap3A_676 {strides = array<i32>} : memref<128x256xf32, #tpu.memory_space<vmem>>, vector<1x16xf32>,
      %swap3A_677 = arith.index_cast %scan3A_646 : i32 to index
      %swap3A_678 = arith.constant 224 : index
      %swap3A_679 = tpu.vector_load %arg7[%swap3A_677, %swap3A_678] {strides = array<i32>} : memref<128x256xf32, #tpu.memory_space<vmem>>, vector<1x16xf32>,
      %swap3A_680 = vector.shape_cast %swap3A_679 : vector<1x16xf32> to vector<16xf32>
      %swap3A_681 = vector.shape_cast %get3A_272 : vector<16xf32> to vector<1x16xf32>
      tpu.vector_store %arg7[%swap3A_677, %swap3A_678], %swap3A_681 {strides = array<i32>} : memref<128x256xf32, #tpu.memory_space<vmem>>, vector<1x16xf32>,
      %swap3A_682 = arith.index_cast %scan3A_646 : i32 to index
      %swap3A_683 = arith.constant 240 : index
      %swap3A_684 = tpu.vector_load %arg7[%swap3A_682, %swap3A_683] {strides = array<i32>} : memref<128x256xf32, #tpu.memory_space<vmem>>, vector<1x16xf32>,
      %swap3A_685 = vector.shape_cast %swap3A_684 : vector<1x16xf32> to vector<16xf32>
      %swap3A_686 = vector.shape_cast %get3A_277 : vector<16xf32> to vector<1x16xf32>
      tpu.vector_store %arg7[%swap3A_682, %swap3A_683], %swap3A_686 {strides = array<i32>} : memref<128x256xf32, #tpu.memory_space<vmem>>, vector<1x16xf32>,
      %scan3A_687 = arith.constant 0 : i32
      scf.yield %scan3A_687 : i32
    }
    %scan3A_288 = arith.constant 128 : i32
    %add3A_289 = arith.constant 3 : i32
    %add3A_290 = arith.addi %mul3A_2, %add3A_289 : i32
    %mul3A_291 = arith.constant 256 : i32
    %mul3A_292 = arith.muli %add3A_290, %mul3A_291 : i32
    %dma_start3A_293 = arith.constant 0 : i32
    %dma_start3A_294 = tpu.memref_slice %arg4[%mul3A_292, %dma_start3A_293] : memref<65536x256xf32, #tpu.memory_space<hbm>> -> memref<128x256xf32, #tpu.memory_space<hbm>>
    %dma_start3A_295 = arith.constant 0 : i32
    %dma_start3A_296 = tpu.memref_slice %arg4[%mul3A_292, %dma_start3A_295] : memref<65536x256xf32, #tpu.memory_space<hbm>> -> memref<128x256xf32, #tpu.memory_space<hbm>>
    tpu.enqueue_dma source(%arg7 : memref<128x256xf32, #tpu.memory_space<vmem>>) target(%dma_start3A_296 : memref<128x256xf32, #tpu.memory_space<hbm>>) target_semaphore(%arg9 : memref<!tpu.dma_semaphore, #tpu.memory_space<semaphore_mem>>)
    %dma_wait3A_297 = arith.constant 0 : i32
    %dma_wait3A_298 = tpu.memref_slice %arg4[%add3A_233, %dma_wait3A_297] : memref<65536x256xf32, #tpu.memory_space<hbm>> -> memref<128x256xf32, #tpu.memory_space<hbm>>
    %dma_wait3A_299 = arith.constant 0 : i32
    %dma_wait3A_300 = tpu.memref_slice %arg4[%add3A_233, %dma_wait3A_299] : memref<65536x256xf32, #tpu.memory_space<hbm>> -> memref<128x256xf32, #tpu.memory_space<hbm>>
    tpu.wait_dma2 semaphore(%arg10 : memref<!tpu.dma_semaphore, #tpu.memory_space<semaphore_mem>>) src(%arg8 : memref<128x256xf32, #tpu.memory_space<vmem>>) dst(%dma_wait3A_300 : memref<128x256xf32, #tpu.memory_space<hbm>>)
    %scan3A_301 = arith.constant 0 : i32
    %scan3A_302 = arith.constant 0 : i32
    %scan3A_303 = arith.constant 128 : i32
    %scan3A_304 = arith.addi %scan3A_302, %scan3A_303 : i32
    %scan3A_305 = arith.constant 1 : i32
    %scan3A_306 = scf.for %scan3A_646 = %scan3A_302 to %scan3A_304 step %scan3A_305 iter_args(%scan3A_647 = %scan3A_301) -> (i32)  : i32 {
      %swap3A = arith.index_cast %scan3A_646 : i32 to index
      %swap3A_648 = arith.constant 128 : index
      %swap3A_649 = tpu.vector_load %arg8[%swap3A, %swap3A_648] {strides = array<i32>} : memref<128x256xf32, #tpu.memory_space<vmem>>, vector<1x16xf32>,
      %swap3A_650 = vector.shape_cast %swap3A_649 : vector<1x16xf32> to vector<16xf32>
      %swap3A_651 = vector.shape_cast %get3A_242 : vector<16xf32> to vector<1x16xf32>
      tpu.vector_store %arg8[%swap3A, %swap3A_648], %swap3A_651 {strides = array<i32>} : memref<128x256xf32, #tpu.memory_space<vmem>>, vector<1x16xf32>,
      %swap3A_652 = arith.index_cast %scan3A_646 : i32 to index
      %swap3A_653 = arith.constant 144 : index
      %swap3A_654 = tpu.vector_load %arg8[%swap3A_652, %swap3A_653] {strides = array<i32>} : memref<128x256xf32, #tpu.memory_space<vmem>>, vector<1x16xf32>,
      %swap3A_655 = vector.shape_cast %swap3A_654 : vector<1x16xf32> to vector<16xf32>
      %swap3A_656 = vector.shape_cast %get3A_247 : vector<16xf32> to vector<1x16xf32>
      tpu.vector_store %arg8[%swap3A_652, %swap3A_653], %swap3A_656 {strides = array<i32>} : memref<128x256xf32, #tpu.memory_space<vmem>>, vector<1x16xf32>,
      %swap3A_657 = arith.index_cast %scan3A_646 : i32 to index
      %swap3A_658 = arith.constant 160 : index
      %swap3A_659 = tpu.vector_load %arg8[%swap3A_657, %swap3A_658] {strides = array<i32>} : memref<128x256xf32, #tpu.memory_space<vmem>>, vector<1x16xf32>,
      %swap3A_660 = vector.shape_cast %swap3A_659 : vector<1x16xf32> to vector<16xf32>
      %swap3A_661 = vector.shape_cast %get3A_252 : vector<16xf32> to vector<1x16xf32>
      tpu.vector_store %arg8[%swap3A_657, %swap3A_658], %swap3A_661 {strides = array<i32>} : memref<128x256xf32, #tpu.memory_space<vmem>>, vector<1x16xf32>,
      %swap3A_662 = arith.index_cast %scan3A_646 : i32 to index
      %swap3A_663 = arith.constant 176 : index
      %swap3A_664 = tpu.vector_load %arg8[%swap3A_662, %swap3A_663] {strides = array<i32>} : memref<128x256xf32, #tpu.memory_space<vmem>>, vector<1x16xf32>,
      %swap3A_665 = vector.shape_cast %swap3A_664 : vector<1x16xf32> to vector<16xf32>
      %swap3A_666 = vector.shape_cast %get3A_257 : vector<16xf32> to vector<1x16xf32>
      tpu.vector_store %arg8[%swap3A_662, %swap3A_663], %swap3A_666 {strides = array<i32>} : memref<128x256xf32, #tpu.memory_space<vmem>>, vector<1x16xf32>,
      %swap3A_667 = arith.index_cast %scan3A_646 : i32 to index
      %swap3A_668 = arith.constant 192 : index
      %swap3A_669 = tpu.vector_load %arg8[%swap3A_667, %swap3A_668] {strides = array<i32>} : memref<128x256xf32, #tpu.memory_space<vmem>>, vector<1x16xf32>,
      %swap3A_670 = vector.shape_cast %swap3A_669 : vector<1x16xf32> to vector<16xf32>
      %swap3A_671 = vector.shape_cast %get3A_262 : vector<16xf32> to vector<1x16xf32>
      tpu.vector_store %arg8[%swap3A_667, %swap3A_668], %swap3A_671 {strides = array<i32>} : memref<128x256xf32, #tpu.memory_space<vmem>>, vector<1x16xf32>,
      %swap3A_672 = arith.index_cast %scan3A_646 : i32 to index
      %swap3A_673 = arith.constant 208 : index
      %swap3A_674 = tpu.vector_load %arg8[%swap3A_672, %swap3A_673] {strides = array<i32>} : memref<128x256xf32, #tpu.memory_space<vmem>>, vector<1x16xf32>,
      %swap3A_675 = vector.shape_cast %swap3A_674 : vector<1x16xf32> to vector<16xf32>
      %swap3A_676 = vector.shape_cast %get3A_267 : vector<16xf32> to vector<1x16xf32>
      tpu.vector_store %arg8[%swap3A_672, %swap3A_673], %swap3A_676 {strides = array<i32>} : memref<128x256xf32, #tpu.memory_space<vmem>>, vector<1x16xf32>,
      %swap3A_677 = arith.index_cast %scan3A_646 : i32 to index
      %swap3A_678 = arith.constant 224 : index
      %swap3A_679 = tpu.vector_load %arg8[%swap3A_677, %swap3A_678] {strides = array<i32>} : memref<128x256xf32, #tpu.memory_space<vmem>>, vector<1x16xf32>,
      %swap3A_680 = vector.shape_cast %swap3A_679 : vector<1x16xf32> to vector<16xf32>
      %swap3A_681 = vector.shape_cast %get3A_272 : vector<16xf32> to vector<1x16xf32>
      tpu.vector_store %arg8[%swap3A_677, %swap3A_678], %swap3A_681 {strides = array<i32>} : memref<128x256xf32, #tpu.memory_space<vmem>>, vector<1x16xf32>,
      %swap3A_682 = arith.index_cast %scan3A_646 : i32 to index
      %swap3A_683 = arith.constant 240 : index
      %swap3A_684 = tpu.vector_load %arg8[%swap3A_682, %swap3A_683] {strides = array<i32>} : memref<128x256xf32, #tpu.memory_space<vmem>>, vector<1x16xf32>,
      %swap3A_685 = vector.shape_cast %swap3A_684 : vector<1x16xf32> to vector<16xf32>
      %swap3A_686 = vector.shape_cast %get3A_277 : vector<16xf32> to vector<1x16xf32>
      tpu.vector_store %arg8[%swap3A_682, %swap3A_683], %swap3A_686 {strides = array<i32>} : memref<128x256xf32, #tpu.memory_space<vmem>>, vector<1x16xf32>,
      %scan3A_687 = arith.constant 0 : i32
      scf.yield %scan3A_687 : i32
    }
    %scan3A_307 = arith.constant 128 : i32
    %add3A_308 = arith.constant 3 : i32
    %add3A_309 = arith.addi %mul3A_2, %add3A_308 : i32
    %mul3A_310 = arith.constant 256 : i32
    %mul3A_311 = arith.muli %add3A_309, %mul3A_310 : i32
    %add3A_312 = arith.constant 128 : i32
    %add3A_313 = arith.addi %mul3A_311, %add3A_312 : i32
    %dma_start3A_314 = arith.constant 0 : i32
    %dma_start3A_315 = tpu.memref_slice %arg4[%add3A_313, %dma_start3A_314] : memref<65536x256xf32, #tpu.memory_space<hbm>> -> memref<128x256xf32, #tpu.memory_space<hbm>>
    %dma_start3A_316 = arith.constant 0 : i32
    %dma_start3A_317 = tpu.memref_slice %arg4[%add3A_313, %dma_start3A_316] : memref<65536x256xf32, #tpu.memory_space<hbm>> -> memref<128x256xf32, #tpu.memory_space<hbm>>
    tpu.enqueue_dma source(%arg8 : memref<128x256xf32, #tpu.memory_space<vmem>>) target(%dma_start3A_317 : memref<128x256xf32, #tpu.memory_space<hbm>>) target_semaphore(%arg10 : memref<!tpu.dma_semaphore, #tpu.memory_space<semaphore_mem>>)
    %get3A_318 = arith.constant 4 : i32
    %get3A_319 = arith.index_cast %get3A_318 : i32 to index
    %get3A_320 = arith.constant 0 : index
    %get3A_321 = tpu.vector_load %arg6[%get3A_319, %get3A_320] {strides = array<i32>} : memref<8x128xf32, #tpu.memory_space<vmem>>, vector<1x16xf32>,
    %get3A_322 = vector.shape_cast %get3A_321 : vector<1x16xf32> to vector<16xf32>
    %get3A_323 = arith.constant 4 : i32
    %get3A_324 = arith.index_cast %get3A_323 : i32 to index
    %get3A_325 = arith.constant 16 : index
    %get3A_326 = tpu.vector_load %arg6[%get3A_324, %get3A_325] {strides = array<i32>} : memref<8x128xf32, #tpu.memory_space<vmem>>, vector<1x16xf32>,
    %get3A_327 = vector.shape_cast %get3A_326 : vector<1x16xf32> to vector<16xf32>
    %get3A_328 = arith.constant 4 : i32
    %get3A_329 = arith.index_cast %get3A_328 : i32 to index
    %get3A_330 = arith.constant 32 : index
    %get3A_331 = tpu.vector_load %arg6[%get3A_329, %get3A_330] {strides = array<i32>} : memref<8x128xf32, #tpu.memory_space<vmem>>, vector<1x16xf32>,
    %get3A_332 = vector.shape_cast %get3A_331 : vector<1x16xf32> to vector<16xf32>
    %get3A_333 = arith.constant 4 : i32
    %get3A_334 = arith.index_cast %get3A_333 : i32 to index
    %get3A_335 = arith.constant 48 : index
    %get3A_336 = tpu.vector_load %arg6[%get3A_334, %get3A_335] {strides = array<i32>} : memref<8x128xf32, #tpu.memory_space<vmem>>, vector<1x16xf32>,
    %get3A_337 = vector.shape_cast %get3A_336 : vector<1x16xf32> to vector<16xf32>
    %get3A_338 = arith.constant 4 : i32
    %get3A_339 = arith.index_cast %get3A_338 : i32 to index
    %get3A_340 = arith.constant 64 : index
    %get3A_341 = tpu.vector_load %arg6[%get3A_339, %get3A_340] {strides = array<i32>} : memref<8x128xf32, #tpu.memory_space<vmem>>, vector<1x16xf32>,
    %get3A_342 = vector.shape_cast %get3A_341 : vector<1x16xf32> to vector<16xf32>
    %get3A_343 = arith.constant 4 : i32
    %get3A_344 = arith.index_cast %get3A_343 : i32 to index
    %get3A_345 = arith.constant 80 : index
    %get3A_346 = tpu.vector_load %arg6[%get3A_344, %get3A_345] {strides = array<i32>} : memref<8x128xf32, #tpu.memory_space<vmem>>, vector<1x16xf32>,
    %get3A_347 = vector.shape_cast %get3A_346 : vector<1x16xf32> to vector<16xf32>
    %get3A_348 = arith.constant 4 : i32
    %get3A_349 = arith.index_cast %get3A_348 : i32 to index
    %get3A_350 = arith.constant 96 : index
    %get3A_351 = tpu.vector_load %arg6[%get3A_349, %get3A_350] {strides = array<i32>} : memref<8x128xf32, #tpu.memory_space<vmem>>, vector<1x16xf32>,
    %get3A_352 = vector.shape_cast %get3A_351 : vector<1x16xf32> to vector<16xf32>
    %get3A_353 = arith.constant 4 : i32
    %get3A_354 = arith.index_cast %get3A_353 : i32 to index
    %get3A_355 = arith.constant 112 : index
    %get3A_356 = tpu.vector_load %arg6[%get3A_354, %get3A_355] {strides = array<i32>} : memref<8x128xf32, #tpu.memory_space<vmem>>, vector<1x16xf32>,
    %get3A_357 = vector.shape_cast %get3A_356 : vector<1x16xf32> to vector<16xf32>
    %dma_wait3A_358 = arith.constant 0 : i32
    %dma_wait3A_359 = tpu.memref_slice %arg4[%mul3A_292, %dma_wait3A_358] : memref<65536x256xf32, #tpu.memory_space<hbm>> -> memref<128x256xf32, #tpu.memory_space<hbm>>
    %dma_wait3A_360 = arith.constant 0 : i32
    %dma_wait3A_361 = tpu.memref_slice %arg4[%mul3A_292, %dma_wait3A_360] : memref<65536x256xf32, #tpu.memory_space<hbm>> -> memref<128x256xf32, #tpu.memory_space<hbm>>
    tpu.wait_dma2 semaphore(%arg9 : memref<!tpu.dma_semaphore, #tpu.memory_space<semaphore_mem>>) src(%arg7 : memref<128x256xf32, #tpu.memory_space<vmem>>) dst(%dma_wait3A_361 : memref<128x256xf32, #tpu.memory_space<hbm>>)
    %scan3A_362 = arith.constant 0 : i32
    %scan3A_363 = arith.constant 0 : i32
    %scan3A_364 = arith.constant 128 : i32
    %scan3A_365 = arith.addi %scan3A_363, %scan3A_364 : i32
    %scan3A_366 = arith.constant 1 : i32
    %scan3A_367 = scf.for %scan3A_646 = %scan3A_363 to %scan3A_365 step %scan3A_366 iter_args(%scan3A_647 = %scan3A_362) -> (i32)  : i32 {
      %swap3A = arith.index_cast %scan3A_646 : i32 to index
      %swap3A_648 = arith.constant 128 : index
      %swap3A_649 = tpu.vector_load %arg7[%swap3A, %swap3A_648] {strides = array<i32>} : memref<128x256xf32, #tpu.memory_space<vmem>>, vector<1x16xf32>,
      %swap3A_650 = vector.shape_cast %swap3A_649 : vector<1x16xf32> to vector<16xf32>
      %swap3A_651 = vector.shape_cast %get3A_322 : vector<16xf32> to vector<1x16xf32>
      tpu.vector_store %arg7[%swap3A, %swap3A_648], %swap3A_651 {strides = array<i32>} : memref<128x256xf32, #tpu.memory_space<vmem>>, vector<1x16xf32>,
      %swap3A_652 = arith.index_cast %scan3A_646 : i32 to index
      %swap3A_653 = arith.constant 144 : index
      %swap3A_654 = tpu.vector_load %arg7[%swap3A_652, %swap3A_653] {strides = array<i32>} : memref<128x256xf32, #tpu.memory_space<vmem>>, vector<1x16xf32>,
      %swap3A_655 = vector.shape_cast %swap3A_654 : vector<1x16xf32> to vector<16xf32>
      %swap3A_656 = vector.shape_cast %get3A_327 : vector<16xf32> to vector<1x16xf32>
      tpu.vector_store %arg7[%swap3A_652, %swap3A_653], %swap3A_656 {strides = array<i32>} : memref<128x256xf32, #tpu.memory_space<vmem>>, vector<1x16xf32>,
      %swap3A_657 = arith.index_cast %scan3A_646 : i32 to index
      %swap3A_658 = arith.constant 160 : index
      %swap3A_659 = tpu.vector_load %arg7[%swap3A_657, %swap3A_658] {strides = array<i32>} : memref<128x256xf32, #tpu.memory_space<vmem>>, vector<1x16xf32>,
      %swap3A_660 = vector.shape_cast %swap3A_659 : vector<1x16xf32> to vector<16xf32>
      %swap3A_661 = vector.shape_cast %get3A_332 : vector<16xf32> to vector<1x16xf32>
      tpu.vector_store %arg7[%swap3A_657, %swap3A_658], %swap3A_661 {strides = array<i32>} : memref<128x256xf32, #tpu.memory_space<vmem>>, vector<1x16xf32>,
      %swap3A_662 = arith.index_cast %scan3A_646 : i32 to index
      %swap3A_663 = arith.constant 176 : index
      %swap3A_664 = tpu.vector_load %arg7[%swap3A_662, %swap3A_663] {strides = array<i32>} : memref<128x256xf32, #tpu.memory_space<vmem>>, vector<1x16xf32>,
      %swap3A_665 = vector.shape_cast %swap3A_664 : vector<1x16xf32> to vector<16xf32>
      %swap3A_666 = vector.shape_cast %get3A_337 : vector<16xf32> to vector<1x16xf32>
      tpu.vector_store %arg7[%swap3A_662, %swap3A_663], %swap3A_666 {strides = array<i32>} : memref<128x256xf32, #tpu.memory_space<vmem>>, vector<1x16xf32>,
      %swap3A_667 = arith.index_cast %scan3A_646 : i32 to index
      %swap3A_668 = arith.constant 192 : index
      %swap3A_669 = tpu.vector_load %arg7[%swap3A_667, %swap3A_668] {strides = array<i32>} : memref<128x256xf32, #tpu.memory_space<vmem>>, vector<1x16xf32>,
      %swap3A_670 = vector.shape_cast %swap3A_669 : vector<1x16xf32> to vector<16xf32>
      %swap3A_671 = vector.shape_cast %get3A_342 : vector<16xf32> to vector<1x16xf32>
      tpu.vector_store %arg7[%swap3A_667, %swap3A_668], %swap3A_671 {strides = array<i32>} : memref<128x256xf32, #tpu.memory_space<vmem>>, vector<1x16xf32>,
      %swap3A_672 = arith.index_cast %scan3A_646 : i32 to index
      %swap3A_673 = arith.constant 208 : index
      %swap3A_674 = tpu.vector_load %arg7[%swap3A_672, %swap3A_673] {strides = array<i32>} : memref<128x256xf32, #tpu.memory_space<vmem>>, vector<1x16xf32>,
      %swap3A_675 = vector.shape_cast %swap3A_674 : vector<1x16xf32> to vector<16xf32>
      %swap3A_676 = vector.shape_cast %get3A_347 : vector<16xf32> to vector<1x16xf32>
      tpu.vector_store %arg7[%swap3A_672, %swap3A_673], %swap3A_676 {strides = array<i32>} : memref<128x256xf32, #tpu.memory_space<vmem>>, vector<1x16xf32>,
      %swap3A_677 = arith.index_cast %scan3A_646 : i32 to index
      %swap3A_678 = arith.constant 224 : index
      %swap3A_679 = tpu.vector_load %arg7[%swap3A_677, %swap3A_678] {strides = array<i32>} : memref<128x256xf32, #tpu.memory_space<vmem>>, vector<1x16xf32>,
      %swap3A_680 = vector.shape_cast %swap3A_679 : vector<1x16xf32> to vector<16xf32>
      %swap3A_681 = vector.shape_cast %get3A_352 : vector<16xf32> to vector<1x16xf32>
      tpu.vector_store %arg7[%swap3A_677, %swap3A_678], %swap3A_681 {strides = array<i32>} : memref<128x256xf32, #tpu.memory_space<vmem>>, vector<1x16xf32>,
      %swap3A_682 = arith.index_cast %scan3A_646 : i32 to index
      %swap3A_683 = arith.constant 240 : index
      %swap3A_684 = tpu.vector_load %arg7[%swap3A_682, %swap3A_683] {strides = array<i32>} : memref<128x256xf32, #tpu.memory_space<vmem>>, vector<1x16xf32>,
      %swap3A_685 = vector.shape_cast %swap3A_684 : vector<1x16xf32> to vector<16xf32>
      %swap3A_686 = vector.shape_cast %get3A_357 : vector<16xf32> to vector<1x16xf32>
      tpu.vector_store %arg7[%swap3A_682, %swap3A_683], %swap3A_686 {strides = array<i32>} : memref<128x256xf32, #tpu.memory_space<vmem>>, vector<1x16xf32>,
      %scan3A_687 = arith.constant 0 : i32
      scf.yield %scan3A_687 : i32
    }
    %scan3A_368 = arith.constant 128 : i32
    %add3A_369 = arith.constant 4 : i32
    %add3A_370 = arith.addi %mul3A_2, %add3A_369 : i32
    %mul3A_371 = arith.constant 256 : i32
    %mul3A_372 = arith.muli %add3A_370, %mul3A_371 : i32
    %dma_start3A_373 = arith.constant 0 : i32
    %dma_start3A_374 = tpu.memref_slice %arg4[%mul3A_372, %dma_start3A_373] : memref<65536x256xf32, #tpu.memory_space<hbm>> -> memref<128x256xf32, #tpu.memory_space<hbm>>
    %dma_start3A_375 = arith.constant 0 : i32
    %dma_start3A_376 = tpu.memref_slice %arg4[%mul3A_372, %dma_start3A_375] : memref<65536x256xf32, #tpu.memory_space<hbm>> -> memref<128x256xf32, #tpu.memory_space<hbm>>
    tpu.enqueue_dma source(%arg7 : memref<128x256xf32, #tpu.memory_space<vmem>>) target(%dma_start3A_376 : memref<128x256xf32, #tpu.memory_space<hbm>>) target_semaphore(%arg9 : memref<!tpu.dma_semaphore, #tpu.memory_space<semaphore_mem>>)
    %dma_wait3A_377 = arith.constant 0 : i32
    %dma_wait3A_378 = tpu.memref_slice %arg4[%add3A_313, %dma_wait3A_377] : memref<65536x256xf32, #tpu.memory_space<hbm>> -> memref<128x256xf32, #tpu.memory_space<hbm>>
    %dma_wait3A_379 = arith.constant 0 : i32
    %dma_wait3A_380 = tpu.memref_slice %arg4[%add3A_313, %dma_wait3A_379] : memref<65536x256xf32, #tpu.memory_space<hbm>> -> memref<128x256xf32, #tpu.memory_space<hbm>>
    tpu.wait_dma2 semaphore(%arg10 : memref<!tpu.dma_semaphore, #tpu.memory_space<semaphore_mem>>) src(%arg8 : memref<128x256xf32, #tpu.memory_space<vmem>>) dst(%dma_wait3A_380 : memref<128x256xf32, #tpu.memory_space<hbm>>)
    %scan3A_381 = arith.constant 0 : i32
    %scan3A_382 = arith.constant 0 : i32
    %scan3A_383 = arith.constant 128 : i32
    %scan3A_384 = arith.addi %scan3A_382, %scan3A_383 : i32
    %scan3A_385 = arith.constant 1 : i32
    %scan3A_386 = scf.for %scan3A_646 = %scan3A_382 to %scan3A_384 step %scan3A_385 iter_args(%scan3A_647 = %scan3A_381) -> (i32)  : i32 {
      %swap3A = arith.index_cast %scan3A_646 : i32 to index
      %swap3A_648 = arith.constant 128 : index
      %swap3A_649 = tpu.vector_load %arg8[%swap3A, %swap3A_648] {strides = array<i32>} : memref<128x256xf32, #tpu.memory_space<vmem>>, vector<1x16xf32>,
      %swap3A_650 = vector.shape_cast %swap3A_649 : vector<1x16xf32> to vector<16xf32>
      %swap3A_651 = vector.shape_cast %get3A_322 : vector<16xf32> to vector<1x16xf32>
      tpu.vector_store %arg8[%swap3A, %swap3A_648], %swap3A_651 {strides = array<i32>} : memref<128x256xf32, #tpu.memory_space<vmem>>, vector<1x16xf32>,
      %swap3A_652 = arith.index_cast %scan3A_646 : i32 to index
      %swap3A_653 = arith.constant 144 : index
      %swap3A_654 = tpu.vector_load %arg8[%swap3A_652, %swap3A_653] {strides = array<i32>} : memref<128x256xf32, #tpu.memory_space<vmem>>, vector<1x16xf32>,
      %swap3A_655 = vector.shape_cast %swap3A_654 : vector<1x16xf32> to vector<16xf32>
      %swap3A_656 = vector.shape_cast %get3A_327 : vector<16xf32> to vector<1x16xf32>
      tpu.vector_store %arg8[%swap3A_652, %swap3A_653], %swap3A_656 {strides = array<i32>} : memref<128x256xf32, #tpu.memory_space<vmem>>, vector<1x16xf32>,
      %swap3A_657 = arith.index_cast %scan3A_646 : i32 to index
      %swap3A_658 = arith.constant 160 : index
      %swap3A_659 = tpu.vector_load %arg8[%swap3A_657, %swap3A_658] {strides = array<i32>} : memref<128x256xf32, #tpu.memory_space<vmem>>, vector<1x16xf32>,
      %swap3A_660 = vector.shape_cast %swap3A_659 : vector<1x16xf32> to vector<16xf32>
      %swap3A_661 = vector.shape_cast %get3A_332 : vector<16xf32> to vector<1x16xf32>
      tpu.vector_store %arg8[%swap3A_657, %swap3A_658], %swap3A_661 {strides = array<i32>} : memref<128x256xf32, #tpu.memory_space<vmem>>, vector<1x16xf32>,
      %swap3A_662 = arith.index_cast %scan3A_646 : i32 to index
      %swap3A_663 = arith.constant 176 : index
      %swap3A_664 = tpu.vector_load %arg8[%swap3A_662, %swap3A_663] {strides = array<i32>} : memref<128x256xf32, #tpu.memory_space<vmem>>, vector<1x16xf32>,
      %swap3A_665 = vector.shape_cast %swap3A_664 : vector<1x16xf32> to vector<16xf32>
      %swap3A_666 = vector.shape_cast %get3A_337 : vector<16xf32> to vector<1x16xf32>
      tpu.vector_store %arg8[%swap3A_662, %swap3A_663], %swap3A_666 {strides = array<i32>} : memref<128x256xf32, #tpu.memory_space<vmem>>, vector<1x16xf32>,
      %swap3A_667 = arith.index_cast %scan3A_646 : i32 to index
      %swap3A_668 = arith.constant 192 : index
      %swap3A_669 = tpu.vector_load %arg8[%swap3A_667, %swap3A_668] {strides = array<i32>} : memref<128x256xf32, #tpu.memory_space<vmem>>, vector<1x16xf32>,
      %swap3A_670 = vector.shape_cast %swap3A_669 : vector<1x16xf32> to vector<16xf32>
      %swap3A_671 = vector.shape_cast %get3A_342 : vector<16xf32> to vector<1x16xf32>
      tpu.vector_store %arg8[%swap3A_667, %swap3A_668], %swap3A_671 {strides = array<i32>} : memref<128x256xf32, #tpu.memory_space<vmem>>, vector<1x16xf32>,
      %swap3A_672 = arith.index_cast %scan3A_646 : i32 to index
      %swap3A_673 = arith.constant 208 : index
      %swap3A_674 = tpu.vector_load %arg8[%swap3A_672, %swap3A_673] {strides = array<i32>} : memref<128x256xf32, #tpu.memory_space<vmem>>, vector<1x16xf32>,
      %swap3A_675 = vector.shape_cast %swap3A_674 : vector<1x16xf32> to vector<16xf32>
      %swap3A_676 = vector.shape_cast %get3A_347 : vector<16xf32> to vector<1x16xf32>
      tpu.vector_store %arg8[%swap3A_672, %swap3A_673], %swap3A_676 {strides = array<i32>} : memref<128x256xf32, #tpu.memory_space<vmem>>, vector<1x16xf32>,
      %swap3A_677 = arith.index_cast %scan3A_646 : i32 to index
      %swap3A_678 = arith.constant 224 : index
      %swap3A_679 = tpu.vector_load %arg8[%swap3A_677, %swap3A_678] {strides = array<i32>} : memref<128x256xf32, #tpu.memory_space<vmem>>, vector<1x16xf32>,
      %swap3A_680 = vector.shape_cast %swap3A_679 : vector<1x16xf32> to vector<16xf32>
      %swap3A_681 = vector.shape_cast %get3A_352 : vector<16xf32> to vector<1x16xf32>
      tpu.vector_store %arg8[%swap3A_677, %swap3A_678], %swap3A_681 {strides = array<i32>} : memref<128x256xf32, #tpu.memory_space<vmem>>, vector<1x16xf32>,
      %swap3A_682 = arith.index_cast %scan3A_646 : i32 to index
      %swap3A_683 = arith.constant 240 : index
      %swap3A_684 = tpu.vector_load %arg8[%swap3A_682, %swap3A_683] {strides = array<i32>} : memref<128x256xf32, #tpu.memory_space<vmem>>, vector<1x16xf32>,
      %swap3A_685 = vector.shape_cast %swap3A_684 : vector<1x16xf32> to vector<16xf32>
      %swap3A_686 = vector.shape_cast %get3A_357 : vector<16xf32> to vector<1x16xf32>
      tpu.vector_store %arg8[%swap3A_682, %swap3A_683], %swap3A_686 {strides = array<i32>} : memref<128x256xf32, #tpu.memory_space<vmem>>, vector<1x16xf32>,
      %scan3A_687 = arith.constant 0 : i32
      scf.yield %scan3A_687 : i32
    }
    %scan3A_387 = arith.constant 128 : i32
    %add3A_388 = arith.constant 4 : i32
    %add3A_389 = arith.addi %mul3A_2, %add3A_388 : i32
    %mul3A_390 = arith.constant 256 : i32
    %mul3A_391 = arith.muli %add3A_389, %mul3A_390 : i32
    %add3A_392 = arith.constant 128 : i32
    %add3A_393 = arith.addi %mul3A_391, %add3A_392 : i32
    %dma_start3A_394 = arith.constant 0 : i32
    %dma_start3A_395 = tpu.memref_slice %arg4[%add3A_393, %dma_start3A_394] : memref<65536x256xf32, #tpu.memory_space<hbm>> -> memref<128x256xf32, #tpu.memory_space<hbm>>
    %dma_start3A_396 = arith.constant 0 : i32
    %dma_start3A_397 = tpu.memref_slice %arg4[%add3A_393, %dma_start3A_396] : memref<65536x256xf32, #tpu.memory_space<hbm>> -> memref<128x256xf32, #tpu.memory_space<hbm>>
    tpu.enqueue_dma source(%arg8 : memref<128x256xf32, #tpu.memory_space<vmem>>) target(%dma_start3A_397 : memref<128x256xf32, #tpu.memory_space<hbm>>) target_semaphore(%arg10 : memref<!tpu.dma_semaphore, #tpu.memory_space<semaphore_mem>>)
    %get3A_398 = arith.constant 5 : i32
    %get3A_399 = arith.index_cast %get3A_398 : i32 to index
    %get3A_400 = arith.constant 0 : index
    %get3A_401 = tpu.vector_load %arg6[%get3A_399, %get3A_400] {strides = array<i32>} : memref<8x128xf32, #tpu.memory_space<vmem>>, vector<1x16xf32>,
    %get3A_402 = vector.shape_cast %get3A_401 : vector<1x16xf32> to vector<16xf32>
    %get3A_403 = arith.constant 5 : i32
    %get3A_404 = arith.index_cast %get3A_403 : i32 to index
    %get3A_405 = arith.constant 16 : index
    %get3A_406 = tpu.vector_load %arg6[%get3A_404, %get3A_405] {strides = array<i32>} : memref<8x128xf32, #tpu.memory_space<vmem>>, vector<1x16xf32>,
    %get3A_407 = vector.shape_cast %get3A_406 : vector<1x16xf32> to vector<16xf32>
    %get3A_408 = arith.constant 5 : i32
    %get3A_409 = arith.index_cast %get3A_408 : i32 to index
    %get3A_410 = arith.constant 32 : index
    %get3A_411 = tpu.vector_load %arg6[%get3A_409, %get3A_410] {strides = array<i32>} : memref<8x128xf32, #tpu.memory_space<vmem>>, vector<1x16xf32>,
    %get3A_412 = vector.shape_cast %get3A_411 : vector<1x16xf32> to vector<16xf32>
    %get3A_413 = arith.constant 5 : i32
    %get3A_414 = arith.index_cast %get3A_413 : i32 to index
    %get3A_415 = arith.constant 48 : index
    %get3A_416 = tpu.vector_load %arg6[%get3A_414, %get3A_415] {strides = array<i32>} : memref<8x128xf32, #tpu.memory_space<vmem>>, vector<1x16xf32>,
    %get3A_417 = vector.shape_cast %get3A_416 : vector<1x16xf32> to vector<16xf32>
    %get3A_418 = arith.constant 5 : i32
    %get3A_419 = arith.index_cast %get3A_418 : i32 to index
    %get3A_420 = arith.constant 64 : index
    %get3A_421 = tpu.vector_load %arg6[%get3A_419, %get3A_420] {strides = array<i32>} : memref<8x128xf32, #tpu.memory_space<vmem>>, vector<1x16xf32>,
    %get3A_422 = vector.shape_cast %get3A_421 : vector<1x16xf32> to vector<16xf32>
    %get3A_423 = arith.constant 5 : i32
    %get3A_424 = arith.index_cast %get3A_423 : i32 to index
    %get3A_425 = arith.constant 80 : index
    %get3A_426 = tpu.vector_load %arg6[%get3A_424, %get3A_425] {strides = array<i32>} : memref<8x128xf32, #tpu.memory_space<vmem>>, vector<1x16xf32>,
    %get3A_427 = vector.shape_cast %get3A_426 : vector<1x16xf32> to vector<16xf32>
    %get3A_428 = arith.constant 5 : i32
    %get3A_429 = arith.index_cast %get3A_428 : i32 to index
    %get3A_430 = arith.constant 96 : index
    %get3A_431 = tpu.vector_load %arg6[%get3A_429, %get3A_430] {strides = array<i32>} : memref<8x128xf32, #tpu.memory_space<vmem>>, vector<1x16xf32>,
    %get3A_432 = vector.shape_cast %get3A_431 : vector<1x16xf32> to vector<16xf32>
    %get3A_433 = arith.constant 5 : i32
    %get3A_434 = arith.index_cast %get3A_433 : i32 to index
    %get3A_435 = arith.constant 112 : index
    %get3A_436 = tpu.vector_load %arg6[%get3A_434, %get3A_435] {strides = array<i32>} : memref<8x128xf32, #tpu.memory_space<vmem>>, vector<1x16xf32>,
    %get3A_437 = vector.shape_cast %get3A_436 : vector<1x16xf32> to vector<16xf32>
    %dma_wait3A_438 = arith.constant 0 : i32
    %dma_wait3A_439 = tpu.memref_slice %arg4[%mul3A_372, %dma_wait3A_438] : memref<65536x256xf32, #tpu.memory_space<hbm>> -> memref<128x256xf32, #tpu.memory_space<hbm>>
    %dma_wait3A_440 = arith.constant 0 : i32
    %dma_wait3A_441 = tpu.memref_slice %arg4[%mul3A_372, %dma_wait3A_440] : memref<65536x256xf32, #tpu.memory_space<hbm>> -> memref<128x256xf32, #tpu.memory_space<hbm>>
    tpu.wait_dma2 semaphore(%arg9 : memref<!tpu.dma_semaphore, #tpu.memory_space<semaphore_mem>>) src(%arg7 : memref<128x256xf32, #tpu.memory_space<vmem>>) dst(%dma_wait3A_441 : memref<128x256xf32, #tpu.memory_space<hbm>>)
    %scan3A_442 = arith.constant 0 : i32
    %scan3A_443 = arith.constant 0 : i32
    %scan3A_444 = arith.constant 128 : i32
    %scan3A_445 = arith.addi %scan3A_443, %scan3A_444 : i32
    %scan3A_446 = arith.constant 1 : i32
    %scan3A_447 = scf.for %scan3A_646 = %scan3A_443 to %scan3A_445 step %scan3A_446 iter_args(%scan3A_647 = %scan3A_442) -> (i32)  : i32 {
      %swap3A = arith.index_cast %scan3A_646 : i32 to index
      %swap3A_648 = arith.constant 128 : index
      %swap3A_649 = tpu.vector_load %arg7[%swap3A, %swap3A_648] {strides = array<i32>} : memref<128x256xf32, #tpu.memory_space<vmem>>, vector<1x16xf32>,
      %swap3A_650 = vector.shape_cast %swap3A_649 : vector<1x16xf32> to vector<16xf32>
      %swap3A_651 = vector.shape_cast %get3A_402 : vector<16xf32> to vector<1x16xf32>
      tpu.vector_store %arg7[%swap3A, %swap3A_648], %swap3A_651 {strides = array<i32>} : memref<128x256xf32, #tpu.memory_space<vmem>>, vector<1x16xf32>,
      %swap3A_652 = arith.index_cast %scan3A_646 : i32 to index
      %swap3A_653 = arith.constant 144 : index
      %swap3A_654 = tpu.vector_load %arg7[%swap3A_652, %swap3A_653] {strides = array<i32>} : memref<128x256xf32, #tpu.memory_space<vmem>>, vector<1x16xf32>,
      %swap3A_655 = vector.shape_cast %swap3A_654 : vector<1x16xf32> to vector<16xf32>
      %swap3A_656 = vector.shape_cast %get3A_407 : vector<16xf32> to vector<1x16xf32>
      tpu.vector_store %arg7[%swap3A_652, %swap3A_653], %swap3A_656 {strides = array<i32>} : memref<128x256xf32, #tpu.memory_space<vmem>>, vector<1x16xf32>,
      %swap3A_657 = arith.index_cast %scan3A_646 : i32 to index
      %swap3A_658 = arith.constant 160 : index
      %swap3A_659 = tpu.vector_load %arg7[%swap3A_657, %swap3A_658] {strides = array<i32>} : memref<128x256xf32, #tpu.memory_space<vmem>>, vector<1x16xf32>,
      %swap3A_660 = vector.shape_cast %swap3A_659 : vector<1x16xf32> to vector<16xf32>
      %swap3A_661 = vector.shape_cast %get3A_412 : vector<16xf32> to vector<1x16xf32>
      tpu.vector_store %arg7[%swap3A_657, %swap3A_658], %swap3A_661 {strides = array<i32>} : memref<128x256xf32, #tpu.memory_space<vmem>>, vector<1x16xf32>,
      %swap3A_662 = arith.index_cast %scan3A_646 : i32 to index
      %swap3A_663 = arith.constant 176 : index
      %swap3A_664 = tpu.vector_load %arg7[%swap3A_662, %swap3A_663] {strides = array<i32>} : memref<128x256xf32, #tpu.memory_space<vmem>>, vector<1x16xf32>,
      %swap3A_665 = vector.shape_cast %swap3A_664 : vector<1x16xf32> to vector<16xf32>
      %swap3A_666 = vector.shape_cast %get3A_417 : vector<16xf32> to vector<1x16xf32>
      tpu.vector_store %arg7[%swap3A_662, %swap3A_663], %swap3A_666 {strides = array<i32>} : memref<128x256xf32, #tpu.memory_space<vmem>>, vector<1x16xf32>,
      %swap3A_667 = arith.index_cast %scan3A_646 : i32 to index
      %swap3A_668 = arith.constant 192 : index
      %swap3A_669 = tpu.vector_load %arg7[%swap3A_667, %swap3A_668] {strides = array<i32>} : memref<128x256xf32, #tpu.memory_space<vmem>>, vector<1x16xf32>,
      %swap3A_670 = vector.shape_cast %swap3A_669 : vector<1x16xf32> to vector<16xf32>
      %swap3A_671 = vector.shape_cast %get3A_422 : vector<16xf32> to vector<1x16xf32>
      tpu.vector_store %arg7[%swap3A_667, %swap3A_668], %swap3A_671 {strides = array<i32>} : memref<128x256xf32, #tpu.memory_space<vmem>>, vector<1x16xf32>,
      %swap3A_672 = arith.index_cast %scan3A_646 : i32 to index
      %swap3A_673 = arith.constant 208 : index
      %swap3A_674 = tpu.vector_load %arg7[%swap3A_672, %swap3A_673] {strides = array<i32>} : memref<128x256xf32, #tpu.memory_space<vmem>>, vector<1x16xf32>,
      %swap3A_675 = vector.shape_cast %swap3A_674 : vector<1x16xf32> to vector<16xf32>
      %swap3A_676 = vector.shape_cast %get3A_427 : vector<16xf32> to vector<1x16xf32>
      tpu.vector_store %arg7[%swap3A_672, %swap3A_673], %swap3A_676 {strides = array<i32>} : memref<128x256xf32, #tpu.memory_space<vmem>>, vector<1x16xf32>,
      %swap3A_677 = arith.index_cast %scan3A_646 : i32 to index
      %swap3A_678 = arith.constant 224 : index
      %swap3A_679 = tpu.vector_load %arg7[%swap3A_677, %swap3A_678] {strides = array<i32>} : memref<128x256xf32, #tpu.memory_space<vmem>>, vector<1x16xf32>,
      %swap3A_680 = vector.shape_cast %swap3A_679 : vector<1x16xf32> to vector<16xf32>
      %swap3A_681 = vector.shape_cast %get3A_432 : vector<16xf32> to vector<1x16xf32>
      tpu.vector_store %arg7[%swap3A_677, %swap3A_678], %swap3A_681 {strides = array<i32>} : memref<128x256xf32, #tpu.memory_space<vmem>>, vector<1x16xf32>,
      %swap3A_682 = arith.index_cast %scan3A_646 : i32 to index
      %swap3A_683 = arith.constant 240 : index
      %swap3A_684 = tpu.vector_load %arg7[%swap3A_682, %swap3A_683] {strides = array<i32>} : memref<128x256xf32, #tpu.memory_space<vmem>>, vector<1x16xf32>,
      %swap3A_685 = vector.shape_cast %swap3A_684 : vector<1x16xf32> to vector<16xf32>
      %swap3A_686 = vector.shape_cast %get3A_437 : vector<16xf32> to vector<1x16xf32>
      tpu.vector_store %arg7[%swap3A_682, %swap3A_683], %swap3A_686 {strides = array<i32>} : memref<128x256xf32, #tpu.memory_space<vmem>>, vector<1x16xf32>,
      %scan3A_687 = arith.constant 0 : i32
      scf.yield %scan3A_687 : i32
    }
    %scan3A_448 = arith.constant 128 : i32
    %add3A_449 = arith.constant 5 : i32
    %add3A_450 = arith.addi %mul3A_2, %add3A_449 : i32
    %mul3A_451 = arith.constant 256 : i32
    %mul3A_452 = arith.muli %add3A_450, %mul3A_451 : i32
    %dma_start3A_453 = arith.constant 0 : i32
    %dma_start3A_454 = tpu.memref_slice %arg4[%mul3A_452, %dma_start3A_453] : memref<65536x256xf32, #tpu.memory_space<hbm>> -> memref<128x256xf32, #tpu.memory_space<hbm>>
    %dma_start3A_455 = arith.constant 0 : i32
    %dma_start3A_456 = tpu.memref_slice %arg4[%mul3A_452, %dma_start3A_455] : memref<65536x256xf32, #tpu.memory_space<hbm>> -> memref<128x256xf32, #tpu.memory_space<hbm>>
    tpu.enqueue_dma source(%arg7 : memref<128x256xf32, #tpu.memory_space<vmem>>) target(%dma_start3A_456 : memref<128x256xf32, #tpu.memory_space<hbm>>) target_semaphore(%arg9 : memref<!tpu.dma_semaphore, #tpu.memory_space<semaphore_mem>>)
    %dma_wait3A_457 = arith.constant 0 : i32
    %dma_wait3A_458 = tpu.memref_slice %arg4[%add3A_393, %dma_wait3A_457] : memref<65536x256xf32, #tpu.memory_space<hbm>> -> memref<128x256xf32, #tpu.memory_space<hbm>>
    %dma_wait3A_459 = arith.constant 0 : i32
    %dma_wait3A_460 = tpu.memref_slice %arg4[%add3A_393, %dma_wait3A_459] : memref<65536x256xf32, #tpu.memory_space<hbm>> -> memref<128x256xf32, #tpu.memory_space<hbm>>
    tpu.wait_dma2 semaphore(%arg10 : memref<!tpu.dma_semaphore, #tpu.memory_space<semaphore_mem>>) src(%arg8 : memref<128x256xf32, #tpu.memory_space<vmem>>) dst(%dma_wait3A_460 : memref<128x256xf32, #tpu.memory_space<hbm>>)
    %scan3A_461 = arith.constant 0 : i32
    %scan3A_462 = arith.constant 0 : i32
    %scan3A_463 = arith.constant 128 : i32
    %scan3A_464 = arith.addi %scan3A_462, %scan3A_463 : i32
    %scan3A_465 = arith.constant 1 : i32
    %scan3A_466 = scf.for %scan3A_646 = %scan3A_462 to %scan3A_464 step %scan3A_465 iter_args(%scan3A_647 = %scan3A_461) -> (i32)  : i32 {
      %swap3A = arith.index_cast %scan3A_646 : i32 to index
      %swap3A_648 = arith.constant 128 : index
      %swap3A_649 = tpu.vector_load %arg8[%swap3A, %swap3A_648] {strides = array<i32>} : memref<128x256xf32, #tpu.memory_space<vmem>>, vector<1x16xf32>,
      %swap3A_650 = vector.shape_cast %swap3A_649 : vector<1x16xf32> to vector<16xf32>
      %swap3A_651 = vector.shape_cast %get3A_402 : vector<16xf32> to vector<1x16xf32>
      tpu.vector_store %arg8[%swap3A, %swap3A_648], %swap3A_651 {strides = array<i32>} : memref<128x256xf32, #tpu.memory_space<vmem>>, vector<1x16xf32>,
      %swap3A_652 = arith.index_cast %scan3A_646 : i32 to index
      %swap3A_653 = arith.constant 144 : index
      %swap3A_654 = tpu.vector_load %arg8[%swap3A_652, %swap3A_653] {strides = array<i32>} : memref<128x256xf32, #tpu.memory_space<vmem>>, vector<1x16xf32>,
      %swap3A_655 = vector.shape_cast %swap3A_654 : vector<1x16xf32> to vector<16xf32>
      %swap3A_656 = vector.shape_cast %get3A_407 : vector<16xf32> to vector<1x16xf32>
      tpu.vector_store %arg8[%swap3A_652, %swap3A_653], %swap3A_656 {strides = array<i32>} : memref<128x256xf32, #tpu.memory_space<vmem>>, vector<1x16xf32>,
      %swap3A_657 = arith.index_cast %scan3A_646 : i32 to index
      %swap3A_658 = arith.constant 160 : index
      %swap3A_659 = tpu.vector_load %arg8[%swap3A_657, %swap3A_658] {strides = array<i32>} : memref<128x256xf32, #tpu.memory_space<vmem>>, vector<1x16xf32>,
      %swap3A_660 = vector.shape_cast %swap3A_659 : vector<1x16xf32> to vector<16xf32>
      %swap3A_661 = vector.shape_cast %get3A_412 : vector<16xf32> to vector<1x16xf32>
      tpu.vector_store %arg8[%swap3A_657, %swap3A_658], %swap3A_661 {strides = array<i32>} : memref<128x256xf32, #tpu.memory_space<vmem>>, vector<1x16xf32>,
      %swap3A_662 = arith.index_cast %scan3A_646 : i32 to index
      %swap3A_663 = arith.constant 176 : index
      %swap3A_664 = tpu.vector_load %arg8[%swap3A_662, %swap3A_663] {strides = array<i32>} : memref<128x256xf32, #tpu.memory_space<vmem>>, vector<1x16xf32>,
      %swap3A_665 = vector.shape_cast %swap3A_664 : vector<1x16xf32> to vector<16xf32>
      %swap3A_666 = vector.shape_cast %get3A_417 : vector<16xf32> to vector<1x16xf32>
      tpu.vector_store %arg8[%swap3A_662, %swap3A_663], %swap3A_666 {strides = array<i32>} : memref<128x256xf32, #tpu.memory_space<vmem>>, vector<1x16xf32>,
      %swap3A_667 = arith.index_cast %scan3A_646 : i32 to index
      %swap3A_668 = arith.constant 192 : index
      %swap3A_669 = tpu.vector_load %arg8[%swap3A_667, %swap3A_668] {strides = array<i32>} : memref<128x256xf32, #tpu.memory_space<vmem>>, vector<1x16xf32>,
      %swap3A_670 = vector.shape_cast %swap3A_669 : vector<1x16xf32> to vector<16xf32>
      %swap3A_671 = vector.shape_cast %get3A_422 : vector<16xf32> to vector<1x16xf32>
      tpu.vector_store %arg8[%swap3A_667, %swap3A_668], %swap3A_671 {strides = array<i32>} : memref<128x256xf32, #tpu.memory_space<vmem>>, vector<1x16xf32>,
      %swap3A_672 = arith.index_cast %scan3A_646 : i32 to index
      %swap3A_673 = arith.constant 208 : index
      %swap3A_674 = tpu.vector_load %arg8[%swap3A_672, %swap3A_673] {strides = array<i32>} : memref<128x256xf32, #tpu.memory_space<vmem>>, vector<1x16xf32>,
      %swap3A_675 = vector.shape_cast %swap3A_674 : vector<1x16xf32> to vector<16xf32>
      %swap3A_676 = vector.shape_cast %get3A_427 : vector<16xf32> to vector<1x16xf32>
      tpu.vector_store %arg8[%swap3A_672, %swap3A_673], %swap3A_676 {strides = array<i32>} : memref<128x256xf32, #tpu.memory_space<vmem>>, vector<1x16xf32>,
      %swap3A_677 = arith.index_cast %scan3A_646 : i32 to index
      %swap3A_678 = arith.constant 224 : index
      %swap3A_679 = tpu.vector_load %arg8[%swap3A_677, %swap3A_678] {strides = array<i32>} : memref<128x256xf32, #tpu.memory_space<vmem>>, vector<1x16xf32>,
      %swap3A_680 = vector.shape_cast %swap3A_679 : vector<1x16xf32> to vector<16xf32>
      %swap3A_681 = vector.shape_cast %get3A_432 : vector<16xf32> to vector<1x16xf32>
      tpu.vector_store %arg8[%swap3A_677, %swap3A_678], %swap3A_681 {strides = array<i32>} : memref<128x256xf32, #tpu.memory_space<vmem>>, vector<1x16xf32>,
      %swap3A_682 = arith.index_cast %scan3A_646 : i32 to index
      %swap3A_683 = arith.constant 240 : index
      %swap3A_684 = tpu.vector_load %arg8[%swap3A_682, %swap3A_683] {strides = array<i32>} : memref<128x256xf32, #tpu.memory_space<vmem>>, vector<1x16xf32>,
      %swap3A_685 = vector.shape_cast %swap3A_684 : vector<1x16xf32> to vector<16xf32>
      %swap3A_686 = vector.shape_cast %get3A_437 : vector<16xf32> to vector<1x16xf32>
      tpu.vector_store %arg8[%swap3A_682, %swap3A_683], %swap3A_686 {strides = array<i32>} : memref<128x256xf32, #tpu.memory_space<vmem>>, vector<1x16xf32>,
      %scan3A_687 = arith.constant 0 : i32
      scf.yield %scan3A_687 : i32
    }
    %scan3A_467 = arith.constant 128 : i32
    %add3A_468 = arith.constant 5 : i32
    %add3A_469 = arith.addi %mul3A_2, %add3A_468 : i32
    %mul3A_470 = arith.constant 256 : i32
    %mul3A_471 = arith.muli %add3A_469, %mul3A_470 : i32
    %add3A_472 = arith.constant 128 : i32
    %add3A_473 = arith.addi %mul3A_471, %add3A_472 : i32
    %dma_start3A_474 = arith.constant 0 : i32
    %dma_start3A_475 = tpu.memref_slice %arg4[%add3A_473, %dma_start3A_474] : memref<65536x256xf32, #tpu.memory_space<hbm>> -> memref<128x256xf32, #tpu.memory_space<hbm>>
    %dma_start3A_476 = arith.constant 0 : i32
    %dma_start3A_477 = tpu.memref_slice %arg4[%add3A_473, %dma_start3A_476] : memref<65536x256xf32, #tpu.memory_space<hbm>> -> memref<128x256xf32, #tpu.memory_space<hbm>>
    tpu.enqueue_dma source(%arg8 : memref<128x256xf32, #tpu.memory_space<vmem>>) target(%dma_start3A_477 : memref<128x256xf32, #tpu.memory_space<hbm>>) target_semaphore(%arg10 : memref<!tpu.dma_semaphore, #tpu.memory_space<semaphore_mem>>)
    %get3A_478 = arith.constant 6 : i32
    %get3A_479 = arith.index_cast %get3A_478 : i32 to index
    %get3A_480 = arith.constant 0 : index
    %get3A_481 = tpu.vector_load %arg6[%get3A_479, %get3A_480] {strides = array<i32>} : memref<8x128xf32, #tpu.memory_space<vmem>>, vector<1x16xf32>,
    %get3A_482 = vector.shape_cast %get3A_481 : vector<1x16xf32> to vector<16xf32>
    %get3A_483 = arith.constant 6 : i32
    %get3A_484 = arith.index_cast %get3A_483 : i32 to index
    %get3A_485 = arith.constant 16 : index
    %get3A_486 = tpu.vector_load %arg6[%get3A_484, %get3A_485] {strides = array<i32>} : memref<8x128xf32, #tpu.memory_space<vmem>>, vector<1x16xf32>,
    %get3A_487 = vector.shape_cast %get3A_486 : vector<1x16xf32> to vector<16xf32>
    %get3A_488 = arith.constant 6 : i32
    %get3A_489 = arith.index_cast %get3A_488 : i32 to index
    %get3A_490 = arith.constant 32 : index
    %get3A_491 = tpu.vector_load %arg6[%get3A_489, %get3A_490] {strides = array<i32>} : memref<8x128xf32, #tpu.memory_space<vmem>>, vector<1x16xf32>,
    %get3A_492 = vector.shape_cast %get3A_491 : vector<1x16xf32> to vector<16xf32>
    %get3A_493 = arith.constant 6 : i32
    %get3A_494 = arith.index_cast %get3A_493 : i32 to index
    %get3A_495 = arith.constant 48 : index
    %get3A_496 = tpu.vector_load %arg6[%get3A_494, %get3A_495] {strides = array<i32>} : memref<8x128xf32, #tpu.memory_space<vmem>>, vector<1x16xf32>,
    %get3A_497 = vector.shape_cast %get3A_496 : vector<1x16xf32> to vector<16xf32>
    %get3A_498 = arith.constant 6 : i32
    %get3A_499 = arith.index_cast %get3A_498 : i32 to index
    %get3A_500 = arith.constant 64 : index
    %get3A_501 = tpu.vector_load %arg6[%get3A_499, %get3A_500] {strides = array<i32>} : memref<8x128xf32, #tpu.memory_space<vmem>>, vector<1x16xf32>,
    %get3A_502 = vector.shape_cast %get3A_501 : vector<1x16xf32> to vector<16xf32>
    %get3A_503 = arith.constant 6 : i32
    %get3A_504 = arith.index_cast %get3A_503 : i32 to index
    %get3A_505 = arith.constant 80 : index
    %get3A_506 = tpu.vector_load %arg6[%get3A_504, %get3A_505] {strides = array<i32>} : memref<8x128xf32, #tpu.memory_space<vmem>>, vector<1x16xf32>,
    %get3A_507 = vector.shape_cast %get3A_506 : vector<1x16xf32> to vector<16xf32>
    %get3A_508 = arith.constant 6 : i32
    %get3A_509 = arith.index_cast %get3A_508 : i32 to index
    %get3A_510 = arith.constant 96 : index
    %get3A_511 = tpu.vector_load %arg6[%get3A_509, %get3A_510] {strides = array<i32>} : memref<8x128xf32, #tpu.memory_space<vmem>>, vector<1x16xf32>,
    %get3A_512 = vector.shape_cast %get3A_511 : vector<1x16xf32> to vector<16xf32>
    %get3A_513 = arith.constant 6 : i32
    %get3A_514 = arith.index_cast %get3A_513 : i32 to index
    %get3A_515 = arith.constant 112 : index
    %get3A_516 = tpu.vector_load %arg6[%get3A_514, %get3A_515] {strides = array<i32>} : memref<8x128xf32, #tpu.memory_space<vmem>>, vector<1x16xf32>,
    %get3A_517 = vector.shape_cast %get3A_516 : vector<1x16xf32> to vector<16xf32>
    %dma_wait3A_518 = arith.constant 0 : i32
    %dma_wait3A_519 = tpu.memref_slice %arg4[%mul3A_452, %dma_wait3A_518] : memref<65536x256xf32, #tpu.memory_space<hbm>> -> memref<128x256xf32, #tpu.memory_space<hbm>>
    %dma_wait3A_520 = arith.constant 0 : i32
    %dma_wait3A_521 = tpu.memref_slice %arg4[%mul3A_452, %dma_wait3A_520] : memref<65536x256xf32, #tpu.memory_space<hbm>> -> memref<128x256xf32, #tpu.memory_space<hbm>>
    tpu.wait_dma2 semaphore(%arg9 : memref<!tpu.dma_semaphore, #tpu.memory_space<semaphore_mem>>) src(%arg7 : memref<128x256xf32, #tpu.memory_space<vmem>>) dst(%dma_wait3A_521 : memref<128x256xf32, #tpu.memory_space<hbm>>)
    %scan3A_522 = arith.constant 0 : i32
    %scan3A_523 = arith.constant 0 : i32
    %scan3A_524 = arith.constant 128 : i32
    %scan3A_525 = arith.addi %scan3A_523, %scan3A_524 : i32
    %scan3A_526 = arith.constant 1 : i32
    %scan3A_527 = scf.for %scan3A_646 = %scan3A_523 to %scan3A_525 step %scan3A_526 iter_args(%scan3A_647 = %scan3A_522) -> (i32)  : i32 {
      %swap3A = arith.index_cast %scan3A_646 : i32 to index
      %swap3A_648 = arith.constant 128 : index
      %swap3A_649 = tpu.vector_load %arg7[%swap3A, %swap3A_648] {strides = array<i32>} : memref<128x256xf32, #tpu.memory_space<vmem>>, vector<1x16xf32>,
      %swap3A_650 = vector.shape_cast %swap3A_649 : vector<1x16xf32> to vector<16xf32>
      %swap3A_651 = vector.shape_cast %get3A_482 : vector<16xf32> to vector<1x16xf32>
      tpu.vector_store %arg7[%swap3A, %swap3A_648], %swap3A_651 {strides = array<i32>} : memref<128x256xf32, #tpu.memory_space<vmem>>, vector<1x16xf32>,
      %swap3A_652 = arith.index_cast %scan3A_646 : i32 to index
      %swap3A_653 = arith.constant 144 : index
      %swap3A_654 = tpu.vector_load %arg7[%swap3A_652, %swap3A_653] {strides = array<i32>} : memref<128x256xf32, #tpu.memory_space<vmem>>, vector<1x16xf32>,
      %swap3A_655 = vector.shape_cast %swap3A_654 : vector<1x16xf32> to vector<16xf32>
      %swap3A_656 = vector.shape_cast %get3A_487 : vector<16xf32> to vector<1x16xf32>
      tpu.vector_store %arg7[%swap3A_652, %swap3A_653], %swap3A_656 {strides = array<i32>} : memref<128x256xf32, #tpu.memory_space<vmem>>, vector<1x16xf32>,
      %swap3A_657 = arith.index_cast %scan3A_646 : i32 to index
      %swap3A_658 = arith.constant 160 : index
      %swap3A_659 = tpu.vector_load %arg7[%swap3A_657, %swap3A_658] {strides = array<i32>} : memref<128x256xf32, #tpu.memory_space<vmem>>, vector<1x16xf32>,
      %swap3A_660 = vector.shape_cast %swap3A_659 : vector<1x16xf32> to vector<16xf32>
      %swap3A_661 = vector.shape_cast %get3A_492 : vector<16xf32> to vector<1x16xf32>
      tpu.vector_store %arg7[%swap3A_657, %swap3A_658], %swap3A_661 {strides = array<i32>} : memref<128x256xf32, #tpu.memory_space<vmem>>, vector<1x16xf32>,
      %swap3A_662 = arith.index_cast %scan3A_646 : i32 to index
      %swap3A_663 = arith.constant 176 : index
      %swap3A_664 = tpu.vector_load %arg7[%swap3A_662, %swap3A_663] {strides = array<i32>} : memref<128x256xf32, #tpu.memory_space<vmem>>, vector<1x16xf32>,
      %swap3A_665 = vector.shape_cast %swap3A_664 : vector<1x16xf32> to vector<16xf32>
      %swap3A_666 = vector.shape_cast %get3A_497 : vector<16xf32> to vector<1x16xf32>
      tpu.vector_store %arg7[%swap3A_662, %swap3A_663], %swap3A_666 {strides = array<i32>} : memref<128x256xf32, #tpu.memory_space<vmem>>, vector<1x16xf32>,
      %swap3A_667 = arith.index_cast %scan3A_646 : i32 to index
      %swap3A_668 = arith.constant 192 : index
      %swap3A_669 = tpu.vector_load %arg7[%swap3A_667, %swap3A_668] {strides = array<i32>} : memref<128x256xf32, #tpu.memory_space<vmem>>, vector<1x16xf32>,
      %swap3A_670 = vector.shape_cast %swap3A_669 : vector<1x16xf32> to vector<16xf32>
      %swap3A_671 = vector.shape_cast %get3A_502 : vector<16xf32> to vector<1x16xf32>
      tpu.vector_store %arg7[%swap3A_667, %swap3A_668], %swap3A_671 {strides = array<i32>} : memref<128x256xf32, #tpu.memory_space<vmem>>, vector<1x16xf32>,
      %swap3A_672 = arith.index_cast %scan3A_646 : i32 to index
      %swap3A_673 = arith.constant 208 : index
      %swap3A_674 = tpu.vector_load %arg7[%swap3A_672, %swap3A_673] {strides = array<i32>} : memref<128x256xf32, #tpu.memory_space<vmem>>, vector<1x16xf32>,
      %swap3A_675 = vector.shape_cast %swap3A_674 : vector<1x16xf32> to vector<16xf32>
      %swap3A_676 = vector.shape_cast %get3A_507 : vector<16xf32> to vector<1x16xf32>
      tpu.vector_store %arg7[%swap3A_672, %swap3A_673], %swap3A_676 {strides = array<i32>} : memref<128x256xf32, #tpu.memory_space<vmem>>, vector<1x16xf32>,
      %swap3A_677 = arith.index_cast %scan3A_646 : i32 to index
      %swap3A_678 = arith.constant 224 : index
      %swap3A_679 = tpu.vector_load %arg7[%swap3A_677, %swap3A_678] {strides = array<i32>} : memref<128x256xf32, #tpu.memory_space<vmem>>, vector<1x16xf32>,
      %swap3A_680 = vector.shape_cast %swap3A_679 : vector<1x16xf32> to vector<16xf32>
      %swap3A_681 = vector.shape_cast %get3A_512 : vector<16xf32> to vector<1x16xf32>
      tpu.vector_store %arg7[%swap3A_677, %swap3A_678], %swap3A_681 {strides = array<i32>} : memref<128x256xf32, #tpu.memory_space<vmem>>, vector<1x16xf32>,
      %swap3A_682 = arith.index_cast %scan3A_646 : i32 to index
      %swap3A_683 = arith.constant 240 : index
      %swap3A_684 = tpu.vector_load %arg7[%swap3A_682, %swap3A_683] {strides = array<i32>} : memref<128x256xf32, #tpu.memory_space<vmem>>, vector<1x16xf32>,
      %swap3A_685 = vector.shape_cast %swap3A_684 : vector<1x16xf32> to vector<16xf32>
      %swap3A_686 = vector.shape_cast %get3A_517 : vector<16xf32> to vector<1x16xf32>
      tpu.vector_store %arg7[%swap3A_682, %swap3A_683], %swap3A_686 {strides = array<i32>} : memref<128x256xf32, #tpu.memory_space<vmem>>, vector<1x16xf32>,
      %scan3A_687 = arith.constant 0 : i32
      scf.yield %scan3A_687 : i32
    }
    %scan3A_528 = arith.constant 128 : i32
    %add3A_529 = arith.constant 6 : i32
    %add3A_530 = arith.addi %mul3A_2, %add3A_529 : i32
    %mul3A_531 = arith.constant 256 : i32
    %mul3A_532 = arith.muli %add3A_530, %mul3A_531 : i32
    %dma_start3A_533 = arith.constant 0 : i32
    %dma_start3A_534 = tpu.memref_slice %arg4[%mul3A_532, %dma_start3A_533] : memref<65536x256xf32, #tpu.memory_space<hbm>> -> memref<128x256xf32, #tpu.memory_space<hbm>>
    %dma_start3A_535 = arith.constant 0 : i32
    %dma_start3A_536 = tpu.memref_slice %arg4[%mul3A_532, %dma_start3A_535] : memref<65536x256xf32, #tpu.memory_space<hbm>> -> memref<128x256xf32, #tpu.memory_space<hbm>>
    tpu.enqueue_dma source(%arg7 : memref<128x256xf32, #tpu.memory_space<vmem>>) target(%dma_start3A_536 : memref<128x256xf32, #tpu.memory_space<hbm>>) target_semaphore(%arg9 : memref<!tpu.dma_semaphore, #tpu.memory_space<semaphore_mem>>)
    %dma_wait3A_537 = arith.constant 0 : i32
    %dma_wait3A_538 = tpu.memref_slice %arg4[%add3A_473, %dma_wait3A_537] : memref<65536x256xf32, #tpu.memory_space<hbm>> -> memref<128x256xf32, #tpu.memory_space<hbm>>
    %dma_wait3A_539 = arith.constant 0 : i32
    %dma_wait3A_540 = tpu.memref_slice %arg4[%add3A_473, %dma_wait3A_539] : memref<65536x256xf32, #tpu.memory_space<hbm>> -> memref<128x256xf32, #tpu.memory_space<hbm>>
    tpu.wait_dma2 semaphore(%arg10 : memref<!tpu.dma_semaphore, #tpu.memory_space<semaphore_mem>>) src(%arg8 : memref<128x256xf32, #tpu.memory_space<vmem>>) dst(%dma_wait3A_540 : memref<128x256xf32, #tpu.memory_space<hbm>>)
    %scan3A_541 = arith.constant 0 : i32
    %scan3A_542 = arith.constant 0 : i32
    %scan3A_543 = arith.constant 128 : i32
    %scan3A_544 = arith.addi %scan3A_542, %scan3A_543 : i32
    %scan3A_545 = arith.constant 1 : i32
    %scan3A_546 = scf.for %scan3A_646 = %scan3A_542 to %scan3A_544 step %scan3A_545 iter_args(%scan3A_647 = %scan3A_541) -> (i32)  : i32 {
      %swap3A = arith.index_cast %scan3A_646 : i32 to index
      %swap3A_648 = arith.constant 128 : index
      %swap3A_649 = tpu.vector_load %arg8[%swap3A, %swap3A_648] {strides = array<i32>} : memref<128x256xf32, #tpu.memory_space<vmem>>, vector<1x16xf32>,
      %swap3A_650 = vector.shape_cast %swap3A_649 : vector<1x16xf32> to vector<16xf32>
      %swap3A_651 = vector.shape_cast %get3A_482 : vector<16xf32> to vector<1x16xf32>
      tpu.vector_store %arg8[%swap3A, %swap3A_648], %swap3A_651 {strides = array<i32>} : memref<128x256xf32, #tpu.memory_space<vmem>>, vector<1x16xf32>,
      %swap3A_652 = arith.index_cast %scan3A_646 : i32 to index
      %swap3A_653 = arith.constant 144 : index
      %swap3A_654 = tpu.vector_load %arg8[%swap3A_652, %swap3A_653] {strides = array<i32>} : memref<128x256xf32, #tpu.memory_space<vmem>>, vector<1x16xf32>,
      %swap3A_655 = vector.shape_cast %swap3A_654 : vector<1x16xf32> to vector<16xf32>
      %swap3A_656 = vector.shape_cast %get3A_487 : vector<16xf32> to vector<1x16xf32>
      tpu.vector_store %arg8[%swap3A_652, %swap3A_653], %swap3A_656 {strides = array<i32>} : memref<128x256xf32, #tpu.memory_space<vmem>>, vector<1x16xf32>,
      %swap3A_657 = arith.index_cast %scan3A_646 : i32 to index
      %swap3A_658 = arith.constant 160 : index
      %swap3A_659 = tpu.vector_load %arg8[%swap3A_657, %swap3A_658] {strides = array<i32>} : memref<128x256xf32, #tpu.memory_space<vmem>>, vector<1x16xf32>,
      %swap3A_660 = vector.shape_cast %swap3A_659 : vector<1x16xf32> to vector<16xf32>
      %swap3A_661 = vector.shape_cast %get3A_492 : vector<16xf32> to vector<1x16xf32>
      tpu.vector_store %arg8[%swap3A_657, %swap3A_658], %swap3A_661 {strides = array<i32>} : memref<128x256xf32, #tpu.memory_space<vmem>>, vector<1x16xf32>,
      %swap3A_662 = arith.index_cast %scan3A_646 : i32 to index
      %swap3A_663 = arith.constant 176 : index
      %swap3A_664 = tpu.vector_load %arg8[%swap3A_662, %swap3A_663] {strides = array<i32>} : memref<128x256xf32, #tpu.memory_space<vmem>>, vector<1x16xf32>,
      %swap3A_665 = vector.shape_cast %swap3A_664 : vector<1x16xf32> to vector<16xf32>
      %swap3A_666 = vector.shape_cast %get3A_497 : vector<16xf32> to vector<1x16xf32>
      tpu.vector_store %arg8[%swap3A_662, %swap3A_663], %swap3A_666 {strides = array<i32>} : memref<128x256xf32, #tpu.memory_space<vmem>>, vector<1x16xf32>,
      %swap3A_667 = arith.index_cast %scan3A_646 : i32 to index
      %swap3A_668 = arith.constant 192 : index
      %swap3A_669 = tpu.vector_load %arg8[%swap3A_667, %swap3A_668] {strides = array<i32>} : memref<128x256xf32, #tpu.memory_space<vmem>>, vector<1x16xf32>,
      %swap3A_670 = vector.shape_cast %swap3A_669 : vector<1x16xf32> to vector<16xf32>
      %swap3A_671 = vector.shape_cast %get3A_502 : vector<16xf32> to vector<1x16xf32>
      tpu.vector_store %arg8[%swap3A_667, %swap3A_668], %swap3A_671 {strides = array<i32>} : memref<128x256xf32, #tpu.memory_space<vmem>>, vector<1x16xf32>,
      %swap3A_672 = arith.index_cast %scan3A_646 : i32 to index
      %swap3A_673 = arith.constant 208 : index
      %swap3A_674 = tpu.vector_load %arg8[%swap3A_672, %swap3A_673] {strides = array<i32>} : memref<128x256xf32, #tpu.memory_space<vmem>>, vector<1x16xf32>,
      %swap3A_675 = vector.shape_cast %swap3A_674 : vector<1x16xf32> to vector<16xf32>
      %swap3A_676 = vector.shape_cast %get3A_507 : vector<16xf32> to vector<1x16xf32>
      tpu.vector_store %arg8[%swap3A_672, %swap3A_673], %swap3A_676 {strides = array<i32>} : memref<128x256xf32, #tpu.memory_space<vmem>>, vector<1x16xf32>,
      %swap3A_677 = arith.index_cast %scan3A_646 : i32 to index
      %swap3A_678 = arith.constant 224 : index
      %swap3A_679 = tpu.vector_load %arg8[%swap3A_677, %swap3A_678] {strides = array<i32>} : memref<128x256xf32, #tpu.memory_space<vmem>>, vector<1x16xf32>,
      %swap3A_680 = vector.shape_cast %swap3A_679 : vector<1x16xf32> to vector<16xf32>
      %swap3A_681 = vector.shape_cast %get3A_512 : vector<16xf32> to vector<1x16xf32>
      tpu.vector_store %arg8[%swap3A_677, %swap3A_678], %swap3A_681 {strides = array<i32>} : memref<128x256xf32, #tpu.memory_space<vmem>>, vector<1x16xf32>,
      %swap3A_682 = arith.index_cast %scan3A_646 : i32 to index
      %swap3A_683 = arith.constant 240 : index
      %swap3A_684 = tpu.vector_load %arg8[%swap3A_682, %swap3A_683] {strides = array<i32>} : memref<128x256xf32, #tpu.memory_space<vmem>>, vector<1x16xf32>,
      %swap3A_685 = vector.shape_cast %swap3A_684 : vector<1x16xf32> to vector<16xf32>
      %swap3A_686 = vector.shape_cast %get3A_517 : vector<16xf32> to vector<1x16xf32>
      tpu.vector_store %arg8[%swap3A_682, %swap3A_683], %swap3A_686 {strides = array<i32>} : memref<128x256xf32, #tpu.memory_space<vmem>>, vector<1x16xf32>,
      %scan3A_687 = arith.constant 0 : i32
      scf.yield %scan3A_687 : i32
    }
    %scan3A_547 = arith.constant 128 : i32
    %add3A_548 = arith.constant 6 : i32
    %add3A_549 = arith.addi %mul3A_2, %add3A_548 : i32
    %mul3A_550 = arith.constant 256 : i32
    %mul3A_551 = arith.muli %add3A_549, %mul3A_550 : i32
    %add3A_552 = arith.constant 128 : i32
    %add3A_553 = arith.addi %mul3A_551, %add3A_552 : i32
    %dma_start3A_554 = arith.constant 0 : i32
    %dma_start3A_555 = tpu.memref_slice %arg4[%add3A_553, %dma_start3A_554] : memref<65536x256xf32, #tpu.memory_space<hbm>> -> memref<128x256xf32, #tpu.memory_space<hbm>>
    %dma_start3A_556 = arith.constant 0 : i32
    %dma_start3A_557 = tpu.memref_slice %arg4[%add3A_553, %dma_start3A_556] : memref<65536x256xf32, #tpu.memory_space<hbm>> -> memref<128x256xf32, #tpu.memory_space<hbm>>
    tpu.enqueue_dma source(%arg8 : memref<128x256xf32, #tpu.memory_space<vmem>>) target(%dma_start3A_557 : memref<128x256xf32, #tpu.memory_space<hbm>>) target_semaphore(%arg10 : memref<!tpu.dma_semaphore, #tpu.memory_space<semaphore_mem>>)
    %get3A_558 = arith.constant 7 : i32
    %get3A_559 = arith.index_cast %get3A_558 : i32 to index
    %get3A_560 = arith.constant 0 : index
    %get3A_561 = tpu.vector_load %arg6[%get3A_559, %get3A_560] {strides = array<i32>} : memref<8x128xf32, #tpu.memory_space<vmem>>, vector<1x16xf32>,
    %get3A_562 = vector.shape_cast %get3A_561 : vector<1x16xf32> to vector<16xf32>
    %get3A_563 = arith.constant 7 : i32
    %get3A_564 = arith.index_cast %get3A_563 : i32 to index
    %get3A_565 = arith.constant 16 : index
    %get3A_566 = tpu.vector_load %arg6[%get3A_564, %get3A_565] {strides = array<i32>} : memref<8x128xf32, #tpu.memory_space<vmem>>, vector<1x16xf32>,
    %get3A_567 = vector.shape_cast %get3A_566 : vector<1x16xf32> to vector<16xf32>
    %get3A_568 = arith.constant 7 : i32
    %get3A_569 = arith.index_cast %get3A_568 : i32 to index
    %get3A_570 = arith.constant 32 : index
    %get3A_571 = tpu.vector_load %arg6[%get3A_569, %get3A_570] {strides = array<i32>} : memref<8x128xf32, #tpu.memory_space<vmem>>, vector<1x16xf32>,
    %get3A_572 = vector.shape_cast %get3A_571 : vector<1x16xf32> to vector<16xf32>
    %get3A_573 = arith.constant 7 : i32
    %get3A_574 = arith.index_cast %get3A_573 : i32 to index
    %get3A_575 = arith.constant 48 : index
    %get3A_576 = tpu.vector_load %arg6[%get3A_574, %get3A_575] {strides = array<i32>} : memref<8x128xf32, #tpu.memory_space<vmem>>, vector<1x16xf32>,
    %get3A_577 = vector.shape_cast %get3A_576 : vector<1x16xf32> to vector<16xf32>
    %get3A_578 = arith.constant 7 : i32
    %get3A_579 = arith.index_cast %get3A_578 : i32 to index
    %get3A_580 = arith.constant 64 : index
    %get3A_581 = tpu.vector_load %arg6[%get3A_579, %get3A_580] {strides = array<i32>} : memref<8x128xf32, #tpu.memory_space<vmem>>, vector<1x16xf32>,
    %get3A_582 = vector.shape_cast %get3A_581 : vector<1x16xf32> to vector<16xf32>
    %get3A_583 = arith.constant 7 : i32
    %get3A_584 = arith.index_cast %get3A_583 : i32 to index
    %get3A_585 = arith.constant 80 : index
    %get3A_586 = tpu.vector_load %arg6[%get3A_584, %get3A_585] {strides = array<i32>} : memref<8x128xf32, #tpu.memory_space<vmem>>, vector<1x16xf32>,
    %get3A_587 = vector.shape_cast %get3A_586 : vector<1x16xf32> to vector<16xf32>
    %get3A_588 = arith.constant 7 : i32
    %get3A_589 = arith.index_cast %get3A_588 : i32 to index
    %get3A_590 = arith.constant 96 : index
    %get3A_591 = tpu.vector_load %arg6[%get3A_589, %get3A_590] {strides = array<i32>} : memref<8x128xf32, #tpu.memory_space<vmem>>, vector<1x16xf32>,
    %get3A_592 = vector.shape_cast %get3A_591 : vector<1x16xf32> to vector<16xf32>
    %get3A_593 = arith.constant 7 : i32
    %get3A_594 = arith.index_cast %get3A_593 : i32 to index
    %get3A_595 = arith.constant 112 : index
    %get3A_596 = tpu.vector_load %arg6[%get3A_594, %get3A_595] {strides = array<i32>} : memref<8x128xf32, #tpu.memory_space<vmem>>, vector<1x16xf32>,
    %get3A_597 = vector.shape_cast %get3A_596 : vector<1x16xf32> to vector<16xf32>
    %dma_wait3A_598 = arith.constant 0 : i32
    %dma_wait3A_599 = tpu.memref_slice %arg4[%mul3A_532, %dma_wait3A_598] : memref<65536x256xf32, #tpu.memory_space<hbm>> -> memref<128x256xf32, #tpu.memory_space<hbm>>
    %dma_wait3A_600 = arith.constant 0 : i32
    %dma_wait3A_601 = tpu.memref_slice %arg4[%mul3A_532, %dma_wait3A_600] : memref<65536x256xf32, #tpu.memory_space<hbm>> -> memref<128x256xf32, #tpu.memory_space<hbm>>
    tpu.wait_dma2 semaphore(%arg9 : memref<!tpu.dma_semaphore, #tpu.memory_space<semaphore_mem>>) src(%arg7 : memref<128x256xf32, #tpu.memory_space<vmem>>) dst(%dma_wait3A_601 : memref<128x256xf32, #tpu.memory_space<hbm>>)
    %scan3A_602 = arith.constant 0 : i32
    %scan3A_603 = arith.constant 0 : i32
    %scan3A_604 = arith.constant 128 : i32
    %scan3A_605 = arith.addi %scan3A_603, %scan3A_604 : i32
    %scan3A_606 = arith.constant 1 : i32
    %scan3A_607 = scf.for %scan3A_646 = %scan3A_603 to %scan3A_605 step %scan3A_606 iter_args(%scan3A_647 = %scan3A_602) -> (i32)  : i32 {
      %swap3A = arith.index_cast %scan3A_646 : i32 to index
      %swap3A_648 = arith.constant 128 : index
      %swap3A_649 = tpu.vector_load %arg7[%swap3A, %swap3A_648] {strides = array<i32>} : memref<128x256xf32, #tpu.memory_space<vmem>>, vector<1x16xf32>,
      %swap3A_650 = vector.shape_cast %swap3A_649 : vector<1x16xf32> to vector<16xf32>
      %swap3A_651 = vector.shape_cast %get3A_562 : vector<16xf32> to vector<1x16xf32>
      tpu.vector_store %arg7[%swap3A, %swap3A_648], %swap3A_651 {strides = array<i32>} : memref<128x256xf32, #tpu.memory_space<vmem>>, vector<1x16xf32>,
      %swap3A_652 = arith.index_cast %scan3A_646 : i32 to index
      %swap3A_653 = arith.constant 144 : index
      %swap3A_654 = tpu.vector_load %arg7[%swap3A_652, %swap3A_653] {strides = array<i32>} : memref<128x256xf32, #tpu.memory_space<vmem>>, vector<1x16xf32>,
      %swap3A_655 = vector.shape_cast %swap3A_654 : vector<1x16xf32> to vector<16xf32>
      %swap3A_656 = vector.shape_cast %get3A_567 : vector<16xf32> to vector<1x16xf32>
      tpu.vector_store %arg7[%swap3A_652, %swap3A_653], %swap3A_656 {strides = array<i32>} : memref<128x256xf32, #tpu.memory_space<vmem>>, vector<1x16xf32>,
      %swap3A_657 = arith.index_cast %scan3A_646 : i32 to index
      %swap3A_658 = arith.constant 160 : index
      %swap3A_659 = tpu.vector_load %arg7[%swap3A_657, %swap3A_658] {strides = array<i32>} : memref<128x256xf32, #tpu.memory_space<vmem>>, vector<1x16xf32>,
      %swap3A_660 = vector.shape_cast %swap3A_659 : vector<1x16xf32> to vector<16xf32>
      %swap3A_661 = vector.shape_cast %get3A_572 : vector<16xf32> to vector<1x16xf32>
      tpu.vector_store %arg7[%swap3A_657, %swap3A_658], %swap3A_661 {strides = array<i32>} : memref<128x256xf32, #tpu.memory_space<vmem>>, vector<1x16xf32>,
      %swap3A_662 = arith.index_cast %scan3A_646 : i32 to index
      %swap3A_663 = arith.constant 176 : index
      %swap3A_664 = tpu.vector_load %arg7[%swap3A_662, %swap3A_663] {strides = array<i32>} : memref<128x256xf32, #tpu.memory_space<vmem>>, vector<1x16xf32>,
      %swap3A_665 = vector.shape_cast %swap3A_664 : vector<1x16xf32> to vector<16xf32>
      %swap3A_666 = vector.shape_cast %get3A_577 : vector<16xf32> to vector<1x16xf32>
      tpu.vector_store %arg7[%swap3A_662, %swap3A_663], %swap3A_666 {strides = array<i32>} : memref<128x256xf32, #tpu.memory_space<vmem>>, vector<1x16xf32>,
      %swap3A_667 = arith.index_cast %scan3A_646 : i32 to index
      %swap3A_668 = arith.constant 192 : index
      %swap3A_669 = tpu.vector_load %arg7[%swap3A_667, %swap3A_668] {strides = array<i32>} : memref<128x256xf32, #tpu.memory_space<vmem>>, vector<1x16xf32>,
      %swap3A_670 = vector.shape_cast %swap3A_669 : vector<1x16xf32> to vector<16xf32>
      %swap3A_671 = vector.shape_cast %get3A_582 : vector<16xf32> to vector<1x16xf32>
      tpu.vector_store %arg7[%swap3A_667, %swap3A_668], %swap3A_671 {strides = array<i32>} : memref<128x256xf32, #tpu.memory_space<vmem>>, vector<1x16xf32>,
      %swap3A_672 = arith.index_cast %scan3A_646 : i32 to index
      %swap3A_673 = arith.constant 208 : index
      %swap3A_674 = tpu.vector_load %arg7[%swap3A_672, %swap3A_673] {strides = array<i32>} : memref<128x256xf32, #tpu.memory_space<vmem>>, vector<1x16xf32>,
      %swap3A_675 = vector.shape_cast %swap3A_674 : vector<1x16xf32> to vector<16xf32>
      %swap3A_676 = vector.shape_cast %get3A_587 : vector<16xf32> to vector<1x16xf32>
      tpu.vector_store %arg7[%swap3A_672, %swap3A_673], %swap3A_676 {strides = array<i32>} : memref<128x256xf32, #tpu.memory_space<vmem>>, vector<1x16xf32>,
      %swap3A_677 = arith.index_cast %scan3A_646 : i32 to index
      %swap3A_678 = arith.constant 224 : index
      %swap3A_679 = tpu.vector_load %arg7[%swap3A_677, %swap3A_678] {strides = array<i32>} : memref<128x256xf32, #tpu.memory_space<vmem>>, vector<1x16xf32>,
      %swap3A_680 = vector.shape_cast %swap3A_679 : vector<1x16xf32> to vector<16xf32>
      %swap3A_681 = vector.shape_cast %get3A_592 : vector<16xf32> to vector<1x16xf32>
      tpu.vector_store %arg7[%swap3A_677, %swap3A_678], %swap3A_681 {strides = array<i32>} : memref<128x256xf32, #tpu.memory_space<vmem>>, vector<1x16xf32>,
      %swap3A_682 = arith.index_cast %scan3A_646 : i32 to index
      %swap3A_683 = arith.constant 240 : index
      %swap3A_684 = tpu.vector_load %arg7[%swap3A_682, %swap3A_683] {strides = array<i32>} : memref<128x256xf32, #tpu.memory_space<vmem>>, vector<1x16xf32>,
      %swap3A_685 = vector.shape_cast %swap3A_684 : vector<1x16xf32> to vector<16xf32>
      %swap3A_686 = vector.shape_cast %get3A_597 : vector<16xf32> to vector<1x16xf32>
      tpu.vector_store %arg7[%swap3A_682, %swap3A_683], %swap3A_686 {strides = array<i32>} : memref<128x256xf32, #tpu.memory_space<vmem>>, vector<1x16xf32>,
      %scan3A_687 = arith.constant 0 : i32
      scf.yield %scan3A_687 : i32
    }
    %scan3A_608 = arith.constant 128 : i32
    %add3A_609 = arith.constant 7 : i32
    %add3A_610 = arith.addi %mul3A_2, %add3A_609 : i32
    %mul3A_611 = arith.constant 256 : i32
    %mul3A_612 = arith.muli %add3A_610, %mul3A_611 : i32
    %dma_start3A_613 = arith.constant 0 : i32
    %dma_start3A_614 = tpu.memref_slice %arg4[%mul3A_612, %dma_start3A_613] : memref<65536x256xf32, #tpu.memory_space<hbm>> -> memref<128x256xf32, #tpu.memory_space<hbm>>
    %dma_start3A_615 = arith.constant 0 : i32
    %dma_start3A_616 = tpu.memref_slice %arg4[%mul3A_612, %dma_start3A_615] : memref<65536x256xf32, #tpu.memory_space<hbm>> -> memref<128x256xf32, #tpu.memory_space<hbm>>
    tpu.enqueue_dma source(%arg7 : memref<128x256xf32, #tpu.memory_space<vmem>>) target(%dma_start3A_616 : memref<128x256xf32, #tpu.memory_space<hbm>>) target_semaphore(%arg9 : memref<!tpu.dma_semaphore, #tpu.memory_space<semaphore_mem>>)
    %dma_wait3A_617 = arith.constant 0 : i32
    %dma_wait3A_618 = tpu.memref_slice %arg4[%add3A_553, %dma_wait3A_617] : memref<65536x256xf32, #tpu.memory_space<hbm>> -> memref<128x256xf32, #tpu.memory_space<hbm>>
    %dma_wait3A_619 = arith.constant 0 : i32
    %dma_wait3A_620 = tpu.memref_slice %arg4[%add3A_553, %dma_wait3A_619] : memref<65536x256xf32, #tpu.memory_space<hbm>> -> memref<128x256xf32, #tpu.memory_space<hbm>>
    tpu.wait_dma2 semaphore(%arg10 : memref<!tpu.dma_semaphore, #tpu.memory_space<semaphore_mem>>) src(%arg8 : memref<128x256xf32, #tpu.memory_space<vmem>>) dst(%dma_wait3A_620 : memref<128x256xf32, #tpu.memory_space<hbm>>)
    %scan3A_621 = arith.constant 0 : i32
    %scan3A_622 = arith.constant 0 : i32
    %scan3A_623 = arith.constant 128 : i32
    %scan3A_624 = arith.addi %scan3A_622, %scan3A_623 : i32
    %scan3A_625 = arith.constant 1 : i32
    %scan3A_626 = scf.for %scan3A_646 = %scan3A_622 to %scan3A_624 step %scan3A_625 iter_args(%scan3A_647 = %scan3A_621) -> (i32)  : i32 {
      %swap3A = arith.index_cast %scan3A_646 : i32 to index
      %swap3A_648 = arith.constant 128 : index
      %swap3A_649 = tpu.vector_load %arg8[%swap3A, %swap3A_648] {strides = array<i32>} : memref<128x256xf32, #tpu.memory_space<vmem>>, vector<1x16xf32>,
      %swap3A_650 = vector.shape_cast %swap3A_649 : vector<1x16xf32> to vector<16xf32>
      %swap3A_651 = vector.shape_cast %get3A_562 : vector<16xf32> to vector<1x16xf32>
      tpu.vector_store %arg8[%swap3A, %swap3A_648], %swap3A_651 {strides = array<i32>} : memref<128x256xf32, #tpu.memory_space<vmem>>, vector<1x16xf32>,
      %swap3A_652 = arith.index_cast %scan3A_646 : i32 to index
      %swap3A_653 = arith.constant 144 : index
      %swap3A_654 = tpu.vector_load %arg8[%swap3A_652, %swap3A_653] {strides = array<i32>} : memref<128x256xf32, #tpu.memory_space<vmem>>, vector<1x16xf32>,
      %swap3A_655 = vector.shape_cast %swap3A_654 : vector<1x16xf32> to vector<16xf32>
      %swap3A_656 = vector.shape_cast %get3A_567 : vector<16xf32> to vector<1x16xf32>
      tpu.vector_store %arg8[%swap3A_652, %swap3A_653], %swap3A_656 {strides = array<i32>} : memref<128x256xf32, #tpu.memory_space<vmem>>, vector<1x16xf32>,
      %swap3A_657 = arith.index_cast %scan3A_646 : i32 to index
      %swap3A_658 = arith.constant 160 : index
      %swap3A_659 = tpu.vector_load %arg8[%swap3A_657, %swap3A_658] {strides = array<i32>} : memref<128x256xf32, #tpu.memory_space<vmem>>, vector<1x16xf32>,
      %swap3A_660 = vector.shape_cast %swap3A_659 : vector<1x16xf32> to vector<16xf32>
      %swap3A_661 = vector.shape_cast %get3A_572 : vector<16xf32> to vector<1x16xf32>
      tpu.vector_store %arg8[%swap3A_657, %swap3A_658], %swap3A_661 {strides = array<i32>} : memref<128x256xf32, #tpu.memory_space<vmem>>, vector<1x16xf32>,
      %swap3A_662 = arith.index_cast %scan3A_646 : i32 to index
      %swap3A_663 = arith.constant 176 : index
      %swap3A_664 = tpu.vector_load %arg8[%swap3A_662, %swap3A_663] {strides = array<i32>} : memref<128x256xf32, #tpu.memory_space<vmem>>, vector<1x16xf32>,
      %swap3A_665 = vector.shape_cast %swap3A_664 : vector<1x16xf32> to vector<16xf32>
      %swap3A_666 = vector.shape_cast %get3A_577 : vector<16xf32> to vector<1x16xf32>
      tpu.vector_store %arg8[%swap3A_662, %swap3A_663], %swap3A_666 {strides = array<i32>} : memref<128x256xf32, #tpu.memory_space<vmem>>, vector<1x16xf32>,
      %swap3A_667 = arith.index_cast %scan3A_646 : i32 to index
      %swap3A_668 = arith.constant 192 : index
      %swap3A_669 = tpu.vector_load %arg8[%swap3A_667, %swap3A_668] {strides = array<i32>} : memref<128x256xf32, #tpu.memory_space<vmem>>, vector<1x16xf32>,
      %swap3A_670 = vector.shape_cast %swap3A_669 : vector<1x16xf32> to vector<16xf32>
      %swap3A_671 = vector.shape_cast %get3A_582 : vector<16xf32> to vector<1x16xf32>
      tpu.vector_store %arg8[%swap3A_667, %swap3A_668], %swap3A_671 {strides = array<i32>} : memref<128x256xf32, #tpu.memory_space<vmem>>, vector<1x16xf32>,
      %swap3A_672 = arith.index_cast %scan3A_646 : i32 to index
      %swap3A_673 = arith.constant 208 : index
      %swap3A_674 = tpu.vector_load %arg8[%swap3A_672, %swap3A_673] {strides = array<i32>} : memref<128x256xf32, #tpu.memory_space<vmem>>, vector<1x16xf32>,
      %swap3A_675 = vector.shape_cast %swap3A_674 : vector<1x16xf32> to vector<16xf32>
      %swap3A_676 = vector.shape_cast %get3A_587 : vector<16xf32> to vector<1x16xf32>
      tpu.vector_store %arg8[%swap3A_672, %swap3A_673], %swap3A_676 {strides = array<i32>} : memref<128x256xf32, #tpu.memory_space<vmem>>, vector<1x16xf32>,
      %swap3A_677 = arith.index_cast %scan3A_646 : i32 to index
      %swap3A_678 = arith.constant 224 : index
      %swap3A_679 = tpu.vector_load %arg8[%swap3A_677, %swap3A_678] {strides = array<i32>} : memref<128x256xf32, #tpu.memory_space<vmem>>, vector<1x16xf32>,
      %swap3A_680 = vector.shape_cast %swap3A_679 : vector<1x16xf32> to vector<16xf32>
      %swap3A_681 = vector.shape_cast %get3A_592 : vector<16xf32> to vector<1x16xf32>
      tpu.vector_store %arg8[%swap3A_677, %swap3A_678], %swap3A_681 {strides = array<i32>} : memref<128x256xf32, #tpu.memory_space<vmem>>, vector<1x16xf32>,
      %swap3A_682 = arith.index_cast %scan3A_646 : i32 to index
      %swap3A_683 = arith.constant 240 : index
      %swap3A_684 = tpu.vector_load %arg8[%swap3A_682, %swap3A_683] {strides = array<i32>} : memref<128x256xf32, #tpu.memory_space<vmem>>, vector<1x16xf32>,
      %swap3A_685 = vector.shape_cast %swap3A_684 : vector<1x16xf32> to vector<16xf32>
      %swap3A_686 = vector.shape_cast %get3A_597 : vector<16xf32> to vector<1x16xf32>
      tpu.vector_store %arg8[%swap3A_682, %swap3A_683], %swap3A_686 {strides = array<i32>} : memref<128x256xf32, #tpu.memory_space<vmem>>, vector<1x16xf32>,
      %scan3A_687 = arith.constant 0 : i32
      scf.yield %scan3A_687 : i32
    }
    %scan3A_627 = arith.constant 128 : i32
    %add3A_628 = arith.constant 7 : i32
    %add3A_629 = arith.addi %mul3A_2, %add3A_628 : i32
    %mul3A_630 = arith.constant 256 : i32
    %mul3A_631 = arith.muli %add3A_629, %mul3A_630 : i32
    %add3A_632 = arith.constant 128 : i32
    %add3A_633 = arith.addi %mul3A_631, %add3A_632 : i32
    %dma_start3A_634 = arith.constant 0 : i32
    %dma_start3A_635 = tpu.memref_slice %arg4[%add3A_633, %dma_start3A_634] : memref<65536x256xf32, #tpu.memory_space<hbm>> -> memref<128x256xf32, #tpu.memory_space<hbm>>
    %dma_start3A_636 = arith.constant 0 : i32
    %dma_start3A_637 = tpu.memref_slice %arg4[%add3A_633, %dma_start3A_636] : memref<65536x256xf32, #tpu.memory_space<hbm>> -> memref<128x256xf32, #tpu.memory_space<hbm>>
    tpu.enqueue_dma source(%arg8 : memref<128x256xf32, #tpu.memory_space<vmem>>) target(%dma_start3A_637 : memref<128x256xf32, #tpu.memory_space<hbm>>) target_semaphore(%arg10 : memref<!tpu.dma_semaphore, #tpu.memory_space<semaphore_mem>>)
    %dma_wait3A_638 = arith.constant 0 : i32
    %dma_wait3A_639 = tpu.memref_slice %arg4[%mul3A_612, %dma_wait3A_638] : memref<65536x256xf32, #tpu.memory_space<hbm>> -> memref<128x256xf32, #tpu.memory_space<hbm>>
    %dma_wait3A_640 = arith.constant 0 : i32
    %dma_wait3A_641 = tpu.memref_slice %arg4[%mul3A_612, %dma_wait3A_640] : memref<65536x256xf32, #tpu.memory_space<hbm>> -> memref<128x256xf32, #tpu.memory_space<hbm>>
    tpu.wait_dma2 semaphore(%arg9 : memref<!tpu.dma_semaphore, #tpu.memory_space<semaphore_mem>>) src(%arg7 : memref<128x256xf32, #tpu.memory_space<vmem>>) dst(%dma_wait3A_641 : memref<128x256xf32, #tpu.memory_space<hbm>>)
    %dma_wait3A_642 = arith.constant 0 : i32
    %dma_wait3A_643 = tpu.memref_slice %arg4[%add3A_633, %dma_wait3A_642] : memref<65536x256xf32, #tpu.memory_space<hbm>> -> memref<128x256xf32, #tpu.memory_space<hbm>>
    %dma_wait3A_644 = arith.constant 0 : i32
    %dma_wait3A_645 = tpu.memref_slice %arg4[%add3A_633, %dma_wait3A_644] : memref<65536x256xf32, #tpu.memory_space<hbm>> -> memref<128x256xf32, #tpu.memory_space<hbm>>
    tpu.wait_dma2 semaphore(%arg10 : memref<!tpu.dma_semaphore, #tpu.memory_space<semaphore_mem>>) src(%arg8 : memref<128x256xf32, #tpu.memory_space<vmem>>) dst(%dma_wait3A_645 : memref<128x256xf32, #tpu.memory_space<hbm>>)
    return
  }
}

</mosaic_0001>

<sc_bundles>
// kernel: kernel.3.cloned.1.call-start
scs
__scs_entry_jumppad:
0x0: {  	(pc) =	sbr.rel $0x88, $3  }
0x1: {  	(tag) =	ssettag $0x0;
	lr =	simm.s32 $0x1  }
0x2: {  	[smem:$0x3F9F] =	sst lr;
	_ =	strace $0xD0000000  }
0x3: {  	_ = 	snop  }
0x4: {  	_ = 	snop  }
0x5: {  	_ = 	snop  }
0x6: {  	_ = 	snop  }
0x7: {  	_ = 	snop  }
__scs_overlays_trampoline_lowered:
0x8: {  	[smem:$0x3FAE] =	sst s0  }
0x9: {  	[smem:$0x3FAF] =	sst s1  }
0xa: {  	[smem:$0x3FB0] =	sst s2  }
0xb: {  	[smem:$0x3FB1] =	sst s3  }
0xc: {  	[smem:$0x3FB2] =	sst s4  }
0xd: {  	[smem:$0x3FB3] =	sst s5  }
0xe: {  	[smem:$0x3FB4] =	sst s6  }
0xf: {  	[smem:$0x3FB5] =	sst s7  }
0x10: {  	[smem:$0x3FB6] =	sst s8  }
0x11: {  	[smem:$0x3FB7] =	sst s9;
	s0 =	simm.s32 @!p0 $0x0  }
0x12: {  	s1 =	sld [smem:$0x3F9D];
	s0 =	simm.s32 @p0 $0x1  }
0x13: {  	[smem:$0x3FB8] =	sst s0;
	s0 =	simm.s32 @!p1 $0x0  }
0x14: {  	s2 =	sld [smem:$0x3F9C];
	s0 =	simm.s32 @p1 $0x1  }
0x15: {  	[smem:$0x3FB9] =	sst s0;
	s0 =	simm.s32 @!p2 $0x0  }
0x16: {  	s3 =	sld [smem:$0x3FDB];
	s0 =	simm.s32 @p2 $0x1  }
0x17: {  	s4 =	simm.s32 $0x1BF5;
	[smem:$0x3FBB] =	sst s0  }
0x18: {  	s0 =	sld [smem:$0x3F9E];
	_ =	swait.ge [sflag:s4], $0x0  }
0x19: {  	s7 =	sld [smem:$0x3F9F]  }
0x1a: {  	s8 =	sadd.s32 $0xFFFFE003, lr  }
0x1b: {  	s9 =	sadd.s32 $0xFFFFFEF7, lr;
	s5 =	simm.s32 $0xFFFFFFFF;
	p2 =	slt.u32 s8, $0xFFFFF086  }
0x1c: {  	p1 =	slt.u32 s9, $0xF7A;
	s5 =	simm.s32 @!p2 $0x0  }
0x1d: {  	s5 =	simm.s32 @p1 $0x1;
	p0 =	seq.s32 s7, s2  }
0x1e: {  	s7 =	smul.u32 @!p0 $0xF7A, s2;
	p2 =	seq.s32 @!p0 s5, $0x0  }
0x1f: {  	s9 =	smul.u32 $0xF7A, s1;
	s8 =	simm.s32 @!p0 $0x1BF5;
	p2 =	por !p2, p0  }
0x20: {  	[sflag:s8] =	ssyncset.s32 @!p0 $0xFFFFF086;
	s6 =	sadd.s32 @!p0 s3, s7;
	s7 =	simm.s32 @!p0 $0x108  }
0x21: {  	s3 =	sadd.s32 s3, s9;
	s6 =	sadd.s32 @!p0 $0x88, s6;
	s7 =	simm.s32 @p2 $0x1082  }
0x22: {  	[simem:s7], [sflag:s8] =	dma.local @!p0 [hbm:s6], $0xF7A  }
0x23: {  	s9 =	sor.u32 $0xD0000000, s2;
	s6 =	simm.s32 $0x108;
	_ =	swait.ge @!p0 [sflag:s8], $0x0  }
0x24: {  	s3 =	sadd.s32 $0x88, s3;
	s6 =	simm.s32 @!p1 $0x1082;
	[sflag:s4] =	ssyncset.s32 $0xFFFFF086  }
0x25: {  	[simem:s6], [sflag:s4] =	dma.local [hbm:s3], $0xF7A  }
0x26: {  	[smem:$0x3F9F] =	sst s1;
	(tag) =	ssettag s2;
	_ =	strace s9  }
0x27: {  	s1 =	sld [smem:$0x3FAF]  }
0x28: {  	s2 =	sld [smem:$0x3FB0]  }
0x29: {  	s4 =	sld [smem:$0x3FB2]  }
0x2a: {  	p0 =	seq.s32 s5, $0x0;
	s5 =	sld [smem:$0x3FB3]  }
0x2b: {  	s6 =	sld [smem:$0x3FB4]  }
0x2c: {  	s7 =	sld [smem:$0x3FB5]  }
0x2d: {  	s3 =	simm.s32 $0x108;
	s8 =	sld [smem:$0x3FB6]  }
0x2e: {  	s3 =	simm.s32 @!p0 $0x1082;
	s9 =	sld [smem:$0x3FB7]  }
0x2f: {  	lr =	sadd.s32 s0, s3;
	s0 =	sld [smem:$0x3FAE]  }
0x30: {  	s3 =	sld [smem:$0x3FB1]  }
0x31: {  	[smem:$0x3FBA] =	sst s10  }
0x32: {  	s10 =	sld [smem:$0x3FB8];
	_ =	sdelay $0x3  }
0x33: {  	p0 =	seq.s32 s10, $0x1;
	s10 =	sld [smem:$0x3FBA];
	_ =	sdelay $0x3  }
0x34: {  	[smem:$0x3FBA] =	sst s10  }
0x35: {  	s10 =	sld [smem:$0x3FB9];
	_ =	sdelay $0x3  }
0x36: {  	p1 =	seq.s32 s10, $0x1;
	s10 =	sld [smem:$0x3FBA];
	_ =	sdelay $0x3  }
0x37: {  	[smem:$0x3FBA] =	sst s10  }
0x38: {  	s10 =	sld [smem:$0x3FBB]  }
0x39: {  	_ = 	snop;
	(pc) =	sbr.ind lr, $3  }
0x3a: {  	_ = 	snop  }
0x3b: {  	_ = 	snop  }
0x3c: {  	p2 =	seq.s32 s10, $0x1;
	s10 =	sld [smem:$0x3FBA]  }
0x3d: {  	_ =	shalt  }
0x3e: {  	_ =	shalt  }
0x3f: {  	_ =	shalt  }
0x40: {  	_ =	shalt  }
0x41: {  	_ =	shalt  }
0x42: {  	_ =	shalt  }
0x43: {  	_ =	shalt  }
0x44: {  	_ =	shalt  }
0x45: {  	_ =	shalt  }
0x46: {  	_ =	shalt  }
0x47: {  	_ =	shalt  }
0x48: {  	_ =	shalt  }
0x49: {  	_ =	shalt  }
0x4a: {  	_ =	shalt  }
0x4b: {  	_ =	shalt  }
0x4c: {  	_ =	shalt  }
0x4d: {  	_ =	shalt  }
0x4e: {  	_ =	shalt  }
0x4f: {  	_ =	shalt  }
0x50: {  	_ =	shalt  }
0x51: {  	_ =	shalt  }
0x52: {  	_ =	shalt  }
0x53: {  	_ =	shalt  }
0x54: {  	_ =	shalt  }
0x55: {  	_ =	shalt  }
0x56: {  	_ =	shalt  }
0x57: {  	_ =	shalt  }
0x58: {  	_ =	shalt  }
0x59: {  	_ =	shalt  }
0x5a: {  	_ =	shalt  }
0x5b: {  	_ =	shalt  }
0x5c: {  	_ =	shalt  }
0x5d: {  	_ =	shalt  }
0x5e: {  	_ =	shalt  }
0x5f: {  	_ =	shalt  }
0x60: {  	_ =	shalt  }
0x61: {  	_ =	shalt  }
0x62: {  	_ =	shalt  }
0x63: {  	_ =	shalt  }
0x64: {  	_ =	shalt  }
0x65: {  	_ =	shalt  }
0x66: {  	_ =	shalt  }
0x67: {  	_ =	shalt  }
0x68: {  	_ =	shalt  }
0x69: {  	_ =	shalt  }
0x6a: {  	_ =	shalt  }
0x6b: {  	_ =	shalt  }
0x6c: {  	_ =	shalt  }
0x6d: {  	_ =	shalt  }
0x6e: {  	_ =	shalt  }
0x6f: {  	_ =	shalt  }
0x70: {  	_ =	shalt  }
0x71: {  	_ =	shalt  }
0x72: {  	_ =	shalt  }
0x73: {  	_ =	shalt  }
0x74: {  	_ =	shalt  }
0x75: {  	_ =	shalt  }
0x76: {  	_ =	shalt  }
0x77: {  	_ =	shalt  }
0x78: {  	_ =	shalt  }
0x79: {  	_ =	shalt  }
0x7a: {  	_ =	shalt  }
0x7b: {  	_ =	shalt  }
0x7c: {  	_ =	shalt  }
0x7d: {  	_ =	shalt  }
0x7e: {  	_ =	shalt  }
0x7f: {  	_ =	shalt  }
0x80: {  	_ =	shalt  }
0x81: {  	_ =	shalt  }
0x82: {  	_ =	shalt  }
0x83: {  	_ =	shalt  }
0x84: {  	_ =	shalt  }
0x85: {  	_ =	shalt  }
0x86: {  	_ =	shalt  }
0x87: {  	_ =	shalt  }
.Lfunc_end0:
.L_simem_size_0:
called_computation_lowered:
.L_overlay_start_0:
0x88: {  	s2 =	sld [smem:$0x3FD9]  }
0x89: {  	s3 =	sld [smem:$0x3FFE];
	_ =	sdelay $0x1  }
0x8a: {  	s1 =	srdreg.scid  }
0x8b: {  	s0 =	sand.u32 $0x1, s1  }
0x8c: {  	s18 =	sshll.u32 s0, $0xA;
	s2 =	sadd.s32 s3, s2  }
0x8d: {  	s2 =	sadd.s32 s2, s18  }
0x8e: {  	[smem:$0x3FC6] =	sst s2  }
0x8f: {  	_ = 	snop  }
0x90: {  	s2 =	sld [smem:$0x3FC9]  }
0x91: {  	s19 =	sld [smem:$0x3FC8]  }
0x92: {  	s4 =	sld [smem:$0x3FD0];
	(tm) =	ssettm $0x1  }
0x93: {  	s5 =	sld [smem:$0x3FFB];
	_ =	sdelay $0x3  }
0x94: {  	_ =	strace s5  }
0x95: {  	s5 =	sld [smem:$0x3FFC];
	_ =	sdelay $0x3  }
0x96: {  	_ =	strace s5  }
0x97: {  	s5 =	sld [smem:$0x3FFD];
	_ =	sdelay $0x3  }
0x98: {  	_ =	strace s5  }
0x99: {  	_ =	strace $0x8FFFFFFF  }
0x9a: {  	s20 =	sld [smem:$0x3FDB];
	_ =	sdelay $0x1  }
0x9b: {  	s6 =	simm.s32 $_scs_section_size  }
0x9c: {  	s7 =	simm.s32 $_size__tile_overlayer_lowered;
	s8 =	simm.s32 $_tile_overlayer_lowered  }
0x9d: {  	s23 =	simm.s32 $0x1BFF;
	s22 =	sshll.u32 s8, $0x1;
	s5 =	sadd.s32 s6, s20  }
0x9e: {  	s9 =	simm.s32 $0x0;
	s21 =	sshll.u32 s7, $0x1;
	s7 =	sadd.s32 s22, s5  }
0x9f: {  	[timem:s9], [sflag:s23] =	dma.local [hbm:s7], s21  }
0xa0: {  	_ =	swait.ge [sflag:s23], s21  }
0xa1: {  	s6 =	ssub.s32 $0x0, s21;
	[sflag:s23] =	ssyncset.done $0x0  }
0xa2: {  	[sflag:s23] =	ssyncadd.s32 s6;
	_ =	sdelay $0x1  }
0xa3: {  	s24 =	simm.s32 $0x1B8B  }
0xa4: {  	_ =	swait.ge [sflag:s24], $0x1  }
0xa5: {  	[sflag:s24] =	ssyncset.done $0x0  }
0xa6: {  	s25 =	simm.s32 $0x1B8E;
	[sflag:s24] =	ssyncadd.s32 $0xFFFFFFFF  }
0xa7: {  	s26 =	simm.s32 $execute0_lowered;
	[smem:$0x3FD2] =	sst s25  }
0xa8: {  	s6 =	sshll.u32 s26, $0x1;
	_ =	strace $0x80000046;
	[dreg:$0x1] =	wrdreg $0xFFFFFFFF  }
0xa9: {  	s28 =	simm.s32 $_size_execute0_lowered;
	s5 =	sadd.s32 s5, s6;
	[dreg:$0x0] =	wrdreg $0x0  }
0xaa: {  	s6 =	sshll.u32 s28, $0x1;
	[dreg:$0x2] =	wrdreg s5  }
0xab: {  	[dreg:$0x3] =	wrdreg s6  }
0xac: {  	[dreg:$0x4] =	wrdreg $0xC0  }
0xad: {  	_ =	task [dreg:s9], $0x5FFFF  }
0xae: {  	[dreg:$0x1] =	wrdreg $0xFFFFFFFF  }
0xaf: {  	[dreg:$0x0] =	wrdreg $0x60  }
0xb0: {  	[dreg:$0x2] =	wrdreg s2  }
0xb1: {  	[dreg:$0x3] =	wrdreg s19  }
0xb2: {  	[dreg:$0x4] =	wrdreg s4  }
0xb3: {  	[dreg:$0x5] =	wrdreg $0x9  }
0xb4: {  	_ =	task.clear_ibuf [dreg:s9], $0x6FFFF;
	_ =	strace $0x90000046  }
0xb5: {  	s29 =	simm.s32 $0x9;
	_ =	strace $0x80000048  }
0xb6: {  	_ =	swait.ge [sflag:s29], $0x1  }
0xb7: {  	[sflag:s29] =	ssyncadd.s32 $0xFFFFFFFF  }
0xb8: {  	_ =	strace $0x90000048  }
0xb9: {  	_ =	sfence  }
0xba: {  	s30 =	sld [smem:$0x0];
	_ =	sdelay $0x2  }
0xbb: {  	s31 =	sshll.u32 s1, $0xD;
	s1 =	sshrl.u32 s1, $0x2  }
0xbc: {  	s3 =	sand.u32 $0x4000, s31;
	s1 =	sadd.s32 s1, s30  }
0xbd: {  	s0 =	sor.u32 s3, s0;
	s1 =	sshll.u32 s1, $0x11  }
0xbe: {  	s0 =	sor.u32 s1, s0  }
0xbf: {  	s0 =	sadd.s32 $0x8F2B, s0  }
0xc0: {  	[sflag:s0] =	ssyncadd.remote.s32 $0x1  }
0xc1: {  	_ =	sfence.sel $0xFFFF  }
0xc2: {  	[dreg:$0x0] =	wrdreg $0xFFFFFFFF;
	(pc) =	sbr.abs _section_cstart, $3  }
0xc3: {  	[dreg:$0x1] =	wrdreg $0xFFFFFFFF  }
0xc4: {  	_ =	task.clear_ibuf [dreg:s9], $0x2FFFF;
	_ =	strace $0x9FFFFFFF  }
0xc5: {  	(tm) =	ssettm $0x7FFFFFFF  }
tec
execute0_lowered:
.L_overlay_start_1:
0x0: {  	(tag) =	ssettag $0x1  }
0x1: {  	s0 =	rddreg [dreg:$0x0]  }
0x2: {  	s1 =	rddreg [dreg:$0x2];
	s2 =	srdreg.scid  }
0x3: {  	s4 =	stileid.u32;
	s3 =	simm.s32 $0x0;
	s22 =	simm.s32 $0x3  }
0x4: {  	s24 =	simm.s32 $0x8400;
	s25 =	simm.s32 $0x10400;
	s26 =	simm.s32 $0x1  }
0x5: {  	s28 =	simm.s32 $0x2;
	s2 =	sand.u32 $0x1, s2;
	s4 =	sshll.u32 s4, $0x1  }
0x6: {  	[smem:$0x7FF] =	sst s3;
	s5 =	ssub.s32 $0x2, s2;
	s2 =	sor.u32 s2, s4  }
0x7: {  	s29 =	simm.s32 $0x0;
	_ =	strace $0x80000047;
	s6 =	sshll.u32 s2, $0x10  }
0x8: {  	s31 =	sshrl.u32 s5, $0x1;
	s2 =	sshll.u32 s2, $0x7;
	s4 =	sadd.s32 s1, s6  }
0x9: {  	s21 =	ssub.s32 s5, s31;
	s5 =	sadd.s32 s0, s2;
	s6 =	sadd.s32 $0x1000, s4  }
0xa: {  	s7 =	sadd.s32 $0x2000, s4;
	s8 =	sadd.s32 $0x3000, s4;
	s9 =	sadd.s32 $0x4000, s4  }
0xb: {  	s10 =	sadd.s32 $0x5000, s4;
	s11 =	sadd.s32 $0x6000, s4;
	s12 =	sadd.s32 $0x7000, s4  }
0xc: {  	s13 =	sadd.s32 $0x8000, s4;
	s14 =	sadd.s32 $0x9000, s4;
	s15 =	sadd.s32 $0xA000, s4  }
0xd: {  	s16 =	sadd.s32 $0xB000, s4;
	s17 =	sadd.s32 $0xC000, s4;
	s18 =	sadd.s32 $0xD000, s4  }
0xe: {  	s19 =	sadd.s32 $0xE000, s4;
	s20 =	sadd.s32 $0xF000, s4;
	s21 =	smax.u32 s21, $0x1  }
.LBB2_1:
0xf: {  	s0 =	rddreg [dreg:$0x1]  }
0x10: {  	[tilespmem:s3], [sflag:$0x3] =	stream.linear.gather [hbm4b:s0+s3], $0x8000, $0x38;
	[tilespmem:$0x18400] =	vst v63  }
0x11: {  	_ =	swait.ge [sflag:s22], $0x8000  }
0x12: {  	[sflag:s22] =	ssyncset.done $0x0  }
0x13: {  	s2 =	simm.s32 $0x8000;
	[sflag:s22] =	ssyncadd.s32 $0xFFFF8000  }
0x14: {  	[tilespmem:s2], [sflag:$0x3] =	stream.linear.gather [hbm4b:s5+s3], $0x400, $0x38;
	[tilespmem:$0x18400] =	vst v63  }
0x15: {  	_ =	swait.ge [sflag:s22], $0x400  }
0x16: {  	[sflag:s22] =	ssyncset.done $0x0  }
0x17: {  	s23 =	simm.s32 $0x0;
	[sflag:s22] =	ssyncadd.s32 $0xFFFFFC00  }
0x18: {  	v0 =	vld [tilespmem:s23+$0x0];
	_ =	sdelay $0x2  }
0x19: {  	s1 =	sand.u32 $0x7800, s3;
	s2 =	sand.u32 $0x380, s3  }
0x1a: {  	s2 =	sor.u32 s2, s1  }
0x1b: {  	[tilespmem:s2+$0x8400] =	vst v0  }
0x1c: {  	v0 =	vld [tilespmem:s23+$0x4000];
	_ =	sdelay $0x4  }
0x1d: {  	[tilespmem:s2+$0x10400] =	vst v0  }
0x1e: {  	v0 =	vld [tilespmem:s23+$0x10];
	_ =	sdelay $0x4  }
0x1f: {  	[tilespmem:s2+$0x8410] =	vst v0  }
0x20: {  	v0 =	vld [tilespmem:s23+$0x4010];
	_ =	sdelay $0x4  }
0x21: {  	[tilespmem:s2+$0x10410] =	vst v0  }
0x22: {  	v0 =	vld [tilespmem:s23+$0x20];
	_ =	sdelay $0x4  }
0x23: {  	[tilespmem:s2+$0x8420] =	vst v0  }
0x24: {  	v0 =	vld [tilespmem:s23+$0x4020];
	_ =	sdelay $0x4  }
0x25: {  	[tilespmem:s2+$0x10420] =	vst v0  }
0x26: {  	v0 =	vld [tilespmem:s23+$0x30];
	_ =	sdelay $0x4  }
0x27: {  	[tilespmem:s2+$0x8430] =	vst v0  }
0x28: {  	v0 =	vld [tilespmem:s23+$0x4030];
	_ =	sdelay $0x4  }
0x29: {  	[tilespmem:s2+$0x10430] =	vst v0  }
0x2a: {  	v0 =	vld [tilespmem:s23+$0x40];
	_ =	sdelay $0x4  }
0x2b: {  	[tilespmem:s2+$0x8440] =	vst v0  }
0x2c: {  	v0 =	vld [tilespmem:s23+$0x4040];
	_ =	sdelay $0x4  }
0x2d: {  	[tilespmem:s2+$0x10440] =	vst v0  }
0x2e: {  	v0 =	vld [tilespmem:s23+$0x50];
	_ =	sdelay $0x4  }
0x2f: {  	[tilespmem:s2+$0x8450] =	vst v0  }
0x30: {  	v0 =	vld [tilespmem:s23+$0x4050];
	_ =	sdelay $0x4  }
0x31: {  	[tilespmem:s2+$0x10450] =	vst v0  }
0x32: {  	v0 =	vld [tilespmem:s23+$0x60];
	_ =	sdelay $0x4  }
0x33: {  	[tilespmem:s2+$0x8460] =	vst v0  }
0x34: {  	v0 =	vld [tilespmem:s23+$0x4060];
	_ =	sdelay $0x4  }
0x35: {  	[tilespmem:s2+$0x10460] =	vst v0  }
0x36: {  	v0 =	vld [tilespmem:s23+$0x70];
	_ =	sdelay $0x4  }
0x37: {  	[tilespmem:s2+$0x8470] =	vst v0  }
0x38: {  	v0 =	vld [tilespmem:s23+$0x4070];
	_ =	sdelay $0x3  }
0x39: {  	s30 =	simm.s32 $0x80  }
0x3a: {  	s31 =	simm.s32 $0x0;
	s0 =	simm.s32 $0x0;
	s1 =	simm.s32 $0x400;
	[tilespmem:s2+$0x10470] =	vst v0  }
.LBB2_2:
0x3b: {  	p0 =	sne.s32 s1, $0xFE00;
	v0 =	vld [tilespmem:s30+$0x0];
	_ =	sdelay $0x1  }
0x3c: {  	s31 =	sadd.s32 $0x100, s31;
	s0 =	sadd.s32 $0x80, s0  }
0x3d: {  	s2 =	sand.u32 $0x7800, s31;
	s23 =	sand.u32 $0x380, s0  }
0x3e: {  	s2 =	sor.u32 s23, s2  }
0x3f: {  	[tilespmem:s2+$0x8400] =	vst v0  }
0x40: {  	v0 =	vld [tilespmem:s30+$0x4000];
	_ =	sdelay $0x4  }
0x41: {  	[tilespmem:s2+$0x10400] =	vst v0  }
0x42: {  	v0 =	vld [tilespmem:s30+$0x10];
	_ =	sdelay $0x4  }
0x43: {  	[tilespmem:s2+$0x8410] =	vst v0  }
0x44: {  	v0 =	vld [tilespmem:s30+$0x4010];
	_ =	sdelay $0x4  }
0x45: {  	[tilespmem:s2+$0x10410] =	vst v0  }
0x46: {  	v0 =	vld [tilespmem:s30+$0x20];
	_ =	sdelay $0x4  }
0x47: {  	[tilespmem:s2+$0x8420] =	vst v0  }
0x48: {  	v0 =	vld [tilespmem:s30+$0x4020];
	_ =	sdelay $0x4  }
0x49: {  	[tilespmem:s2+$0x10420] =	vst v0  }
0x4a: {  	v0 =	vld [tilespmem:s30+$0x30];
	_ =	sdelay $0x4  }
0x4b: {  	[tilespmem:s2+$0x8430] =	vst v0  }
0x4c: {  	v0 =	vld [tilespmem:s30+$0x4030];
	_ =	sdelay $0x4  }
0x4d: {  	[tilespmem:s2+$0x10430] =	vst v0  }
0x4e: {  	v0 =	vld [tilespmem:s30+$0x40];
	_ =	sdelay $0x4  }
0x4f: {  	[tilespmem:s2+$0x8440] =	vst v0  }
0x50: {  	v0 =	vld [tilespmem:s30+$0x4040];
	_ =	sdelay $0x4  }
0x51: {  	[tilespmem:s2+$0x10440] =	vst v0  }
0x52: {  	v0 =	vld [tilespmem:s30+$0x50];
	_ =	sdelay $0x4  }
0x53: {  	[tilespmem:s2+$0x8450] =	vst v0  }
0x54: {  	v0 =	vld [tilespmem:s30+$0x4050];
	_ =	sdelay $0x4  }
0x55: {  	[tilespmem:s2+$0x10450] =	vst v0  }
0x56: {  	v0 =	vld [tilespmem:s30+$0x60];
	_ =	sdelay $0x4  }
0x57: {  	[tilespmem:s2+$0x8460] =	vst v0  }
0x58: {  	v0 =	vld [tilespmem:s30+$0x4060];
	_ =	sdelay $0x4  }
0x59: {  	[tilespmem:s2+$0x10460] =	vst v0  }
0x5a: {  	v0 =	vld [tilespmem:s30+$0x70];
	_ =	sdelay $0x4  }
0x5b: {  	[tilespmem:s2+$0x8470] =	vst v0  }
0x5c: {  	v0 =	vld [tilespmem:s30+$0x4070]  }
.Ltmp0:
0x5d: {  	(pc) =	sbr.rel @p0 .LBB2_2-.Ltmp0, $2  }
0x5e: {  	_ =	sdelay $0x2  }
0x5f: {  	s30 =	sshra.s32 s1, $0x2;
	s1 =	sadd.s32 $0x200, s1;
	[tilespmem:s2+$0x10470] =	vst v0  }
0x60: {  	v0 =	vld [tilespmem:s30+$0x0];
	_ =	sdelay $0x1  }
0x61: {  	s1 =	sadd.s32 $0x100, s31;
	s0 =	sadd.s32 $0x80, s0  }
0x62: {  	s1 =	sand.u32 $0x7800, s1;
	s0 =	sand.u32 $0x380, s0  }
0x63: {  	s0 =	sor.u32 s0, s1  }
0x64: {  	[tilespmem:s0+$0x8400] =	vst v0  }
0x65: {  	v0 =	vld [tilespmem:s30+$0x4000];
	_ =	sdelay $0x4  }
0x66: {  	[tilespmem:s0+$0x10400] =	vst v0  }
0x67: {  	v0 =	vld [tilespmem:s30+$0x10];
	_ =	sdelay $0x4  }
0x68: {  	[tilespmem:s0+$0x8410] =	vst v0  }
0x69: {  	v0 =	vld [tilespmem:s30+$0x4010];
	_ =	sdelay $0x4  }
0x6a: {  	[tilespmem:s0+$0x10410] =	vst v0  }
0x6b: {  	v0 =	vld [tilespmem:s30+$0x20];
	_ =	sdelay $0x4  }
0x6c: {  	[tilespmem:s0+$0x8420] =	vst v0  }
0x6d: {  	v0 =	vld [tilespmem:s30+$0x4020];
	_ =	sdelay $0x4  }
0x6e: {  	[tilespmem:s0+$0x10420] =	vst v0  }
0x6f: {  	v0 =	vld [tilespmem:s30+$0x30];
	_ =	sdelay $0x4  }
0x70: {  	[tilespmem:s0+$0x8430] =	vst v0  }
0x71: {  	v0 =	vld [tilespmem:s30+$0x4030];
	_ =	sdelay $0x4  }
0x72: {  	[tilespmem:s0+$0x10430] =	vst v0  }
0x73: {  	v0 =	vld [tilespmem:s30+$0x40];
	_ =	sdelay $0x4  }
0x74: {  	[tilespmem:s0+$0x8440] =	vst v0  }
0x75: {  	v0 =	vld [tilespmem:s30+$0x4040];
	_ =	sdelay $0x4  }
0x76: {  	[tilespmem:s0+$0x10440] =	vst v0  }
0x77: {  	v0 =	vld [tilespmem:s30+$0x50];
	_ =	sdelay $0x4  }
0x78: {  	[tilespmem:s0+$0x8450] =	vst v0  }
0x79: {  	v0 =	vld [tilespmem:s30+$0x4050];
	_ =	sdelay $0x4  }
0x7a: {  	[tilespmem:s0+$0x10450] =	vst v0  }
0x7b: {  	v0 =	vld [tilespmem:s30+$0x60];
	_ =	sdelay $0x4  }
0x7c: {  	[tilespmem:s0+$0x8460] =	vst v0  }
0x7d: {  	v0 =	vld [tilespmem:s30+$0x4060];
	_ =	sdelay $0x4  }
0x7e: {  	[tilespmem:s0+$0x10460] =	vst v0  }
0x7f: {  	v0 =	vld [tilespmem:s30+$0x70];
	_ =	sdelay $0x4  }
0x80: {  	[tilespmem:s0+$0x8470] =	vst v0  }
0x81: {  	v0 =	vld [tilespmem:s30+$0x4070];
	_ =	sdelay $0x4  }
0x82: {  	[tilespmem:s0+$0x10470] =	vst v0  }
0x83: {  	v0 =	vld [tilespmem:$0x8000]  }
0x84: {  	v1 =	vld [tilespmem:$0x8010]  }
0x85: {  	v7 =	vld [tilespmem:$0x8070]  }
0x86: {  	v2 =	vld [tilespmem:$0x8020]  }
0x87: {  	s2 =	simm.s32 $0x0;
	v3 =	vld [tilespmem:$0x8030]  }
0x88: {  	s23 =	sand.u32 $0x7800, s2;
	s0 =	sand.u32 $0x380, s2;
	v4 =	vld [tilespmem:$0x8040]  }
0x89: {  	v5 =	vld [tilespmem:$0x8050];
	s0 =	sor.u32 s0, s23  }
0x8a: {  	v6 =	vld [tilespmem:$0x8060];
	[tilespmem:s0+$0x8870] =	vst v7  }
0x8b: {  	[tilespmem:s0+$0x8800] =	vst v0  }
0x8c: {  	[tilespmem:s0+$0x8810] =	vst v1  }
0x8d: {  	[tilespmem:s0+$0x8820] =	vst v2  }
0x8e: {  	[tilespmem:s0+$0x8830] =	vst v3  }
0x8f: {  	s1 =	simm.s32 $0x80;
	s2 =	simm.s32 $0x100;
	[tilespmem:s0+$0x8840] =	vst v4  }
0x90: {  	s31 =	sand.u32 $0x380, s1;
	s30 =	sand.u32 $0x7800, s2;
	s2 =	simm.s32 $0x200;
	[tilespmem:s0+$0x8850] =	vst v5  }
.LBB2_4:
0x91: {  	p0 =	sne.s32 s2, $0x7F00;
	[tilespmem:s0+$0x8860] =	vst v6;
	s0 =	sor.u32 s31, s30  }
0x92: {  	[tilespmem:s0+$0x8870] =	vst v7  }
0x93: {  	[tilespmem:s0+$0x8800] =	vst v0  }
.Ltmp1:
0x94: {  	[tilespmem:s0+$0x8810] =	vst v1;
	(pc) =	sbr.rel @p0 .LBB2_4-.Ltmp1, $4  }
0x95: {  	[tilespmem:s0+$0x8820] =	vst v2  }
0x96: {  	[tilespmem:s0+$0x8830] =	vst v3  }
0x97: {  	s1 =	sadd.s32 $0x80, s1;
	[tilespmem:s0+$0x8840] =	vst v4  }
0x98: {  	s30 =	sand.u32 $0x7800, s2;
	s2 =	sadd.s32 $0x100, s2;
	s31 =	sand.u32 $0x380, s1;
	[tilespmem:s0+$0x8850] =	vst v5  }
0x99: {  	s1 =	sor.u32 s31, s30;
	[tilespmem:s0+$0x8860] =	vst v6  }
0x9a: {  	[tilespmem:s1+$0x8870] =	vst v7  }
0x9b: {  	[tilespmem:s1+$0x8800] =	vst v0  }
0x9c: {  	[tilespmem:s1+$0x8810] =	vst v1  }
0x9d: {  	[tilespmem:s1+$0x8820] =	vst v2  }
0x9e: {  	[tilespmem:s1+$0x8830] =	vst v3  }
0x9f: {  	[tilespmem:s1+$0x8840] =	vst v4  }
0xa0: {  	s2 =	simm.s32 $0x0;
	[tilespmem:s1+$0x8850] =	vst v5  }
0xa1: {  	[tilespmem:s1+$0x8860] =	vst v6;
	s23 =	sand.u32 $0x7800, s2;
	s0 =	sand.u32 $0x380, s2  }
0xa2: {  	[hbm4b:s4+s2] =	stream.linear.scatter [tilespmem:s24], [sflag:$0x1], $0x8000, $0x38;
	[tilespmem:$0x18400] =	vst v63  }
0xa3: {  	s0 =	sor.u32 s0, s23  }
0xa4: {  	[tilespmem:s0+$0x10870] =	vst v7  }
0xa5: {  	[tilespmem:s0+$0x10800] =	vst v0  }
0xa6: {  	[tilespmem:s0+$0x10810] =	vst v1  }
0xa7: {  	[tilespmem:s0+$0x10820] =	vst v2  }
0xa8: {  	[tilespmem:s0+$0x10830] =	vst v3  }
0xa9: {  	s1 =	simm.s32 $0x80;
	s2 =	simm.s32 $0x100;
	[tilespmem:s0+$0x10840] =	vst v4  }
0xaa: {  	s31 =	sand.u32 $0x380, s1;
	s30 =	sand.u32 $0x7800, s2;
	s2 =	simm.s32 $0x200;
	[tilespmem:s0+$0x10850] =	vst v5  }
.LBB2_6:
0xab: {  	p0 =	sne.s32 s2, $0x7F00;
	[tilespmem:s0+$0x10860] =	vst v6;
	s0 =	sor.u32 s31, s30  }
0xac: {  	[tilespmem:s0+$0x10870] =	vst v7  }
0xad: {  	[tilespmem:s0+$0x10800] =	vst v0  }
.Ltmp2:
0xae: {  	[tilespmem:s0+$0x10810] =	vst v1;
	(pc) =	sbr.rel @p0 .LBB2_6-.Ltmp2, $4  }
0xaf: {  	[tilespmem:s0+$0x10820] =	vst v2  }
0xb0: {  	[tilespmem:s0+$0x10830] =	vst v3  }
0xb1: {  	s1 =	sadd.s32 $0x80, s1;
	[tilespmem:s0+$0x10840] =	vst v4  }
0xb2: {  	s30 =	sand.u32 $0x7800, s2;
	s2 =	sadd.s32 $0x100, s2;
	s31 =	sand.u32 $0x380, s1;
	[tilespmem:s0+$0x10850] =	vst v5  }
0xb3: {  	s1 =	sor.u32 s31, s30;
	[tilespmem:s0+$0x10860] =	vst v6  }
0xb4: {  	[tilespmem:s1+$0x10870] =	vst v7  }
0xb5: {  	[tilespmem:s1+$0x10800] =	vst v0  }
0xb6: {  	[tilespmem:s1+$0x10810] =	vst v1  }
0xb7: {  	[tilespmem:s1+$0x10820] =	vst v2  }
0xb8: {  	[tilespmem:s1+$0x10830] =	vst v3  }
0xb9: {  	[tilespmem:s1+$0x10840] =	vst v4  }
0xba: {  	[tilespmem:s1+$0x10850] =	vst v5  }
0xbb: {  	s2 =	simm.s32 $0x0;
	[tilespmem:s1+$0x10860] =	vst v6  }
0xbc: {  	[hbm4b:s6+s2] =	stream.linear.scatter [tilespmem:s25], [sflag:$0x2], $0x8000, $0x38;
	[tilespmem:$0x18400] =	vst v63  }
0xbd: {  	v0 =	vld [tilespmem:$0x8080]  }
0xbe: {  	v1 =	vld [tilespmem:$0x8090]  }
0xbf: {  	v2 =	vld [tilespmem:$0x80A0]  }
0xc0: {  	v3 =	vld [tilespmem:$0x80B0]  }
0xc1: {  	v4 =	vld [tilespmem:$0x80C0]  }
0xc2: {  	v7 =	vld [tilespmem:$0x80F0]  }
0xc3: {  	v5 =	vld [tilespmem:$0x80D0]  }
0xc4: {  	v6 =	vld [tilespmem:$0x80E0];
	_ =	swait.ge [sflag:s26], $0x8000  }
0xc5: {  	s23 =	sand.u32 $0x7800, s2;
	s0 =	sand.u32 $0x380, s2;
	[sflag:s26] =	ssyncset.done $0x0  }
0xc6: {  	s0 =	sor.u32 s0, s23;
	[sflag:s26] =	ssyncadd.s32 $0xFFFF8000  }
0xc7: {  	[tilespmem:s0+$0x8870] =	vst v7  }
0xc8: {  	[tilespmem:s0+$0x8800] =	vst v0  }
0xc9: {  	[tilespmem:s0+$0x8810] =	vst v1  }
0xca: {  	[tilespmem:s0+$0x8820] =	vst v2  }
0xcb: {  	[tilespmem:s0+$0x8830] =	vst v3  }
0xcc: {  	s1 =	simm.s32 $0x80;
	s2 =	simm.s32 $0x100;
	[tilespmem:s0+$0x8840] =	vst v4  }
0xcd: {  	s31 =	sand.u32 $0x380, s1;
	s30 =	sand.u32 $0x7800, s2;
	s2 =	simm.s32 $0x200;
	[tilespmem:s0+$0x8850] =	vst v5  }
.LBB2_8:
0xce: {  	p0 =	sne.s32 s2, $0x7F00;
	[tilespmem:s0+$0x8860] =	vst v6;
	s0 =	sor.u32 s31, s30  }
0xcf: {  	[tilespmem:s0+$0x8870] =	vst v7  }
0xd0: {  	[tilespmem:s0+$0x8800] =	vst v0  }
.Ltmp3:
0xd1: {  	[tilespmem:s0+$0x8810] =	vst v1;
	(pc) =	sbr.rel @p0 .LBB2_8-.Ltmp3, $4  }
0xd2: {  	[tilespmem:s0+$0x8820] =	vst v2  }
0xd3: {  	[tilespmem:s0+$0x8830] =	vst v3  }
0xd4: {  	s1 =	sadd.s32 $0x80, s1;
	[tilespmem:s0+$0x8840] =	vst v4  }
0xd5: {  	s30 =	sand.u32 $0x7800, s2;
	s2 =	sadd.s32 $0x100, s2;
	s31 =	sand.u32 $0x380, s1;
	[tilespmem:s0+$0x8850] =	vst v5  }
0xd6: {  	s1 =	sor.u32 s31, s30;
	[tilespmem:s0+$0x8860] =	vst v6  }
0xd7: {  	[tilespmem:s1+$0x8870] =	vst v7  }
0xd8: {  	[tilespmem:s1+$0x8800] =	vst v0  }
0xd9: {  	[tilespmem:s1+$0x8810] =	vst v1  }
0xda: {  	[tilespmem:s1+$0x8820] =	vst v2  }
0xdb: {  	[tilespmem:s1+$0x8830] =	vst v3  }
0xdc: {  	[tilespmem:s1+$0x8840] =	vst v4  }
0xdd: {  	[tilespmem:s1+$0x8850] =	vst v5  }
0xde: {  	s2 =	simm.s32 $0x0;
	[tilespmem:s1+$0x8860] =	vst v6  }
0xdf: {  	[hbm4b:s7+s2] =	stream.linear.scatter [tilespmem:s24], [sflag:$0x1], $0x8000, $0x38;
	[tilespmem:$0x18400] =	vst v63  }
0xe0: {  	_ =	swait.ge [sflag:s28], $0x8000  }
0xe1: {  	s23 =	sand.u32 $0x7800, s2;
	s0 =	sand.u32 $0x380, s2;
	[sflag:s28] =	ssyncset.done $0x0  }
0xe2: {  	s0 =	sor.u32 s0, s23;
	[sflag:s28] =	ssyncadd.s32 $0xFFFF8000  }
0xe3: {  	[tilespmem:s0+$0x10870] =	vst v7  }
0xe4: {  	[tilespmem:s0+$0x10800] =	vst v0  }
0xe5: {  	[tilespmem:s0+$0x10810] =	vst v1  }
0xe6: {  	[tilespmem:s0+$0x10820] =	vst v2  }
0xe7: {  	[tilespmem:s0+$0x10830] =	vst v3  }
0xe8: {  	s1 =	simm.s32 $0x80;
	s2 =	simm.s32 $0x100;
	[tilespmem:s0+$0x10840] =	vst v4  }
0xe9: {  	s31 =	sand.u32 $0x380, s1;
	s30 =	sand.u32 $0x7800, s2;
	s2 =	simm.s32 $0x200;
	[tilespmem:s0+$0x10850] =	vst v5  }
.LBB2_10:
0xea: {  	p0 =	sne.s32 s2, $0x7F00;
	[tilespmem:s0+$0x10860] =	vst v6;
	s0 =	sor.u32 s31, s30  }
0xeb: {  	[tilespmem:s0+$0x10870] =	vst v7  }
0xec: {  	[tilespmem:s0+$0x10800] =	vst v0  }
.Ltmp4:
0xed: {  	[tilespmem:s0+$0x10810] =	vst v1;
	(pc) =	sbr.rel @p0 .LBB2_10-.Ltmp4, $4  }
0xee: {  	[tilespmem:s0+$0x10820] =	vst v2  }
0xef: {  	[tilespmem:s0+$0x10830] =	vst v3  }
0xf0: {  	s1 =	sadd.s32 $0x80, s1;
	[tilespmem:s0+$0x10840] =	vst v4  }
0xf1: {  	s30 =	sand.u32 $0x7800, s2;
	s2 =	sadd.s32 $0x100, s2;
	s31 =	sand.u32 $0x380, s1;
	[tilespmem:s0+$0x10850] =	vst v5  }
0xf2: {  	s1 =	sor.u32 s31, s30;
	[tilespmem:s0+$0x10860] =	vst v6  }
0xf3: {  	[tilespmem:s1+$0x10870] =	vst v7  }
0xf4: {  	[tilespmem:s1+$0x10800] =	vst v0  }
0xf5: {  	[tilespmem:s1+$0x10810] =	vst v1  }
0xf6: {  	[tilespmem:s1+$0x10820] =	vst v2  }
0xf7: {  	[tilespmem:s1+$0x10830] =	vst v3  }
0xf8: {  	[tilespmem:s1+$0x10840] =	vst v4  }
0xf9: {  	[tilespmem:s1+$0x10850] =	vst v5  }
0xfa: {  	s2 =	simm.s32 $0x0;
	[tilespmem:s1+$0x10860] =	vst v6  }
0xfb: {  	[hbm4b:s8+s2] =	stream.linear.scatter [tilespmem:s25], [sflag:$0x2], $0x8000, $0x38;
	[tilespmem:$0x18400] =	vst v63  }
0xfc: {  	v0 =	vld [tilespmem:$0x8100]  }
0xfd: {  	v1 =	vld [tilespmem:$0x8110]  }
0xfe: {  	v2 =	vld [tilespmem:$0x8120]  }
0xff: {  	v3 =	vld [tilespmem:$0x8130]  }
0x100: {  	v4 =	vld [tilespmem:$0x8140]  }
0x101: {  	v7 =	vld [tilespmem:$0x8170]  }
0x102: {  	v5 =	vld [tilespmem:$0x8150]  }
0x103: {  	v6 =	vld [tilespmem:$0x8160];
	_ =	swait.ge [sflag:s26], $0x8000  }
0x104: {  	s23 =	sand.u32 $0x7800, s2;
	s0 =	sand.u32 $0x380, s2;
	[sflag:s26] =	ssyncset.done $0x0  }
0x105: {  	s0 =	sor.u32 s0, s23;
	[sflag:s26] =	ssyncadd.s32 $0xFFFF8000  }
0x106: {  	[tilespmem:s0+$0x8870] =	vst v7  }
0x107: {  	[tilespmem:s0+$0x8800] =	vst v0  }
0x108: {  	[tilespmem:s0+$0x8810] =	vst v1  }
0x109: {  	[tilespmem:s0+$0x8820] =	vst v2  }
0x10a: {  	[tilespmem:s0+$0x8830] =	vst v3  }
0x10b: {  	s1 =	simm.s32 $0x80;
	s2 =	simm.s32 $0x100;
	[tilespmem:s0+$0x8840] =	vst v4  }
0x10c: {  	s31 =	sand.u32 $0x380, s1;
	s30 =	sand.u32 $0x7800, s2;
	s2 =	simm.s32 $0x200;
	[tilespmem:s0+$0x8850] =	vst v5  }
.LBB2_12:
0x10d: {  	p0 =	sne.s32 s2, $0x7F00;
	[tilespmem:s0+$0x8860] =	vst v6;
	s0 =	sor.u32 s31, s30  }
0x10e: {  	[tilespmem:s0+$0x8870] =	vst v7  }
0x10f: {  	[tilespmem:s0+$0x8800] =	vst v0  }
.Ltmp5:
0x110: {  	[tilespmem:s0+$0x8810] =	vst v1;
	(pc) =	sbr.rel @p0 .LBB2_12-.Ltmp5, $4  }
0x111: {  	[tilespmem:s0+$0x8820] =	vst v2  }
0x112: {  	[tilespmem:s0+$0x8830] =	vst v3  }
0x113: {  	s1 =	sadd.s32 $0x80, s1;
	[tilespmem:s0+$0x8840] =	vst v4  }
0x114: {  	s30 =	sand.u32 $0x7800, s2;
	s2 =	sadd.s32 $0x100, s2;
	s31 =	sand.u32 $0x380, s1;
	[tilespmem:s0+$0x8850] =	vst v5  }
0x115: {  	s1 =	sor.u32 s31, s30;
	[tilespmem:s0+$0x8860] =	vst v6  }
0x116: {  	[tilespmem:s1+$0x8870] =	vst v7  }
0x117: {  	[tilespmem:s1+$0x8800] =	vst v0  }
0x118: {  	[tilespmem:s1+$0x8810] =	vst v1  }
0x119: {  	[tilespmem:s1+$0x8820] =	vst v2  }
0x11a: {  	[tilespmem:s1+$0x8830] =	vst v3  }
0x11b: {  	[tilespmem:s1+$0x8840] =	vst v4  }
0x11c: {  	[tilespmem:s1+$0x8850] =	vst v5  }
0x11d: {  	s2 =	simm.s32 $0x0;
	[tilespmem:s1+$0x8860] =	vst v6  }
0x11e: {  	[hbm4b:s9+s2] =	stream.linear.scatter [tilespmem:s24], [sflag:$0x1], $0x8000, $0x38;
	[tilespmem:$0x18400] =	vst v63  }
0x11f: {  	_ =	swait.ge [sflag:s28], $0x8000  }
0x120: {  	s23 =	sand.u32 $0x7800, s2;
	s0 =	sand.u32 $0x380, s2;
	[sflag:s28] =	ssyncset.done $0x0  }
0x121: {  	s0 =	sor.u32 s0, s23;
	[sflag:s28] =	ssyncadd.s32 $0xFFFF8000  }
0x122: {  	[tilespmem:s0+$0x10870] =	vst v7  }
0x123: {  	[tilespmem:s0+$0x10800] =	vst v0  }
0x124: {  	[tilespmem:s0+$0x10810] =	vst v1  }
0x125: {  	[tilespmem:s0+$0x10820] =	vst v2  }
0x126: {  	[tilespmem:s0+$0x10830] =	vst v3  }
0x127: {  	s1 =	simm.s32 $0x80;
	s2 =	simm.s32 $0x100;
	[tilespmem:s0+$0x10840] =	vst v4  }
0x128: {  	s31 =	sand.u32 $0x380, s1;
	s30 =	sand.u32 $0x7800, s2;
	s2 =	simm.s32 $0x200;
	[tilespmem:s0+$0x10850] =	vst v5  }
.LBB2_14:
0x129: {  	p0 =	sne.s32 s2, $0x7F00;
	[tilespmem:s0+$0x10860] =	vst v6;
	s0 =	sor.u32 s31, s30  }
0x12a: {  	[tilespmem:s0+$0x10870] =	vst v7  }
0x12b: {  	[tilespmem:s0+$0x10800] =	vst v0  }
.Ltmp6:
0x12c: {  	[tilespmem:s0+$0x10810] =	vst v1;
	(pc) =	sbr.rel @p0 .LBB2_14-.Ltmp6, $4  }
0x12d: {  	[tilespmem:s0+$0x10820] =	vst v2  }
0x12e: {  	[tilespmem:s0+$0x10830] =	vst v3  }
0x12f: {  	s1 =	sadd.s32 $0x80, s1;
	[tilespmem:s0+$0x10840] =	vst v4  }
0x130: {  	s30 =	sand.u32 $0x7800, s2;
	s2 =	sadd.s32 $0x100, s2;
	s31 =	sand.u32 $0x380, s1;
	[tilespmem:s0+$0x10850] =	vst v5  }
0x131: {  	s1 =	sor.u32 s31, s30;
	[tilespmem:s0+$0x10860] =	vst v6  }
0x132: {  	[tilespmem:s1+$0x10870] =	vst v7  }
0x133: {  	[tilespmem:s1+$0x10800] =	vst v0  }
0x134: {  	[tilespmem:s1+$0x10810] =	vst v1  }
0x135: {  	[tilespmem:s1+$0x10820] =	vst v2  }
0x136: {  	[tilespmem:s1+$0x10830] =	vst v3  }
0x137: {  	[tilespmem:s1+$0x10840] =	vst v4  }
0x138: {  	[tilespmem:s1+$0x10850] =	vst v5  }
0x139: {  	s2 =	simm.s32 $0x0;
	[tilespmem:s1+$0x10860] =	vst v6  }
0x13a: {  	[hbm4b:s10+s2] =	stream.linear.scatter [tilespmem:s25], [sflag:$0x2], $0x8000, $0x38;
	[tilespmem:$0x18400] =	vst v63  }
0x13b: {  	v0 =	vld [tilespmem:$0x8180]  }
0x13c: {  	v1 =	vld [tilespmem:$0x8190]  }
0x13d: {  	v2 =	vld [tilespmem:$0x81A0]  }
0x13e: {  	v3 =	vld [tilespmem:$0x81B0]  }
0x13f: {  	v4 =	vld [tilespmem:$0x81C0]  }
0x140: {  	v7 =	vld [tilespmem:$0x81F0]  }
0x141: {  	v5 =	vld [tilespmem:$0x81D0]  }
0x142: {  	v6 =	vld [tilespmem:$0x81E0];
	_ =	swait.ge [sflag:s26], $0x8000  }
0x143: {  	s23 =	sand.u32 $0x7800, s2;
	s0 =	sand.u32 $0x380, s2;
	[sflag:s26] =	ssyncset.done $0x0  }
0x144: {  	s0 =	sor.u32 s0, s23;
	[sflag:s26] =	ssyncadd.s32 $0xFFFF8000  }
0x145: {  	[tilespmem:s0+$0x8870] =	vst v7  }
0x146: {  	[tilespmem:s0+$0x8800] =	vst v0  }
0x147: {  	[tilespmem:s0+$0x8810] =	vst v1  }
0x148: {  	[tilespmem:s0+$0x8820] =	vst v2  }
0x149: {  	[tilespmem:s0+$0x8830] =	vst v3  }
0x14a: {  	s1 =	simm.s32 $0x80;
	s2 =	simm.s32 $0x100;
	[tilespmem:s0+$0x8840] =	vst v4  }
0x14b: {  	s31 =	sand.u32 $0x380, s1;
	s30 =	sand.u32 $0x7800, s2;
	s2 =	simm.s32 $0x200;
	[tilespmem:s0+$0x8850] =	vst v5  }
.LBB2_16:
0x14c: {  	p0 =	sne.s32 s2, $0x7F00;
	[tilespmem:s0+$0x8860] =	vst v6;
	s0 =	sor.u32 s31, s30  }
0x14d: {  	[tilespmem:s0+$0x8870] =	vst v7  }
0x14e: {  	[tilespmem:s0+$0x8800] =	vst v0  }
.Ltmp7:
0x14f: {  	[tilespmem:s0+$0x8810] =	vst v1;
	(pc) =	sbr.rel @p0 .LBB2_16-.Ltmp7, $4  }
0x150: {  	[tilespmem:s0+$0x8820] =	vst v2  }
0x151: {  	[tilespmem:s0+$0x8830] =	vst v3  }
0x152: {  	s1 =	sadd.s32 $0x80, s1;
	[tilespmem:s0+$0x8840] =	vst v4  }
0x153: {  	s30 =	sand.u32 $0x7800, s2;
	s2 =	sadd.s32 $0x100, s2;
	s31 =	sand.u32 $0x380, s1;
	[tilespmem:s0+$0x8850] =	vst v5  }
0x154: {  	s1 =	sor.u32 s31, s30;
	[tilespmem:s0+$0x8860] =	vst v6  }
0x155: {  	[tilespmem:s1+$0x8870] =	vst v7  }
0x156: {  	[tilespmem:s1+$0x8800] =	vst v0  }
0x157: {  	[tilespmem:s1+$0x8810] =	vst v1  }
0x158: {  	[tilespmem:s1+$0x8820] =	vst v2  }
0x159: {  	[tilespmem:s1+$0x8830] =	vst v3  }
0x15a: {  	[tilespmem:s1+$0x8840] =	vst v4  }
0x15b: {  	[tilespmem:s1+$0x8850] =	vst v5  }
0x15c: {  	s2 =	simm.s32 $0x0;
	[tilespmem:s1+$0x8860] =	vst v6  }
0x15d: {  	[hbm4b:s11+s2] =	stream.linear.scatter [tilespmem:s24], [sflag:$0x1], $0x8000, $0x38;
	[tilespmem:$0x18400] =	vst v63  }
0x15e: {  	_ =	swait.ge [sflag:s28], $0x8000  }
0x15f: {  	s23 =	sand.u32 $0x7800, s2;
	s0 =	sand.u32 $0x380, s2;
	[sflag:s28] =	ssyncset.done $0x0  }
0x160: {  	s0 =	sor.u32 s0, s23;
	[sflag:s28] =	ssyncadd.s32 $0xFFFF8000  }
0x161: {  	[tilespmem:s0+$0x10870] =	vst v7  }
0x162: {  	[tilespmem:s0+$0x10800] =	vst v0  }
0x163: {  	[tilespmem:s0+$0x10810] =	vst v1  }
0x164: {  	[tilespmem:s0+$0x10820] =	vst v2  }
0x165: {  	[tilespmem:s0+$0x10830] =	vst v3  }
0x166: {  	s1 =	simm.s32 $0x80;
	s2 =	simm.s32 $0x100;
	[tilespmem:s0+$0x10840] =	vst v4  }
0x167: {  	s31 =	sand.u32 $0x380, s1;
	s30 =	sand.u32 $0x7800, s2;
	s2 =	simm.s32 $0x200;
	[tilespmem:s0+$0x10850] =	vst v5  }
.LBB2_18:
0x168: {  	p0 =	sne.s32 s2, $0x7F00;
	[tilespmem:s0+$0x10860] =	vst v6;
	s0 =	sor.u32 s31, s30  }
0x169: {  	[tilespmem:s0+$0x10870] =	vst v7  }
0x16a: {  	[tilespmem:s0+$0x10800] =	vst v0  }
.Ltmp8:
0x16b: {  	[tilespmem:s0+$0x10810] =	vst v1;
	(pc) =	sbr.rel @p0 .LBB2_18-.Ltmp8, $4  }
0x16c: {  	[tilespmem:s0+$0x10820] =	vst v2  }
0x16d: {  	[tilespmem:s0+$0x10830] =	vst v3  }
0x16e: {  	s1 =	sadd.s32 $0x80, s1;
	[tilespmem:s0+$0x10840] =	vst v4  }
0x16f: {  	s30 =	sand.u32 $0x7800, s2;
	s2 =	sadd.s32 $0x100, s2;
	s31 =	sand.u32 $0x380, s1;
	[tilespmem:s0+$0x10850] =	vst v5  }
0x170: {  	s1 =	sor.u32 s31, s30;
	[tilespmem:s0+$0x10860] =	vst v6  }
0x171: {  	[tilespmem:s1+$0x10870] =	vst v7  }
0x172: {  	[tilespmem:s1+$0x10800] =	vst v0  }
0x173: {  	[tilespmem:s1+$0x10810] =	vst v1  }
0x174: {  	[tilespmem:s1+$0x10820] =	vst v2  }
0x175: {  	[tilespmem:s1+$0x10830] =	vst v3  }
0x176: {  	[tilespmem:s1+$0x10840] =	vst v4  }
0x177: {  	[tilespmem:s1+$0x10850] =	vst v5  }
0x178: {  	s2 =	simm.s32 $0x0;
	[tilespmem:s1+$0x10860] =	vst v6  }
0x179: {  	[hbm4b:s12+s2] =	stream.linear.scatter [tilespmem:s25], [sflag:$0x2], $0x8000, $0x38;
	[tilespmem:$0x18400] =	vst v63  }
0x17a: {  	v0 =	vld [tilespmem:$0x8200]  }
0x17b: {  	v1 =	vld [tilespmem:$0x8210]  }
0x17c: {  	v2 =	vld [tilespmem:$0x8220]  }
0x17d: {  	v3 =	vld [tilespmem:$0x8230]  }
0x17e: {  	v4 =	vld [tilespmem:$0x8240]  }
0x17f: {  	v7 =	vld [tilespmem:$0x8270]  }
0x180: {  	v5 =	vld [tilespmem:$0x8250]  }
0x181: {  	v6 =	vld [tilespmem:$0x8260];
	_ =	swait.ge [sflag:s26], $0x8000  }
0x182: {  	s23 =	sand.u32 $0x7800, s2;
	s0 =	sand.u32 $0x380, s2;
	[sflag:s26] =	ssyncset.done $0x0  }
0x183: {  	s0 =	sor.u32 s0, s23;
	[sflag:s26] =	ssyncadd.s32 $0xFFFF8000  }
0x184: {  	[tilespmem:s0+$0x8870] =	vst v7  }
0x185: {  	[tilespmem:s0+$0x8800] =	vst v0  }
0x186: {  	[tilespmem:s0+$0x8810] =	vst v1  }
0x187: {  	[tilespmem:s0+$0x8820] =	vst v2  }
0x188: {  	[tilespmem:s0+$0x8830] =	vst v3  }
0x189: {  	s1 =	simm.s32 $0x80;
	s2 =	simm.s32 $0x100;
	[tilespmem:s0+$0x8840] =	vst v4  }
0x18a: {  	s31 =	sand.u32 $0x380, s1;
	s30 =	sand.u32 $0x7800, s2;
	s2 =	simm.s32 $0x200;
	[tilespmem:s0+$0x8850] =	vst v5  }
.LBB2_20:
0x18b: {  	p0 =	sne.s32 s2, $0x7F00;
	[tilespmem:s0+$0x8860] =	vst v6;
	s0 =	sor.u32 s31, s30  }
0x18c: {  	[tilespmem:s0+$0x8870] =	vst v7  }
0x18d: {  	[tilespmem:s0+$0x8800] =	vst v0  }
.Ltmp9:
0x18e: {  	[tilespmem:s0+$0x8810] =	vst v1;
	(pc) =	sbr.rel @p0 .LBB2_20-.Ltmp9, $4  }
0x18f: {  	[tilespmem:s0+$0x8820] =	vst v2  }
0x190: {  	[tilespmem:s0+$0x8830] =	vst v3  }
0x191: {  	s1 =	sadd.s32 $0x80, s1;
	[tilespmem:s0+$0x8840] =	vst v4  }
0x192: {  	s30 =	sand.u32 $0x7800, s2;
	s2 =	sadd.s32 $0x100, s2;
	s31 =	sand.u32 $0x380, s1;
	[tilespmem:s0+$0x8850] =	vst v5  }
0x193: {  	s1 =	sor.u32 s31, s30;
	[tilespmem:s0+$0x8860] =	vst v6  }
0x194: {  	[tilespmem:s1+$0x8870] =	vst v7  }
0x195: {  	[tilespmem:s1+$0x8800] =	vst v0  }
0x196: {  	[tilespmem:s1+$0x8810] =	vst v1  }
0x197: {  	[tilespmem:s1+$0x8820] =	vst v2  }
0x198: {  	[tilespmem:s1+$0x8830] =	vst v3  }
0x199: {  	[tilespmem:s1+$0x8840] =	vst v4  }
0x19a: {  	[tilespmem:s1+$0x8850] =	vst v5  }
0x19b: {  	s2 =	simm.s32 $0x0;
	[tilespmem:s1+$0x8860] =	vst v6  }
0x19c: {  	[hbm4b:s13+s2] =	stream.linear.scatter [tilespmem:s24], [sflag:$0x1], $0x8000, $0x38;
	[tilespmem:$0x18400] =	vst v63  }
0x19d: {  	_ =	swait.ge [sflag:s28], $0x8000  }
0x19e: {  	s23 =	sand.u32 $0x7800, s2;
	s0 =	sand.u32 $0x380, s2;
	[sflag:s28] =	ssyncset.done $0x0  }
0x19f: {  	s0 =	sor.u32 s0, s23;
	[sflag:s28] =	ssyncadd.s32 $0xFFFF8000  }
0x1a0: {  	[tilespmem:s0+$0x10870] =	vst v7  }
0x1a1: {  	[tilespmem:s0+$0x10800] =	vst v0  }
0x1a2: {  	[tilespmem:s0+$0x10810] =	vst v1  }
0x1a3: {  	[tilespmem:s0+$0x10820] =	vst v2  }
0x1a4: {  	[tilespmem:s0+$0x10830] =	vst v3  }
0x1a5: {  	s1 =	simm.s32 $0x80;
	s2 =	simm.s32 $0x100;
	[tilespmem:s0+$0x10840] =	vst v4  }
0x1a6: {  	s31 =	sand.u32 $0x380, s1;
	s30 =	sand.u32 $0x7800, s2;
	s2 =	simm.s32 $0x200;
	[tilespmem:s0+$0x10850] =	vst v5  }
.LBB2_22:
0x1a7: {  	p0 =	sne.s32 s2, $0x7F00;
	[tilespmem:s0+$0x10860] =	vst v6;
	s0 =	sor.u32 s31, s30  }
0x1a8: {  	[tilespmem:s0+$0x10870] =	vst v7  }
0x1a9: {  	[tilespmem:s0+$0x10800] =	vst v0  }
.Ltmp10:
0x1aa: {  	[tilespmem:s0+$0x10810] =	vst v1;
	(pc) =	sbr.rel @p0 .LBB2_22-.Ltmp10, $4  }
0x1ab: {  	[tilespmem:s0+$0x10820] =	vst v2  }
0x1ac: {  	[tilespmem:s0+$0x10830] =	vst v3  }
0x1ad: {  	s1 =	sadd.s32 $0x80, s1;
	[tilespmem:s0+$0x10840] =	vst v4  }
0x1ae: {  	s30 =	sand.u32 $0x7800, s2;
	s2 =	sadd.s32 $0x100, s2;
	s31 =	sand.u32 $0x380, s1;
	[tilespmem:s0+$0x10850] =	vst v5  }
0x1af: {  	s1 =	sor.u32 s31, s30;
	[tilespmem:s0+$0x10860] =	vst v6  }
0x1b0: {  	[tilespmem:s1+$0x10870] =	vst v7  }
0x1b1: {  	[tilespmem:s1+$0x10800] =	vst v0  }
0x1b2: {  	[tilespmem:s1+$0x10810] =	vst v1  }
0x1b3: {  	[tilespmem:s1+$0x10820] =	vst v2  }
0x1b4: {  	[tilespmem:s1+$0x10830] =	vst v3  }
0x1b5: {  	[tilespmem:s1+$0x10840] =	vst v4  }
0x1b6: {  	[tilespmem:s1+$0x10850] =	vst v5  }
0x1b7: {  	s2 =	simm.s32 $0x0;
	[tilespmem:s1+$0x10860] =	vst v6  }
0x1b8: {  	[hbm4b:s14+s2] =	stream.linear.scatter [tilespmem:s25], [sflag:$0x2], $0x8000, $0x38;
	[tilespmem:$0x18400] =	vst v63  }
0x1b9: {  	v0 =	vld [tilespmem:$0x8280]  }
0x1ba: {  	v1 =	vld [tilespmem:$0x8290]  }
0x1bb: {  	v2 =	vld [tilespmem:$0x82A0]  }
0x1bc: {  	v3 =	vld [tilespmem:$0x82B0]  }
0x1bd: {  	v4 =	vld [tilespmem:$0x82C0]  }
0x1be: {  	v7 =	vld [tilespmem:$0x82F0]  }
0x1bf: {  	v5 =	vld [tilespmem:$0x82D0]  }
0x1c0: {  	v6 =	vld [tilespmem:$0x82E0];
	_ =	swait.ge [sflag:s26], $0x8000  }
0x1c1: {  	s23 =	sand.u32 $0x7800, s2;
	s0 =	sand.u32 $0x380, s2;
	[sflag:s26] =	ssyncset.done $0x0  }
0x1c2: {  	s0 =	sor.u32 s0, s23;
	[sflag:s26] =	ssyncadd.s32 $0xFFFF8000  }
0x1c3: {  	[tilespmem:s0+$0x8870] =	vst v7  }
0x1c4: {  	[tilespmem:s0+$0x8800] =	vst v0  }
0x1c5: {  	[tilespmem:s0+$0x8810] =	vst v1  }
0x1c6: {  	[tilespmem:s0+$0x8820] =	vst v2  }
0x1c7: {  	[tilespmem:s0+$0x8830] =	vst v3  }
0x1c8: {  	s1 =	simm.s32 $0x80;
	s2 =	simm.s32 $0x100;
	[tilespmem:s0+$0x8840] =	vst v4  }
0x1c9: {  	s31 =	sand.u32 $0x380, s1;
	s30 =	sand.u32 $0x7800, s2;
	s2 =	simm.s32 $0x200;
	[tilespmem:s0+$0x8850] =	vst v5  }
.LBB2_24:
0x1ca: {  	p0 =	sne.s32 s2, $0x7F00;
	[tilespmem:s0+$0x8860] =	vst v6;
	s0 =	sor.u32 s31, s30  }
0x1cb: {  	[tilespmem:s0+$0x8870] =	vst v7  }
0x1cc: {  	[tilespmem:s0+$0x8800] =	vst v0  }
.Ltmp11:
0x1cd: {  	[tilespmem:s0+$0x8810] =	vst v1;
	(pc) =	sbr.rel @p0 .LBB2_24-.Ltmp11, $4  }
0x1ce: {  	[tilespmem:s0+$0x8820] =	vst v2  }
0x1cf: {  	[tilespmem:s0+$0x8830] =	vst v3  }
0x1d0: {  	s1 =	sadd.s32 $0x80, s1;
	[tilespmem:s0+$0x8840] =	vst v4  }
0x1d1: {  	s30 =	sand.u32 $0x7800, s2;
	s2 =	sadd.s32 $0x100, s2;
	s31 =	sand.u32 $0x380, s1;
	[tilespmem:s0+$0x8850] =	vst v5  }
0x1d2: {  	s1 =	sor.u32 s31, s30;
	[tilespmem:s0+$0x8860] =	vst v6  }
0x1d3: {  	[tilespmem:s1+$0x8870] =	vst v7  }
0x1d4: {  	[tilespmem:s1+$0x8800] =	vst v0  }
0x1d5: {  	[tilespmem:s1+$0x8810] =	vst v1  }
0x1d6: {  	[tilespmem:s1+$0x8820] =	vst v2  }
0x1d7: {  	[tilespmem:s1+$0x8830] =	vst v3  }
0x1d8: {  	[tilespmem:s1+$0x8840] =	vst v4  }
0x1d9: {  	[tilespmem:s1+$0x8850] =	vst v5  }
0x1da: {  	s2 =	simm.s32 $0x0;
	[tilespmem:s1+$0x8860] =	vst v6  }
0x1db: {  	[hbm4b:s15+s2] =	stream.linear.scatter [tilespmem:s24], [sflag:$0x1], $0x8000, $0x38;
	[tilespmem:$0x18400] =	vst v63  }
0x1dc: {  	_ =	swait.ge [sflag:s28], $0x8000  }
0x1dd: {  	s23 =	sand.u32 $0x7800, s2;
	s0 =	sand.u32 $0x380, s2;
	[sflag:s28] =	ssyncset.done $0x0  }
0x1de: {  	s0 =	sor.u32 s0, s23;
	[sflag:s28] =	ssyncadd.s32 $0xFFFF8000  }
0x1df: {  	[tilespmem:s0+$0x10870] =	vst v7  }
0x1e0: {  	[tilespmem:s0+$0x10800] =	vst v0  }
0x1e1: {  	[tilespmem:s0+$0x10810] =	vst v1  }
0x1e2: {  	[tilespmem:s0+$0x10820] =	vst v2  }
0x1e3: {  	[tilespmem:s0+$0x10830] =	vst v3  }
0x1e4: {  	s1 =	simm.s32 $0x80;
	s2 =	simm.s32 $0x100;
	[tilespmem:s0+$0x10840] =	vst v4  }
0x1e5: {  	s31 =	sand.u32 $0x380, s1;
	s30 =	sand.u32 $0x7800, s2;
	s2 =	simm.s32 $0x200;
	[tilespmem:s0+$0x10850] =	vst v5  }
.LBB2_26:
0x1e6: {  	p0 =	sne.s32 s2, $0x7F00;
	[tilespmem:s0+$0x10860] =	vst v6;
	s0 =	sor.u32 s31, s30  }
0x1e7: {  	[tilespmem:s0+$0x10870] =	vst v7  }
0x1e8: {  	[tilespmem:s0+$0x10800] =	vst v0  }
.Ltmp12:
0x1e9: {  	[tilespmem:s0+$0x10810] =	vst v1;
	(pc) =	sbr.rel @p0 .LBB2_26-.Ltmp12, $4  }
0x1ea: {  	[tilespmem:s0+$0x10820] =	vst v2  }
0x1eb: {  	[tilespmem:s0+$0x10830] =	vst v3  }
0x1ec: {  	s1 =	sadd.s32 $0x80, s1;
	[tilespmem:s0+$0x10840] =	vst v4  }
0x1ed: {  	s30 =	sand.u32 $0x7800, s2;
	s2 =	sadd.s32 $0x100, s2;
	s31 =	sand.u32 $0x380, s1;
	[tilespmem:s0+$0x10850] =	vst v5  }
0x1ee: {  	s1 =	sor.u32 s31, s30;
	[tilespmem:s0+$0x10860] =	vst v6  }
0x1ef: {  	[tilespmem:s1+$0x10870] =	vst v7  }
0x1f0: {  	[tilespmem:s1+$0x10800] =	vst v0  }
0x1f1: {  	[tilespmem:s1+$0x10810] =	vst v1  }
0x1f2: {  	[tilespmem:s1+$0x10820] =	vst v2  }
0x1f3: {  	[tilespmem:s1+$0x10830] =	vst v3  }
0x1f4: {  	[tilespmem:s1+$0x10840] =	vst v4  }
0x1f5: {  	[tilespmem:s1+$0x10850] =	vst v5  }
0x1f6: {  	s2 =	simm.s32 $0x0;
	[tilespmem:s1+$0x10860] =	vst v6  }
0x1f7: {  	[hbm4b:s16+s2] =	stream.linear.scatter [tilespmem:s25], [sflag:$0x2], $0x8000, $0x38;
	[tilespmem:$0x18400] =	vst v63  }
0x1f8: {  	v0 =	vld [tilespmem:$0x8300]  }
0x1f9: {  	v1 =	vld [tilespmem:$0x8310]  }
0x1fa: {  	v2 =	vld [tilespmem:$0x8320]  }
0x1fb: {  	v3 =	vld [tilespmem:$0x8330]  }
0x1fc: {  	v4 =	vld [tilespmem:$0x8340]  }
0x1fd: {  	v7 =	vld [tilespmem:$0x8370]  }
0x1fe: {  	v5 =	vld [tilespmem:$0x8350]  }
0x1ff: {  	v6 =	vld [tilespmem:$0x8360];
	_ =	swait.ge [sflag:s26], $0x8000  }
0x200: {  	s23 =	sand.u32 $0x7800, s2;
	s0 =	sand.u32 $0x380, s2;
	[sflag:s26] =	ssyncset.done $0x0  }
0x201: {  	s0 =	sor.u32 s0, s23;
	[sflag:s26] =	ssyncadd.s32 $0xFFFF8000  }
0x202: {  	[tilespmem:s0+$0x8870] =	vst v7  }
0x203: {  	[tilespmem:s0+$0x8800] =	vst v0  }
0x204: {  	[tilespmem:s0+$0x8810] =	vst v1  }
0x205: {  	[tilespmem:s0+$0x8820] =	vst v2  }
0x206: {  	[tilespmem:s0+$0x8830] =	vst v3  }
0x207: {  	s1 =	simm.s32 $0x80;
	s2 =	simm.s32 $0x100;
	[tilespmem:s0+$0x8840] =	vst v4  }
0x208: {  	s31 =	sand.u32 $0x380, s1;
	s30 =	sand.u32 $0x7800, s2;
	s2 =	simm.s32 $0x200;
	[tilespmem:s0+$0x8850] =	vst v5  }
.LBB2_28:
0x209: {  	p0 =	sne.s32 s2, $0x7F00;
	[tilespmem:s0+$0x8860] =	vst v6;
	s0 =	sor.u32 s31, s30  }
0x20a: {  	[tilespmem:s0+$0x8870] =	vst v7  }
0x20b: {  	[tilespmem:s0+$0x8800] =	vst v0  }
.Ltmp13:
0x20c: {  	[tilespmem:s0+$0x8810] =	vst v1;
	(pc) =	sbr.rel @p0 .LBB2_28-.Ltmp13, $4  }
0x20d: {  	[tilespmem:s0+$0x8820] =	vst v2  }
0x20e: {  	[tilespmem:s0+$0x8830] =	vst v3  }
0x20f: {  	s1 =	sadd.s32 $0x80, s1;
	[tilespmem:s0+$0x8840] =	vst v4  }
0x210: {  	s30 =	sand.u32 $0x7800, s2;
	s2 =	sadd.s32 $0x100, s2;
	s31 =	sand.u32 $0x380, s1;
	[tilespmem:s0+$0x8850] =	vst v5  }
0x211: {  	s1 =	sor.u32 s31, s30;
	[tilespmem:s0+$0x8860] =	vst v6  }
0x212: {  	[tilespmem:s1+$0x8870] =	vst v7  }
0x213: {  	[tilespmem:s1+$0x8800] =	vst v0  }
0x214: {  	[tilespmem:s1+$0x8810] =	vst v1  }
0x215: {  	[tilespmem:s1+$0x8820] =	vst v2  }
0x216: {  	[tilespmem:s1+$0x8830] =	vst v3  }
0x217: {  	[tilespmem:s1+$0x8840] =	vst v4  }
0x218: {  	[tilespmem:s1+$0x8850] =	vst v5  }
0x219: {  	s2 =	simm.s32 $0x0;
	[tilespmem:s1+$0x8860] =	vst v6  }
0x21a: {  	[hbm4b:s17+s2] =	stream.linear.scatter [tilespmem:s24], [sflag:$0x1], $0x8000, $0x38;
	[tilespmem:$0x18400] =	vst v63  }
0x21b: {  	_ =	swait.ge [sflag:s28], $0x8000  }
0x21c: {  	s23 =	sand.u32 $0x7800, s2;
	s0 =	sand.u32 $0x380, s2;
	[sflag:s28] =	ssyncset.done $0x0  }
0x21d: {  	s0 =	sor.u32 s0, s23;
	[sflag:s28] =	ssyncadd.s32 $0xFFFF8000  }
0x21e: {  	[tilespmem:s0+$0x10870] =	vst v7  }
0x21f: {  	[tilespmem:s0+$0x10800] =	vst v0  }
0x220: {  	[tilespmem:s0+$0x10810] =	vst v1  }
0x221: {  	[tilespmem:s0+$0x10820] =	vst v2  }
0x222: {  	[tilespmem:s0+$0x10830] =	vst v3  }
0x223: {  	s1 =	simm.s32 $0x80;
	s2 =	simm.s32 $0x100;
	[tilespmem:s0+$0x10840] =	vst v4  }
0x224: {  	s31 =	sand.u32 $0x380, s1;
	s30 =	sand.u32 $0x7800, s2;
	s2 =	simm.s32 $0x200;
	[tilespmem:s0+$0x10850] =	vst v5  }
.LBB2_30:
0x225: {  	p0 =	sne.s32 s2, $0x7F00;
	[tilespmem:s0+$0x10860] =	vst v6;
	s0 =	sor.u32 s31, s30  }
0x226: {  	[tilespmem:s0+$0x10870] =	vst v7  }
0x227: {  	[tilespmem:s0+$0x10800] =	vst v0  }
.Ltmp14:
0x228: {  	[tilespmem:s0+$0x10810] =	vst v1;
	(pc) =	sbr.rel @p0 .LBB2_30-.Ltmp14, $4  }
0x229: {  	[tilespmem:s0+$0x10820] =	vst v2  }
0x22a: {  	[tilespmem:s0+$0x10830] =	vst v3  }
0x22b: {  	s1 =	sadd.s32 $0x80, s1;
	[tilespmem:s0+$0x10840] =	vst v4  }
0x22c: {  	s30 =	sand.u32 $0x7800, s2;
	s2 =	sadd.s32 $0x100, s2;
	s31 =	sand.u32 $0x380, s1;
	[tilespmem:s0+$0x10850] =	vst v5  }
0x22d: {  	s1 =	sor.u32 s31, s30;
	[tilespmem:s0+$0x10860] =	vst v6  }
0x22e: {  	[tilespmem:s1+$0x10870] =	vst v7  }
0x22f: {  	[tilespmem:s1+$0x10800] =	vst v0  }
0x230: {  	[tilespmem:s1+$0x10810] =	vst v1  }
0x231: {  	[tilespmem:s1+$0x10820] =	vst v2  }
0x232: {  	[tilespmem:s1+$0x10830] =	vst v3  }
0x233: {  	[tilespmem:s1+$0x10840] =	vst v4  }
0x234: {  	[tilespmem:s1+$0x10850] =	vst v5  }
0x235: {  	s2 =	simm.s32 $0x0;
	[tilespmem:s1+$0x10860] =	vst v6  }
0x236: {  	[hbm4b:s18+s2] =	stream.linear.scatter [tilespmem:s25], [sflag:$0x2], $0x8000, $0x38;
	[tilespmem:$0x18400] =	vst v63  }
0x237: {  	v0 =	vld [tilespmem:$0x8380]  }
0x238: {  	v1 =	vld [tilespmem:$0x8390]  }
0x239: {  	v2 =	vld [tilespmem:$0x83A0]  }
0x23a: {  	v3 =	vld [tilespmem:$0x83B0]  }
0x23b: {  	v4 =	vld [tilespmem:$0x83C0]  }
0x23c: {  	v7 =	vld [tilespmem:$0x83F0]  }
0x23d: {  	v5 =	vld [tilespmem:$0x83D0]  }
0x23e: {  	v6 =	vld [tilespmem:$0x83E0];
	_ =	swait.ge [sflag:s26], $0x8000  }
0x23f: {  	s23 =	sand.u32 $0x7800, s2;
	s0 =	sand.u32 $0x380, s2;
	[sflag:s26] =	ssyncset.done $0x0  }
0x240: {  	s0 =	sor.u32 s0, s23;
	[sflag:s26] =	ssyncadd.s32 $0xFFFF8000  }
0x241: {  	[tilespmem:s0+$0x8870] =	vst v7  }
0x242: {  	[tilespmem:s0+$0x8800] =	vst v0  }
0x243: {  	[tilespmem:s0+$0x8810] =	vst v1  }
0x244: {  	[tilespmem:s0+$0x8820] =	vst v2  }
0x245: {  	[tilespmem:s0+$0x8830] =	vst v3  }
0x246: {  	s1 =	simm.s32 $0x80;
	s2 =	simm.s32 $0x100;
	[tilespmem:s0+$0x8840] =	vst v4  }
0x247: {  	s31 =	sand.u32 $0x380, s1;
	s30 =	sand.u32 $0x7800, s2;
	s2 =	simm.s32 $0x200;
	[tilespmem:s0+$0x8850] =	vst v5  }
.LBB2_32:
0x248: {  	p0 =	sne.s32 s2, $0x7F00;
	[tilespmem:s0+$0x8860] =	vst v6;
	s0 =	sor.u32 s31, s30  }
0x249: {  	[tilespmem:s0+$0x8870] =	vst v7  }
0x24a: {  	[tilespmem:s0+$0x8800] =	vst v0  }
.Ltmp15:
0x24b: {  	[tilespmem:s0+$0x8810] =	vst v1;
	(pc) =	sbr.rel @p0 .LBB2_32-.Ltmp15, $4  }
0x24c: {  	[tilespmem:s0+$0x8820] =	vst v2  }
0x24d: {  	[tilespmem:s0+$0x8830] =	vst v3  }
0x24e: {  	s1 =	sadd.s32 $0x80, s1;
	[tilespmem:s0+$0x8840] =	vst v4  }
0x24f: {  	s30 =	sand.u32 $0x7800, s2;
	s2 =	sadd.s32 $0x100, s2;
	s31 =	sand.u32 $0x380, s1;
	[tilespmem:s0+$0x8850] =	vst v5  }
0x250: {  	s1 =	sor.u32 s31, s30;
	[tilespmem:s0+$0x8860] =	vst v6  }
0x251: {  	[tilespmem:s1+$0x8870] =	vst v7  }
0x252: {  	[tilespmem:s1+$0x8800] =	vst v0  }
0x253: {  	[tilespmem:s1+$0x8810] =	vst v1  }
0x254: {  	[tilespmem:s1+$0x8820] =	vst v2  }
0x255: {  	[tilespmem:s1+$0x8830] =	vst v3  }
0x256: {  	[tilespmem:s1+$0x8840] =	vst v4  }
0x257: {  	[tilespmem:s1+$0x8850] =	vst v5  }
0x258: {  	s2 =	simm.s32 $0x0;
	[tilespmem:s1+$0x8860] =	vst v6  }
0x259: {  	[hbm4b:s19+s2] =	stream.linear.scatter [tilespmem:s24], [sflag:$0x1], $0x8000, $0x38;
	[tilespmem:$0x18400] =	vst v63  }
0x25a: {  	_ =	swait.ge [sflag:s28], $0x8000  }
0x25b: {  	s23 =	sand.u32 $0x7800, s2;
	s0 =	sand.u32 $0x380, s2;
	[sflag:s28] =	ssyncset.done $0x0  }
0x25c: {  	s0 =	sor.u32 s0, s23;
	[sflag:s28] =	ssyncadd.s32 $0xFFFF8000  }
0x25d: {  	[tilespmem:s0+$0x10870] =	vst v7  }
0x25e: {  	[tilespmem:s0+$0x10800] =	vst v0  }
0x25f: {  	[tilespmem:s0+$0x10810] =	vst v1  }
0x260: {  	[tilespmem:s0+$0x10820] =	vst v2  }
0x261: {  	[tilespmem:s0+$0x10830] =	vst v3  }
0x262: {  	s1 =	simm.s32 $0x80;
	s2 =	simm.s32 $0x100;
	[tilespmem:s0+$0x10840] =	vst v4  }
0x263: {  	s31 =	sand.u32 $0x380, s1;
	s30 =	sand.u32 $0x7800, s2;
	s2 =	simm.s32 $0x200;
	[tilespmem:s0+$0x10850] =	vst v5  }
.LBB2_34:
0x264: {  	p0 =	sne.s32 s2, $0x7F00;
	[tilespmem:s0+$0x10860] =	vst v6;
	s0 =	sor.u32 s31, s30  }
0x265: {  	[tilespmem:s0+$0x10870] =	vst v7  }
0x266: {  	[tilespmem:s0+$0x10800] =	vst v0  }
.Ltmp16:
0x267: {  	[tilespmem:s0+$0x10810] =	vst v1;
	(pc) =	sbr.rel @p0 .LBB2_34-.Ltmp16, $4  }
0x268: {  	[tilespmem:s0+$0x10820] =	vst v2  }
0x269: {  	[tilespmem:s0+$0x10830] =	vst v3  }
0x26a: {  	s1 =	sadd.s32 $0x80, s1;
	[tilespmem:s0+$0x10840] =	vst v4  }
0x26b: {  	s30 =	sand.u32 $0x7800, s2;
	s2 =	sadd.s32 $0x100, s2;
	s31 =	sand.u32 $0x380, s1;
	[tilespmem:s0+$0x10850] =	vst v5  }
0x26c: {  	s1 =	sor.u32 s31, s30;
	[tilespmem:s0+$0x10860] =	vst v6  }
0x26d: {  	[tilespmem:s1+$0x10870] =	vst v7  }
0x26e: {  	[tilespmem:s1+$0x10800] =	vst v0  }
0x26f: {  	[tilespmem:s1+$0x10810] =	vst v1  }
0x270: {  	[tilespmem:s1+$0x10820] =	vst v2  }
0x271: {  	[tilespmem:s1+$0x10830] =	vst v3  }
0x272: {  	[tilespmem:s1+$0x10840] =	vst v4  }
0x273: {  	[tilespmem:s1+$0x10850] =	vst v5  }
0x274: {  	s29 =	sadd.s32 $0x1, s29;
	[tilespmem:s1+$0x10860] =	vst v6  }
0x275: {  	[hbm4b:s20+s3] =	stream.linear.scatter [tilespmem:s25], [sflag:$0x2], $0x8000, $0x38;
	[tilespmem:$0x18400] =	vst v63  }
0x276: {  	p0 =	sne.s32 s29, s21;
	_ =	swait.ge [sflag:s26], $0x8000  }
.Ltmp17:
0x277: {  	[sflag:s26] =	ssyncset.done $0x0;
	(pc) =	sbr.rel @p0 .LBB2_1-.Ltmp17, $4  }
0x278: {  	[sflag:s26] =	ssyncadd.s32 $0xFFFF8000  }
0x279: {  	_ =	swait.ge [sflag:s28], $0x8000  }
0x27a: {  	[sflag:s28] =	ssyncset.done $0x0  }
0x27b: {  	[sflag:s28] =	ssyncadd.s32 $0xFFFF8000  }
0x27c: {  	_ =	sfence.sel $0x180000  }
0x27d: {  	[bflag:$0x0] =	sbarrier.arrive $0xFFFF  }
0x27e: {  	_ =	strace $0x90000047  }
0x27f: {  	s0 =	stileid.u32;
	[bflag:$0x2] =	sbarrier.arrive $0xFFFF  }
0x280: {  	p0 =	sne.s32 s0, $0x0;
	s0 =	rddreg [dreg:$0x3]  }
0x281: {  	s0 =	sadd.s32 @!p0 $0x100000, s0  }
0x282: {  	[sflag:s0] =	ssyncadd.tile.s32 @!p0 $0x1;
	_ =	shalt  }
.Lfunc_end2:
_tile_overlayer_lowered:
.L_overlay_start_2:
0x283: {  	(tag) =	ssettag $0x2  }
0x284: {  	s0 =	rddreg [dreg:$0x0];
	s2 =	stileid.u32  }
0x285: {  	s1 =	rddreg [dreg:$0x1];
	p0 =	sne.s32 s2, $0x0  }
0x286: {  	s3 =	rddreg [dreg:$0x2];
	[bflag:$0x3] =	sbarrier.arrive $0xFFFF;
	s2 =	simm.s32 @!p0 $0x1C03  }
0x287: {  	[timem:s3], [sflag:s2] =	dma.local @!p0 [hbm:s0], s1  }
0x288: {  	s0 =	simm.s32 @!p0 $0x3  }
0x289: {  	_ =	swait.ge @!p0 [sflag:s0], s1  }
0x28a: {  	s1 =	ssub.s32 @!p0 $0x0, s1;
	[sflag:s0] =	ssyncset.done @!p0 $0x0  }
0x28b: {  	[sflag:s0] =	ssyncadd.s32 @!p0 s1  }
0x28c: {  	[bflag:$0x3] =	sbarrier.arrive $0xFFFF  }
0x28d: {  	_ =	shalt  }

</sc_bundles>
